<compile_context>
chip_gen: v7x
topology: tpu7x:2x2x1
jax: 0.10.2.dev20260603
libtpu: 0.0.44.dev20260713+nightly
codegen_flags: <defaults>
</compile_context>

<pallas_src>
import functools

import jax
import jax.numpy as jnp
from jax import lax
from jax.experimental import pallas as pl
from jax.experimental.pallas import tpu as pltpu
from jax.experimental.pallas import tpu_sc as plsc

N = 10000
E = 320000
D_IN = 128
D_OUT = 128
D_HID = 256

NC = 2
NS = 16
CH = 128

NPAD = 10240
ROWS_PER_TILE = NPAD // NS
EPAD = 327680
EALLOC = EPAD + 2 * CH
NCHUNK = EALLOC // CH
CPT_HALF = EPAD // (NC * NS * CH)
CPT_FULL = EPAD // (NS * CH)


def _sc_mesh():
    return plsc.VectorSubcoreMesh(
        core_axis_name="c", subcore_axis_name="s", num_cores=NC, num_subcores=NS
    )


def _make_deg_kernel(width):
    def body(dst_hbm, ones_hbm, z8_hbm, out_hbm, dst_i, dst_i2, ones_v, acc,
             sem, sem2):
        c = lax.axis_index("c")
        s = lax.axis_index("s")
        row0 = s * ROWS_PER_TILE
        pltpu.sync_copy(z8_hbm.at[pl.ds(row0, ROWS_PER_TILE)],
                        acc.at[pl.ds(row0, ROWS_PER_TILE)])
        pltpu.sync_copy(ones_hbm, ones_v)
        plsc.subcore_barrier()
        base = (c * NS + s) * (CPT_HALF * CH)

        def load(buf, j):
            pltpu.sync_copy(dst_hbm.at[pl.ds(base + j * CH, CH)], buf)

        def start(buf, sm):
            pltpu.async_copy(ones_v, acc.at[buf], sm, add=True)

        def wait(buf, sm):
            pltpu.make_async_copy(ones_v, acc.at[buf], sm).wait()

        load(dst_i, 0)
        start(dst_i, sem)
        load(dst_i2, 1)
        start(dst_i2, sem2)

        def chunk(p, carry):
            wait(dst_i, sem)
            load(dst_i, 2 * p)
            start(dst_i, sem)
            wait(dst_i2, sem2)
            load(dst_i2, 2 * p + 1)
            start(dst_i2, sem2)
            return carry

        lax.fori_loop(1, CPT_HALF // 2, chunk, 0)
        wait(dst_i, sem)
        wait(dst_i2, sem2)
        plsc.subcore_barrier()
        pltpu.sync_copy(acc.at[pl.ds(row0, ROWS_PER_TILE)],
                        out_hbm.at[c, pl.ds(row0, ROWS_PER_TILE)])

    return pl.kernel(
        body,
        out_type=jax.ShapeDtypeStruct((NC, NPAD, width), jnp.float32),
        mesh=_sc_mesh(),
        scratch_types=[
            pltpu.VMEM((CH,), jnp.int32),
            pltpu.VMEM((CH,), jnp.int32),
            pltpu.VMEM((CH, width), jnp.float32),
            pltpu.VMEM_SHARED((NPAD, width), jnp.float32),
            pltpu.SemaphoreType.DMA,
            pltpu.SemaphoreType.DMA,
        ],
    )


DEG_W = 128
_deg_kernel = _make_deg_kernel(DEG_W)


def _scatter_tile_loop(eidx_hbm, table_hbm, cbase, nchunks, ibufs, isems,
                       rows, gsems, ssems, acc):
    def i_start(k, j):
        pltpu.async_copy(eidx_hbm.at[cbase + j], ibufs[k], isems[k])

    def i_wait(k, j):
        pltpu.make_async_copy(eidx_hbm.at[cbase + j], ibufs[k], isems[k]).wait()

    def g_start(k, r):
        pltpu.async_copy(table_hbm.at[ibufs[k].at[0]], rows[r], gsems[r])

    def g_wait(k, r):
        pltpu.make_async_copy(table_hbm.at[ibufs[k].at[0]], rows[r],
                              gsems[r]).wait()

    def s_start(k, r):
        pltpu.async_copy(rows[r], acc.at[ibufs[k].at[1]], ssems[r], add=True)

    def s_wait(k, r):
        pltpu.make_async_copy(rows[r], acc.at[ibufs[k].at[1]],
                              ssems[r]).wait()

    def step(j, k, r, first):
        i_wait(k, j)
        if not first:
            s_wait((k + 2) % 4, r)
        i_start((k + 2) % 4, j + 2)
        g_start(k, r)
        g_wait(k, r)
        s_start(k, r)

    i_start(0, 0)
    i_start(1, 1)
    step(0, 0, 0, True)
    step(1, 1, 1, True)
    step(2, 2, 0, False)
    step(3, 3, 1, False)

    def quad(q, carry):
        j = 4 * q
        step(j + 0, 0, 0, False)
        step(j + 1, 1, 1, False)
        step(j + 2, 2, 0, False)
        step(j + 3, 3, 1, False)
        return carry

    lax.fori_loop(1, nchunks // 4, quad, 0)
    s_wait(2, 0)
    s_wait(3, 1)
    i_wait(0, nchunks)
    i_wait(1, nchunks + 1)


def _make_scatter_pass(edge_split):
    def body(eidx_hbm, t0_hbm, t1_hbm, z_hbm, out_hbm,
             i0, i1, i2, i3, is0, is1, is2, is3,
             r0, r1, gs0, gs1, ss0, ss1, acc):
        c = lax.axis_index("c")
        s = lax.axis_index("s")
        row0 = s * ROWS_PER_TILE
        pltpu.sync_copy(z_hbm.at[pl.ds(row0, ROWS_PER_TILE)],
                        acc.at[pl.ds(row0, ROWS_PER_TILE)])
        plsc.subcore_barrier()
        ibufs = (i0, i1, i2, i3)
        isems = (is0, is1, is2, is3)
        rows = (r0, r1)
        gsems = (gs0, gs1)
        ssems = (ss0, ss1)
        if edge_split:
            cbase = (c * NS + s) * CPT_HALF
            _scatter_tile_loop(eidx_hbm, t0_hbm, cbase, CPT_HALF,
                               ibufs, isems, rows, gsems, ssems, acc)
        else:
            cbase = s * CPT_FULL

            @pl.when(c == 0)
            def _():
                _scatter_tile_loop(eidx_hbm, t0_hbm, cbase, CPT_FULL,
                                   ibufs, isems, rows, gsems, ssems, acc)

            @pl.when(c == 1)
            def _():
                _scatter_tile_loop(eidx_hbm, t1_hbm, cbase, CPT_FULL,
                                   ibufs, isems, rows, gsems, ssems, acc)

        plsc.subcore_barrier()
        pltpu.sync_copy(acc.at[pl.ds(row0, ROWS_PER_TILE)],
                        out_hbm.at[c, pl.ds(row0, ROWS_PER_TILE)])

    return pl.kernel(
        body,
        out_type=jax.ShapeDtypeStruct((NC, NPAD, 128), jnp.float32),
        mesh=_sc_mesh(),
        scratch_types=(
            [pltpu.VMEM((2, CH), jnp.int32)] * 4
            + [pltpu.SemaphoreType.DMA] * 4
            + [pltpu.VMEM((CH, 128), jnp.float32)] * 2
            + [pltpu.SemaphoreType.DMA] * 4
            + [pltpu.VMEM_SHARED((NPAD, 128), jnp.float32)]
        ),
    )


_scatter_edge_split = _make_scatter_pass(True)
_scatter_feat_split = _make_scatter_pass(False)


def _tc_b_body(dacc_ref, x_ref, dinv_ref, u_ref):
    deg = 1.0 + dacc_ref[0, :, 0:1] + dacc_ref[1, :, 0:1]
    dinv = lax.rsqrt(deg)
    dinv_ref[...] = dinv
    u_ref[...] = x_ref[...] * dinv


def _tc_b(dacc, x_pad):
    rb = 1280
    grid = NPAD // rb
    return pl.pallas_call(
        _tc_b_body,
        grid=(grid,),
        in_specs=[
            pl.BlockSpec((NC, rb, DEG_W), lambda i: (0, i, 0)),
            pl.BlockSpec((rb, D_IN), lambda i: (i, 0)),
        ],
        out_specs=[
            pl.BlockSpec((rb, 1), lambda i: (i, 0)),
            pl.BlockSpec((rb, D_IN), lambda i: (i, 0)),
        ],
        out_shape=[
            jax.ShapeDtypeStruct((NPAD, 1), jnp.float32),
            jax.ShapeDtypeStruct((NPAD, D_IN), jnp.float32),
        ],
    )(dacc, x_pad)


def _tc_d_body(s1_ref, u_ref, dinv_ref, w1_ref, b1_ref, hs0_ref, hs1_ref):
    i = pl.program_id(0)
    rb = hs0_ref.shape[0]
    dinv = dinv_ref[...]
    t = dinv * (s1_ref[0] + s1_ref[1] + u_ref[...])
    h = jnp.maximum(jnp.dot(t, w1_ref[...],
                            preferred_element_type=jnp.float32)
                    + b1_ref[...], 0.0)
    hs = dinv * h
    rows = i * rb + lax.broadcasted_iota(jnp.int32, (rb, 1), 0)
    hs = jnp.where(rows < N, hs, 0.0)
    hs0_ref[...] = hs[:, :128]
    hs1_ref[...] = hs[:, 128:]


def _tc_d(s1, u, dinv, w1, b1):
    rb = 1280
    grid = NPAD // rb
    return pl.pallas_call(
        _tc_d_body,
        grid=(grid,),
        in_specs=[
            pl.BlockSpec((NC, rb, 128), lambda i: (0, i, 0)),
            pl.BlockSpec((rb, D_IN), lambda i: (i, 0)),
            pl.BlockSpec((rb, 1), lambda i: (i, 0)),
            pl.BlockSpec((D_IN, D_HID), lambda i: (0, 0)),
            pl.BlockSpec((1, D_HID), lambda i: (0, 0)),
        ],
        out_specs=[
            pl.BlockSpec((rb, 128), lambda i: (i, 0)),
            pl.BlockSpec((rb, 128), lambda i: (i, 0)),
        ],
        out_shape=[
            jax.ShapeDtypeStruct((NPAD, 128), jnp.float32),
            jax.ShapeDtypeStruct((NPAD, 128), jnp.float32),
        ],
    )(s1, u, dinv, w1, b1)


def _tc_f_body(s2_ref, hs0_ref, hs1_ref, dinv_ref, wmu_ref, bmu_ref,
               wlv_ref, blv_ref, mu_ref, lv_ref):
    dinv = dinv_ref[...]
    s0 = dinv * (s2_ref[0] + hs0_ref[...])
    s1 = dinv * (s2_ref[1] + hs1_ref[...])
    mu_ref[...] = (jnp.dot(s0, wmu_ref[:128, :],
                           preferred_element_type=jnp.float32)
                   + jnp.dot(s1, wmu_ref[128:, :],
                             preferred_element_type=jnp.float32)
                   + bmu_ref[...])
    lv_ref[...] = (jnp.dot(s0, wlv_ref[:128, :],
                           preferred_element_type=jnp.float32)
                   + jnp.dot(s1, wlv_ref[128:, :],
                             preferred_element_type=jnp.float32)
                   + blv_ref[...])


def _tc_f(s2, hs0, hs1, dinv, wmu, bmu, wlv, blv):
    rb = 1000
    grid = N // rb
    return pl.pallas_call(
        _tc_f_body,
        grid=(grid,),
        in_specs=[
            pl.BlockSpec((NC, rb, 128), lambda i: (0, i, 0)),
            pl.BlockSpec((rb, 128), lambda i: (i, 0)),
            pl.BlockSpec((rb, 128), lambda i: (i, 0)),
            pl.BlockSpec((rb, 1), lambda i: (i, 0)),
            pl.BlockSpec((D_HID, D_OUT), lambda i: (0, 0)),
            pl.BlockSpec((1, D_OUT), lambda i: (0, 0)),
            pl.BlockSpec((D_HID, D_OUT), lambda i: (0, 0)),
            pl.BlockSpec((1, D_OUT), lambda i: (0, 0)),
        ],
        out_specs=[
            pl.BlockSpec((rb, D_OUT), lambda i: (i, 0)),
            pl.BlockSpec((rb, D_OUT), lambda i: (i, 0)),
        ],
        out_shape=[
            jax.ShapeDtypeStruct((N, D_OUT), jnp.float32),
            jax.ShapeDtypeStruct((N, D_OUT), jnp.float32),
        ],
    )(s2, hs0, hs1, dinv, wmu, bmu, wlv, blv)


@jax.jit
def kernel(x, edge_index, W1, b1, Wmu, bmu, Wlv, blv):
    pad = N + jnp.arange(EALLOC - E, dtype=jnp.int32) % (NPAD - N)
    src = jnp.concatenate([edge_index[0], pad])
    dst = jnp.concatenate([edge_index[1], pad])
    x_pad = jnp.concatenate(
        [x, jnp.zeros((NPAD - N, D_IN), jnp.float32)], axis=0)
    z8 = jnp.zeros((NPAD, DEG_W), jnp.float32)
    z128 = jnp.zeros((NPAD, 128), jnp.float32)
    ones8 = jnp.ones((CH, DEG_W), jnp.float32)

    eidx = jnp.stack([src, dst]).reshape(2, NCHUNK, CH).transpose(1, 0, 2)

    dacc = _deg_kernel(dst, ones8, z8)
    dinv, u = _tc_b(dacc, x_pad)
    s1 = _scatter_edge_split(eidx, u, u, z128)
    hs0, hs1 = _tc_d(s1, u, dinv, W1, b1.reshape(1, D_HID))
    s2 = _scatter_feat_split(eidx, hs0, hs1, z128)
    mu, lv = _tc_f(s2, hs0, hs1, dinv, Wmu, bmu.reshape(1, D_OUT),
                   Wlv, blv.reshape(1, D_OUT))
    return (mu, lv)

# --- scband reference (transcript-rebuilt; emitter-appended) ---
"""Pipeline reference for scband-encoder-22299470201444 (READ-ONLY COPY).

The authoritative reference and input builder live on the scoring server;
editing this copy changes nothing except your own understanding.
"""

import jax, jax.numpy as jnp
import numpy as np

N = 10000
E = 320000
D_IN = 128
D_OUT = 128
D_HID = 2 * D_OUT


def _glorot(key, fan_in, fan_out):
    scale = jnp.sqrt(6.0 / (fan_in + fan_out))
    return jax.random.uniform(key, (fan_in, fan_out), dtype=jnp.float32, minval=-scale, maxval=scale)


def setup_inputs(seed: int = 0):
    key = jax.random.key(seed)
    ks = jax.random.split(key, 8)
    x = jax.random.normal(ks[0], (N, D_IN), dtype=jnp.float32)
    edge_index = jax.random.randint(ks[1], (2, E), 0, N, dtype=jnp.int32)
    W1 = _glorot(ks[2], D_IN, D_HID)
    b1 = jnp.zeros((D_HID,), dtype=jnp.float32)
    Wmu = _glorot(ks[3], D_HID, D_OUT)
    bmu = jnp.zeros((D_OUT,), dtype=jnp.float32)
    Wlv = _glorot(ks[4], D_HID, D_OUT)
    blv = jnp.zeros((D_OUT,), dtype=jnp.float32)
    return {"x": x, "edge_index": edge_index, "W1": W1, "b1": b1, "Wmu": Wmu, "bmu": bmu, "Wlv": Wlv, "blv": blv}


def _gcn_conv(x, W, b, src, dst, norm, n):
    h = x @ W
    msg = h[src] * norm[:, None]
    out = jnp.zeros((n, W.shape[1]), dtype=x.dtype).at[dst].add(msg)
    return out + b


def reference(x, edge_index, W1, b1, Wmu, bmu, Wlv, blv):
    loop = jnp.arange(N, dtype=edge_index.dtype)
    src = jnp.concatenate([edge_index[0], loop])
    dst = jnp.concatenate([edge_index[1], loop])
    deg = jnp.zeros((N,), dtype=x.dtype).at[dst].add(1.0)
    dinv = jnp.where(deg > 0, 1.0 / jnp.sqrt(deg), 0.0)
    norm = dinv[src] * dinv[dst]
    h = jax.nn.relu(_gcn_conv(x, W1, b1, src, dst, norm, N))
    mu = _gcn_conv(h, Wmu, bmu, src, dst, norm, N)
    logvar = _gcn_conv(h, Wlv, blv, src, dst, norm, N)
    return (mu, logvar)

if __name__ == "__main__":
    import jax
    _d = setup_inputs()
    print(jax.jit(kernel)(*tuple(_d.values())))

</pallas_src>

<mosaic_0001>
#map = affine_map<(d0, d1) -> (0, 0, 0)>
#map1 = affine_map<(d0, d1) -> (0, 0)>
module attributes {stable_mosaic.version = 14 : i64} {
  func.func @body(%arg0: i32, %arg1: i32, %arg2: memref<2562x2x128xi32, #tpu.memory_space<hbm>>, %arg3: memref<10240x128xf32, #tpu.memory_space<hbm>>, %arg4: memref<10240x128xf32, #tpu.memory_space<hbm>>, %arg5: memref<10240x128xf32, #tpu.memory_space<hbm>>, %arg6: memref<2x10240x128xf32, #tpu.memory_space<hbm>>, %arg7: memref<2x128xi32, #tpu.memory_space<vmem>>, %arg8: memref<2x128xi32, #tpu.memory_space<vmem>>, %arg9: memref<2x128xi32, #tpu.memory_space<vmem>>, %arg10: memref<2x128xi32, #tpu.memory_space<vmem>>, %arg11: memref<!tpu.dma_semaphore, #tpu.memory_space<semaphore_mem>>, %arg12: memref<!tpu.dma_semaphore, #tpu.memory_space<semaphore_mem>>, %arg13: memref<!tpu.dma_semaphore, #tpu.memory_space<semaphore_mem>>, %arg14: memref<!tpu.dma_semaphore, #tpu.memory_space<semaphore_mem>>, %arg15: memref<128x128xf32, #tpu.memory_space<vmem>>, %arg16: memref<128x128xf32, #tpu.memory_space<vmem>>, %arg17: memref<!tpu.dma_semaphore, #tpu.memory_space<semaphore_mem>>, %arg18: memref<!tpu.dma_semaphore, #tpu.memory_space<semaphore_mem>>, %arg19: memref<!tpu.dma_semaphore, #tpu.memory_space<semaphore_mem>>, %arg20: memref<!tpu.dma_semaphore, #tpu.memory_space<semaphore_mem>>, %arg21: memref<10240x128xf32, #tpu.memory_space<vmem_shared>>) attributes {dimension_semantics = [#tpu.dimension_semantics<core_parallel>, #tpu.dimension_semantics<subcore_parallel>], iteration_bounds = array<i64: 2, 16>, scalar_prefetch = 0 : i64, scratch_operands = 15 : i64, tpu.core_type = #tpu.core_type<sc_vector_subcore>, window_params = [{transform_indices = #map}, {transform_indices = #map1}, {transform_indices = #map1}, {transform_indices = #map1}, {transform_indices = #map}]} {
    %mul3A = arith.constant 640 : i32
    %mul3A_0 = arith.muli %arg1, %mul3A : i32
    "tpu.region"() ({
      %run_scoped3A = tpu.sem_alloc : memref<!tpu.dma_semaphore, #tpu.memory_space<semaphore_mem>>
      %dma_start3A_241 = arith.constant 0 : i32
      %dma_start3A_242 = tpu.memref_slice %arg21[%mul3A_0, %dma_start3A_241] : memref<10240x128xf32, #tpu.memory_space<vmem_shared>> -> memref<640x128xf32, #tpu.memory_space<vmem_shared>>
      %dma_start3A_243 = arith.constant 0 : i32
      %dma_start3A_244 = tpu.memref_slice %arg5[%mul3A_0, %dma_start3A_243] : memref<10240x128xf32, #tpu.memory_space<hbm>> -> memref<640x128xf32, #tpu.memory_space<hbm>>
      tpu.enqueue_dma source(%dma_start3A_244 : memref<640x128xf32, #tpu.memory_space<hbm>>) target(%dma_start3A_242 : memref<640x128xf32, #tpu.memory_space<vmem_shared>>) target_semaphore(%run_scoped3A : memref<!tpu.dma_semaphore, #tpu.memory_space<semaphore_mem>>)
      %dma_wait3A_245 = arith.constant 0 : i32
      %dma_wait3A_246 = tpu.memref_slice %arg21[%mul3A_0, %dma_wait3A_245] : memref<10240x128xf32, #tpu.memory_space<vmem_shared>> -> memref<640x128xf32, #tpu.memory_space<vmem_shared>>
      %dma_wait3A_247 = arith.constant 0 : i32
      %dma_wait3A_248 = tpu.memref_slice %arg5[%mul3A_0, %dma_wait3A_247] : memref<10240x128xf32, #tpu.memory_space<hbm>> -> memref<640x128xf32, #tpu.memory_space<hbm>>
      tpu.wait_dma2 semaphore(%run_scoped3A : memref<!tpu.dma_semaphore, #tpu.memory_space<semaphore_mem>>) src(%dma_wait3A_248 : memref<640x128xf32, #tpu.memory_space<hbm>>) dst(%dma_wait3A_246 : memref<640x128xf32, #tpu.memory_space<vmem_shared>>)
      tpu.yield
    }) : () -> ()
    %barrier3A = arith.constant 0 : index
    tpu.barrier barrier_id(%barrier3A)
    %mul3A_1 = arith.constant 16 : i32
    %mul3A_2 = arith.muli %arg0, %mul3A_1 : i32
    %add3A = arith.addi %mul3A_2, %arg1 : i32
    %mul3A_3 = arith.constant 80 : i32
    %mul3A_4 = arith.muli %add3A, %mul3A_3 : i32
    %add3A_5 = arith.constant 0 : i32
    %add3A_6 = arith.addi %mul3A_4, %add3A_5 : i32
    %dma_start3A = arith.constant 0 : i32
    %dma_start3A_7 = arith.constant 0 : i32
    %dma_start3A_8 = tpu.memref_slice %arg2[%add3A_6, %dma_start3A, %dma_start3A_7] : memref<2562x2x128xi32, #tpu.memory_space<hbm>> -> memref<1x2x128xi32, #tpu.memory_space<hbm>>
    %dma_start3A_9 = tpu.memref_squeeze %dma_start3A_8 : memref<1x2x128xi32, #tpu.memory_space<hbm>> -> memref<2x128xi32, #tpu.memory_space<hbm>>
    %dma_start3A_10 = arith.constant 0 : i32
    %dma_start3A_11 = arith.constant 0 : i32
    %dma_start3A_12 = tpu.memref_slice %arg2[%add3A_6, %dma_start3A_10, %dma_start3A_11] : memref<2562x2x128xi32, #tpu.memory_space<hbm>> -> memref<1x2x128xi32, #tpu.memory_space<hbm>>
    %dma_start3A_13 = tpu.memref_squeeze %dma_start3A_12 : memref<1x2x128xi32, #tpu.memory_space<hbm>> -> memref<2x128xi32, #tpu.memory_space<hbm>>
    tpu.enqueue_dma source(%dma_start3A_13 : memref<2x128xi32, #tpu.memory_space<hbm>>) target(%arg7 : memref<2x128xi32, #tpu.memory_space<vmem>>) target_semaphore(%arg11 : memref<!tpu.dma_semaphore, #tpu.memory_space<semaphore_mem>>)
    %add3A_14 = arith.constant 1 : i32
    %add3A_15 = arith.addi %mul3A_4, %add3A_14 : i32
    %dma_start3A_16 = arith.constant 0 : i32
    %dma_start3A_17 = arith.constant 0 : i32
    %dma_start3A_18 = tpu.memref_slice %arg2[%add3A_15, %dma_start3A_16, %dma_start3A_17] : memref<2562x2x128xi32, #tpu.memory_space<hbm>> -> memref<1x2x128xi32, #tpu.memory_space<hbm>>
    %dma_start3A_19 = tpu.memref_squeeze %dma_start3A_18 : memref<1x2x128xi32, #tpu.memory_space<hbm>> -> memref<2x128xi32, #tpu.memory_space<hbm>>
    %dma_start3A_20 = arith.constant 0 : i32
    %dma_start3A_21 = arith.constant 0 : i32
    %dma_start3A_22 = tpu.memref_slice %arg2[%add3A_15, %dma_start3A_20, %dma_start3A_21] : memref<2562x2x128xi32, #tpu.memory_space<hbm>> -> memref<1x2x128xi32, #tpu.memory_space<hbm>>
    %dma_start3A_23 = tpu.memref_squeeze %dma_start3A_22 : memref<1x2x128xi32, #tpu.memory_space<hbm>> -> memref<2x128xi32, #tpu.memory_space<hbm>>
    tpu.enqueue_dma source(%dma_start3A_23 : memref<2x128xi32, #tpu.memory_space<hbm>>) target(%arg8 : memref<2x128xi32, #tpu.memory_space<vmem>>) target_semaphore(%arg12 : memref<!tpu.dma_semaphore, #tpu.memory_space<semaphore_mem>>)
    %add3A_24 = arith.constant 0 : i32
    %add3A_25 = arith.addi %mul3A_4, %add3A_24 : i32
    %dma_wait3A = arith.constant 0 : i32
    %dma_wait3A_26 = arith.constant 0 : i32
    %dma_wait3A_27 = tpu.memref_slice %arg2[%add3A_25, %dma_wait3A, %dma_wait3A_26] : memref<2562x2x128xi32, #tpu.memory_space<hbm>> -> memref<1x2x128xi32, #tpu.memory_space<hbm>>
    %dma_wait3A_28 = tpu.memref_squeeze %dma_wait3A_27 : memref<1x2x128xi32, #tpu.memory_space<hbm>> -> memref<2x128xi32, #tpu.memory_space<hbm>>
    %dma_wait3A_29 = arith.constant 0 : i32
    %dma_wait3A_30 = arith.constant 0 : i32
    %dma_wait3A_31 = tpu.memref_slice %arg2[%add3A_25, %dma_wait3A_29, %dma_wait3A_30] : memref<2562x2x128xi32, #tpu.memory_space<hbm>> -> memref<1x2x128xi32, #tpu.memory_space<hbm>>
    %dma_wait3A_32 = tpu.memref_squeeze %dma_wait3A_31 : memref<1x2x128xi32, #tpu.memory_space<hbm>> -> memref<2x128xi32, #tpu.memory_space<hbm>>
    tpu.wait_dma2 semaphore(%arg11 : memref<!tpu.dma_semaphore, #tpu.memory_space<semaphore_mem>>) src(%dma_wait3A_32 : memref<2x128xi32, #tpu.memory_space<hbm>>) dst(%arg7 : memref<2x128xi32, #tpu.memory_space<vmem>>)
    %add3A_33 = arith.constant 2 : i32
    %add3A_34 = arith.addi %mul3A_4, %add3A_33 : i32
    %dma_start3A_35 = arith.constant 0 : i32
    %dma_start3A_36 = arith.constant 0 : i32
    %dma_start3A_37 = tpu.memref_slice %arg2[%add3A_34, %dma_start3A_35, %dma_start3A_36] : memref<2562x2x128xi32, #tpu.memory_space<hbm>> -> memref<1x2x128xi32, #tpu.memory_space<hbm>>
    %dma_start3A_38 = tpu.memref_squeeze %dma_start3A_37 : memref<1x2x128xi32, #tpu.memory_space<hbm>> -> memref<2x128xi32, #tpu.memory_space<hbm>>
    %dma_start3A_39 = arith.constant 0 : i32
    %dma_start3A_40 = arith.constant 0 : i32
    %dma_start3A_41 = tpu.memref_slice %arg2[%add3A_34, %dma_start3A_39, %dma_start3A_40] : memref<2562x2x128xi32, #tpu.memory_space<hbm>> -> memref<1x2x128xi32, #tpu.memory_space<hbm>>
    %dma_start3A_42 = tpu.memref_squeeze %dma_start3A_41 : memref<1x2x128xi32, #tpu.memory_space<hbm>> -> memref<2x128xi32, #tpu.memory_space<hbm>>
    tpu.enqueue_dma source(%dma_start3A_42 : memref<2x128xi32, #tpu.memory_space<hbm>>) target(%arg9 : memref<2x128xi32, #tpu.memory_space<vmem>>) target_semaphore(%arg13 : memref<!tpu.dma_semaphore, #tpu.memory_space<semaphore_mem>>)
    %dma_start3A_43 = arith.constant 0 : i32
    %dma_start3A_44 = arith.constant 0 : i32
    %dma_start3A_45 = tpu.memref_slice %arg7[%dma_start3A_43, %dma_start3A_44] : memref<2x128xi32, #tpu.memory_space<vmem>> -> memref<1x128xi32, #tpu.memory_space<vmem>>
    %dma_start3A_46 = tpu.memref_squeeze %dma_start3A_45 : memref<1x128xi32, #tpu.memory_space<vmem>> -> memref<128xi32, #tpu.memory_space<vmem>>
    %dma_start3A_47 = arith.constant 0 : i32
    %dma_start3A_48 = arith.constant 0 : i32
    %dma_start3A_49 = tpu.memref_slice %arg3[%dma_start3A_47, %dma_start3A_48] : memref<10240x128xf32, #tpu.memory_space<hbm>> -> memref<10240x128xf32, #tpu.memory_space<hbm>>
    tpu.enqueue_indirect_dma source(%dma_start3A_49 : memref<10240x128xf32, #tpu.memory_space<hbm>>) target(%arg15 : memref<128x128xf32, #tpu.memory_space<vmem>>) offsets(%dma_start3A_46 : memref<128xi32, #tpu.memory_space<vmem>>) semaphore(%arg17 : memref<!tpu.dma_semaphore, #tpu.memory_space<semaphore_mem>>)
    %dma_wait3A_50 = arith.constant 0 : i32
    %dma_wait3A_51 = arith.constant 0 : i32
    %dma_wait3A_52 = tpu.memref_slice %arg7[%dma_wait3A_50, %dma_wait3A_51] : memref<2x128xi32, #tpu.memory_space<vmem>> -> memref<1x128xi32, #tpu.memory_space<vmem>>
    %dma_wait3A_53 = tpu.memref_squeeze %dma_wait3A_52 : memref<1x128xi32, #tpu.memory_space<vmem>> -> memref<128xi32, #tpu.memory_space<vmem>>
    %dma_wait3A_54 = arith.constant 0 : i32
    %dma_wait3A_55 = arith.constant 0 : i32
    %dma_wait3A_56 = tpu.memref_slice %arg3[%dma_wait3A_54, %dma_wait3A_55] : memref<10240x128xf32, #tpu.memory_space<hbm>> -> memref<10240x128xf32, #tpu.memory_space<hbm>>
    tpu.wait_indirect_dma semaphore(%arg17 : memref<!tpu.dma_semaphore, #tpu.memory_space<semaphore_mem>>) src(%dma_wait3A_56 : memref<10240x128xf32, #tpu.memory_space<hbm>>) dst(%arg15 : memref<128x128xf32, #tpu.memory_space<vmem>>)
    %dma_start3A_57 = arith.constant 1 : i32
    %dma_start3A_58 = arith.constant 0 : i32
    %dma_start3A_59 = tpu.memref_slice %arg7[%dma_start3A_57, %dma_start3A_58] : memref<2x128xi32, #tpu.memory_space<vmem>> -> memref<1x128xi32, #tpu.memory_space<vmem>>
    %dma_start3A_60 = tpu.memref_squeeze %dma_start3A_59 : memref<1x128xi32, #tpu.memory_space<vmem>> -> memref<128xi32, #tpu.memory_space<vmem>>
    %dma_start3A_61 = arith.constant 0 : i32
    %dma_start3A_62 = arith.constant 0 : i32
    %dma_start3A_63 = tpu.memref_slice %arg21[%dma_start3A_61, %dma_start3A_62] : memref<10240x128xf32, #tpu.memory_space<vmem_shared>> -> memref<10240x128xf32, #tpu.memory_space<vmem_shared>>
    tpu.enqueue_indirect_dma source(%arg15 : memref<128x128xf32, #tpu.memory_space<vmem>>) target(%dma_start3A_63 : memref<10240x128xf32, #tpu.memory_space<vmem_shared>>) offsets(%dma_start3A_60 : memref<128xi32, #tpu.memory_space<vmem>>) semaphore(%arg19 : memref<!tpu.dma_semaphore, #tpu.memory_space<semaphore_mem>>) {add = true}
    %add3A_64 = arith.constant 1 : i32
    %add3A_65 = arith.addi %mul3A_4, %add3A_64 : i32
    %dma_wait3A_66 = arith.constant 0 : i32
    %dma_wait3A_67 = arith.constant 0 : i32
    %dma_wait3A_68 = tpu.memref_slice %arg2[%add3A_65, %dma_wait3A_66, %dma_wait3A_67] : memref<2562x2x128xi32, #tpu.memory_space<hbm>> -> memref<1x2x128xi32, #tpu.memory_space<hbm>>
    %dma_wait3A_69 = tpu.memref_squeeze %dma_wait3A_68 : memref<1x2x128xi32, #tpu.memory_space<hbm>> -> memref<2x128xi32, #tpu.memory_space<hbm>>
    %dma_wait3A_70 = arith.constant 0 : i32
    %dma_wait3A_71 = arith.constant 0 : i32
    %dma_wait3A_72 = tpu.memref_slice %arg2[%add3A_65, %dma_wait3A_70, %dma_wait3A_71] : memref<2562x2x128xi32, #tpu.memory_space<hbm>> -> memref<1x2x128xi32, #tpu.memory_space<hbm>>
    %dma_wait3A_73 = tpu.memref_squeeze %dma_wait3A_72 : memref<1x2x128xi32, #tpu.memory_space<hbm>> -> memref<2x128xi32, #tpu.memory_space<hbm>>
    tpu.wait_dma2 semaphore(%arg12 : memref<!tpu.dma_semaphore, #tpu.memory_space<semaphore_mem>>) src(%dma_wait3A_73 : memref<2x128xi32, #tpu.memory_space<hbm>>) dst(%arg8 : memref<2x128xi32, #tpu.memory_space<vmem>>)
    %add3A_74 = arith.constant 3 : i32
    %add3A_75 = arith.addi %mul3A_4, %add3A_74 : i32
    %dma_start3A_76 = arith.constant 0 : i32
    %dma_start3A_77 = arith.constant 0 : i32
    %dma_start3A_78 = tpu.memref_slice %arg2[%add3A_75, %dma_start3A_76, %dma_start3A_77] : memref<2562x2x128xi32, #tpu.memory_space<hbm>> -> memref<1x2x128xi32, #tpu.memory_space<hbm>>
    %dma_start3A_79 = tpu.memref_squeeze %dma_start3A_78 : memref<1x2x128xi32, #tpu.memory_space<hbm>> -> memref<2x128xi32, #tpu.memory_space<hbm>>
    %dma_start3A_80 = arith.constant 0 : i32
    %dma_start3A_81 = arith.constant 0 : i32
    %dma_start3A_82 = tpu.memref_slice %arg2[%add3A_75, %dma_start3A_80, %dma_start3A_81] : memref<2562x2x128xi32, #tpu.memory_space<hbm>> -> memref<1x2x128xi32, #tpu.memory_space<hbm>>
    %dma_start3A_83 = tpu.memref_squeeze %dma_start3A_82 : memref<1x2x128xi32, #tpu.memory_space<hbm>> -> memref<2x128xi32, #tpu.memory_space<hbm>>
    tpu.enqueue_dma source(%dma_start3A_83 : memref<2x128xi32, #tpu.memory_space<hbm>>) target(%arg10 : memref<2x128xi32, #tpu.memory_space<vmem>>) target_semaphore(%arg14 : memref<!tpu.dma_semaphore, #tpu.memory_space<semaphore_mem>>)
    %dma_start3A_84 = arith.constant 0 : i32
    %dma_start3A_85 = arith.constant 0 : i32
    %dma_start3A_86 = tpu.memref_slice %arg8[%dma_start3A_84, %dma_start3A_85] : memref<2x128xi32, #tpu.memory_space<vmem>> -> memref<1x128xi32, #tpu.memory_space<vmem>>
    %dma_start3A_87 = tpu.memref_squeeze %dma_start3A_86 : memref<1x128xi32, #tpu.memory_space<vmem>> -> memref<128xi32, #tpu.memory_space<vmem>>
    %dma_start3A_88 = arith.constant 0 : i32
    %dma_start3A_89 = arith.constant 0 : i32
    %dma_start3A_90 = tpu.memref_slice %arg3[%dma_start3A_88, %dma_start3A_89] : memref<10240x128xf32, #tpu.memory_space<hbm>> -> memref<10240x128xf32, #tpu.memory_space<hbm>>
    tpu.enqueue_indirect_dma source(%dma_start3A_90 : memref<10240x128xf32, #tpu.memory_space<hbm>>) target(%arg16 : memref<128x128xf32, #tpu.memory_space<vmem>>) offsets(%dma_start3A_87 : memref<128xi32, #tpu.memory_space<vmem>>) semaphore(%arg18 : memref<!tpu.dma_semaphore, #tpu.memory_space<semaphore_mem>>)
    %dma_wait3A_91 = arith.constant 0 : i32
    %dma_wait3A_92 = arith.constant 0 : i32
    %dma_wait3A_93 = tpu.memref_slice %arg8[%dma_wait3A_91, %dma_wait3A_92] : memref<2x128xi32, #tpu.memory_space<vmem>> -> memref<1x128xi32, #tpu.memory_space<vmem>>
    %dma_wait3A_94 = tpu.memref_squeeze %dma_wait3A_93 : memref<1x128xi32, #tpu.memory_space<vmem>> -> memref<128xi32, #tpu.memory_space<vmem>>
    %dma_wait3A_95 = arith.constant 0 : i32
    %dma_wait3A_96 = arith.constant 0 : i32
    %dma_wait3A_97 = tpu.memref_slice %arg3[%dma_wait3A_95, %dma_wait3A_96] : memref<10240x128xf32, #tpu.memory_space<hbm>> -> memref<10240x128xf32, #tpu.memory_space<hbm>>
    tpu.wait_indirect_dma semaphore(%arg18 : memref<!tpu.dma_semaphore, #tpu.memory_space<semaphore_mem>>) src(%dma_wait3A_97 : memref<10240x128xf32, #tpu.memory_space<hbm>>) dst(%arg16 : memref<128x128xf32, #tpu.memory_space<vmem>>)
    %dma_start3A_98 = arith.constant 1 : i32
    %dma_start3A_99 = arith.constant 0 : i32
    %dma_start3A_100 = tpu.memref_slice %arg8[%dma_start3A_98, %dma_start3A_99] : memref<2x128xi32, #tpu.memory_space<vmem>> -> memref<1x128xi32, #tpu.memory_space<vmem>>
    %dma_start3A_101 = tpu.memref_squeeze %dma_start3A_100 : memref<1x128xi32, #tpu.memory_space<vmem>> -> memref<128xi32, #tpu.memory_space<vmem>>
    %dma_start3A_102 = arith.constant 0 : i32
    %dma_start3A_103 = arith.constant 0 : i32
    %dma_start3A_104 = tpu.memref_slice %arg21[%dma_start3A_102, %dma_start3A_103] : memref<10240x128xf32, #tpu.memory_space<vmem_shared>> -> memref<10240x128xf32, #tpu.memory_space<vmem_shared>>
    tpu.enqueue_indirect_dma source(%arg16 : memref<128x128xf32, #tpu.memory_space<vmem>>) target(%dma_start3A_104 : memref<10240x128xf32, #tpu.memory_space<vmem_shared>>) offsets(%dma_start3A_101 : memref<128xi32, #tpu.memory_space<vmem>>) semaphore(%arg20 : memref<!tpu.dma_semaphore, #tpu.memory_space<semaphore_mem>>) {add = true}
    %add3A_105 = arith.constant 2 : i32
    %add3A_106 = arith.addi %mul3A_4, %add3A_105 : i32
    %dma_wait3A_107 = arith.constant 0 : i32
    %dma_wait3A_108 = arith.constant 0 : i32
    %dma_wait3A_109 = tpu.memref_slice %arg2[%add3A_106, %dma_wait3A_107, %dma_wait3A_108] : memref<2562x2x128xi32, #tpu.memory_space<hbm>> -> memref<1x2x128xi32, #tpu.memory_space<hbm>>
    %dma_wait3A_110 = tpu.memref_squeeze %dma_wait3A_109 : memref<1x2x128xi32, #tpu.memory_space<hbm>> -> memref<2x128xi32, #tpu.memory_space<hbm>>
    %dma_wait3A_111 = arith.constant 0 : i32
    %dma_wait3A_112 = arith.constant 0 : i32
    %dma_wait3A_113 = tpu.memref_slice %arg2[%add3A_106, %dma_wait3A_111, %dma_wait3A_112] : memref<2562x2x128xi32, #tpu.memory_space<hbm>> -> memref<1x2x128xi32, #tpu.memory_space<hbm>>
    %dma_wait3A_114 = tpu.memref_squeeze %dma_wait3A_113 : memref<1x2x128xi32, #tpu.memory_space<hbm>> -> memref<2x128xi32, #tpu.memory_space<hbm>>
    tpu.wait_dma2 semaphore(%arg13 : memref<!tpu.dma_semaphore, #tpu.memory_space<semaphore_mem>>) src(%dma_wait3A_114 : memref<2x128xi32, #tpu.memory_space<hbm>>) dst(%arg9 : memref<2x128xi32, #tpu.memory_space<vmem>>)
    %dma_wait3A_115 = arith.constant 1 : i32
    %dma_wait3A_116 = arith.constant 0 : i32
    %dma_wait3A_117 = tpu.memref_slice %arg7[%dma_wait3A_115, %dma_wait3A_116] : memref<2x128xi32, #tpu.memory_space<vmem>> -> memref<1x128xi32, #tpu.memory_space<vmem>>
    %dma_wait3A_118 = tpu.memref_squeeze %dma_wait3A_117 : memref<1x128xi32, #tpu.memory_space<vmem>> -> memref<128xi32, #tpu.memory_space<vmem>>
    %dma_wait3A_119 = arith.constant 0 : i32
    %dma_wait3A_120 = arith.constant 0 : i32
    %dma_wait3A_121 = tpu.memref_slice %arg21[%dma_wait3A_119, %dma_wait3A_120] : memref<10240x128xf32, #tpu.memory_space<vmem_shared>> -> memref<10240x128xf32, #tpu.memory_space<vmem_shared>>
    tpu.wait_indirect_dma semaphore(%arg19 : memref<!tpu.dma_semaphore, #tpu.memory_space<semaphore_mem>>) src(%arg15 : memref<128x128xf32, #tpu.memory_space<vmem>>) dst(%dma_wait3A_121 : memref<10240x128xf32, #tpu.memory_space<vmem_shared>>)
    %add3A_122 = arith.constant 4 : i32
    %add3A_123 = arith.addi %mul3A_4, %add3A_122 : i32
    %dma_start3A_124 = arith.constant 0 : i32
    %dma_start3A_125 = arith.constant 0 : i32
    %dma_start3A_126 = tpu.memref_slice %arg2[%add3A_123, %dma_start3A_124, %dma_start3A_125] : memref<2562x2x128xi32, #tpu.memory_space<hbm>> -> memref<1x2x128xi32, #tpu.memory_space<hbm>>
    %dma_start3A_127 = tpu.memref_squeeze %dma_start3A_126 : memref<1x2x128xi32, #tpu.memory_space<hbm>> -> memref<2x128xi32, #tpu.memory_space<hbm>>
    %dma_start3A_128 = arith.constant 0 : i32
    %dma_start3A_129 = arith.constant 0 : i32
    %dma_start3A_130 = tpu.memref_slice %arg2[%add3A_123, %dma_start3A_128, %dma_start3A_129] : memref<2562x2x128xi32, #tpu.memory_space<hbm>> -> memref<1x2x128xi32, #tpu.memory_space<hbm>>
    %dma_start3A_131 = tpu.memref_squeeze %dma_start3A_130 : memref<1x2x128xi32, #tpu.memory_space<hbm>> -> memref<2x128xi32, #tpu.memory_space<hbm>>
    tpu.enqueue_dma source(%dma_start3A_131 : memref<2x128xi32, #tpu.memory_space<hbm>>) target(%arg7 : memref<2x128xi32, #tpu.memory_space<vmem>>) target_semaphore(%arg11 : memref<!tpu.dma_semaphore, #tpu.memory_space<semaphore_mem>>)
    %dma_start3A_132 = arith.constant 0 : i32
    %dma_start3A_133 = arith.constant 0 : i32
    %dma_start3A_134 = tpu.memref_slice %arg9[%dma_start3A_132, %dma_start3A_133] : memref<2x128xi32, #tpu.memory_space<vmem>> -> memref<1x128xi32, #tpu.memory_space<vmem>>
    %dma_start3A_135 = tpu.memref_squeeze %dma_start3A_134 : memref<1x128xi32, #tpu.memory_space<vmem>> -> memref<128xi32, #tpu.memory_space<vmem>>
    %dma_start3A_136 = arith.constant 0 : i32
    %dma_start3A_137 = arith.constant 0 : i32
    %dma_start3A_138 = tpu.memref_slice %arg3[%dma_start3A_136, %dma_start3A_137] : memref<10240x128xf32, #tpu.memory_space<hbm>> -> memref<10240x128xf32, #tpu.memory_space<hbm>>
    tpu.enqueue_indirect_dma source(%dma_start3A_138 : memref<10240x128xf32, #tpu.memory_space<hbm>>) target(%arg15 : memref<128x128xf32, #tpu.memory_space<vmem>>) offsets(%dma_start3A_135 : memref<128xi32, #tpu.memory_space<vmem>>) semaphore(%arg17 : memref<!tpu.dma_semaphore, #tpu.memory_space<semaphore_mem>>)
    %dma_wait3A_139 = arith.constant 0 : i32
    %dma_wait3A_140 = arith.constant 0 : i32
    %dma_wait3A_141 = tpu.memref_slice %arg9[%dma_wait3A_139, %dma_wait3A_140] : memref<2x128xi32, #tpu.memory_space<vmem>> -> memref<1x128xi32, #tpu.memory_space<vmem>>
    %dma_wait3A_142 = tpu.memref_squeeze %dma_wait3A_141 : memref<1x128xi32, #tpu.memory_space<vmem>> -> memref<128xi32, #tpu.memory_space<vmem>>
    %dma_wait3A_143 = arith.constant 0 : i32
    %dma_wait3A_144 = arith.constant 0 : i32
    %dma_wait3A_145 = tpu.memref_slice %arg3[%dma_wait3A_143, %dma_wait3A_144] : memref<10240x128xf32, #tpu.memory_space<hbm>> -> memref<10240x128xf32, #tpu.memory_space<hbm>>
    tpu.wait_indirect_dma semaphore(%arg17 : memref<!tpu.dma_semaphore, #tpu.memory_space<semaphore_mem>>) src(%dma_wait3A_145 : memref<10240x128xf32, #tpu.memory_space<hbm>>) dst(%arg15 : memref<128x128xf32, #tpu.memory_space<vmem>>)
    %dma_start3A_146 = arith.constant 1 : i32
    %dma_start3A_147 = arith.constant 0 : i32
    %dma_start3A_148 = tpu.memref_slice %arg9[%dma_start3A_146, %dma_start3A_147] : memref<2x128xi32, #tpu.memory_space<vmem>> -> memref<1x128xi32, #tpu.memory_space<vmem>>
    %dma_start3A_149 = tpu.memref_squeeze %dma_start3A_148 : memref<1x128xi32, #tpu.memory_space<vmem>> -> memref<128xi32, #tpu.memory_space<vmem>>
    %dma_start3A_150 = arith.constant 0 : i32
    %dma_start3A_151 = arith.constant 0 : i32
    %dma_start3A_152 = tpu.memref_slice %arg21[%dma_start3A_150, %dma_start3A_151] : memref<10240x128xf32, #tpu.memory_space<vmem_shared>> -> memref<10240x128xf32, #tpu.memory_space<vmem_shared>>
    tpu.enqueue_indirect_dma source(%arg15 : memref<128x128xf32, #tpu.memory_space<vmem>>) target(%dma_start3A_152 : memref<10240x128xf32, #tpu.memory_space<vmem_shared>>) offsets(%dma_start3A_149 : memref<128xi32, #tpu.memory_space<vmem>>) semaphore(%arg19 : memref<!tpu.dma_semaphore, #tpu.memory_space<semaphore_mem>>) {add = true}
    %add3A_153 = arith.constant 3 : i32
    %add3A_154 = arith.addi %mul3A_4, %add3A_153 : i32
    %dma_wait3A_155 = arith.constant 0 : i32
    %dma_wait3A_156 = arith.constant 0 : i32
    %dma_wait3A_157 = tpu.memref_slice %arg2[%add3A_154, %dma_wait3A_155, %dma_wait3A_156] : memref<2562x2x128xi32, #tpu.memory_space<hbm>> -> memref<1x2x128xi32, #tpu.memory_space<hbm>>
    %dma_wait3A_158 = tpu.memref_squeeze %dma_wait3A_157 : memref<1x2x128xi32, #tpu.memory_space<hbm>> -> memref<2x128xi32, #tpu.memory_space<hbm>>
    %dma_wait3A_159 = arith.constant 0 : i32
    %dma_wait3A_160 = arith.constant 0 : i32
    %dma_wait3A_161 = tpu.memref_slice %arg2[%add3A_154, %dma_wait3A_159, %dma_wait3A_160] : memref<2562x2x128xi32, #tpu.memory_space<hbm>> -> memref<1x2x128xi32, #tpu.memory_space<hbm>>
    %dma_wait3A_162 = tpu.memref_squeeze %dma_wait3A_161 : memref<1x2x128xi32, #tpu.memory_space<hbm>> -> memref<2x128xi32, #tpu.memory_space<hbm>>
    tpu.wait_dma2 semaphore(%arg14 : memref<!tpu.dma_semaphore, #tpu.memory_space<semaphore_mem>>) src(%dma_wait3A_162 : memref<2x128xi32, #tpu.memory_space<hbm>>) dst(%arg10 : memref<2x128xi32, #tpu.memory_space<vmem>>)
    %dma_wait3A_163 = arith.constant 1 : i32
    %dma_wait3A_164 = arith.constant 0 : i32
    %dma_wait3A_165 = tpu.memref_slice %arg8[%dma_wait3A_163, %dma_wait3A_164] : memref<2x128xi32, #tpu.memory_space<vmem>> -> memref<1x128xi32, #tpu.memory_space<vmem>>
    %dma_wait3A_166 = tpu.memref_squeeze %dma_wait3A_165 : memref<1x128xi32, #tpu.memory_space<vmem>> -> memref<128xi32, #tpu.memory_space<vmem>>
    %dma_wait3A_167 = arith.constant 0 : i32
    %dma_wait3A_168 = arith.constant 0 : i32
    %dma_wait3A_169 = tpu.memref_slice %arg21[%dma_wait3A_167, %dma_wait3A_168] : memref<10240x128xf32, #tpu.memory_space<vmem_shared>> -> memref<10240x128xf32, #tpu.memory_space<vmem_shared>>
    tpu.wait_indirect_dma semaphore(%arg20 : memref<!tpu.dma_semaphore, #tpu.memory_space<semaphore_mem>>) src(%arg16 : memref<128x128xf32, #tpu.memory_space<vmem>>) dst(%dma_wait3A_169 : memref<10240x128xf32, #tpu.memory_space<vmem_shared>>)
    %add3A_170 = arith.constant 5 : i32
    %add3A_171 = arith.addi %mul3A_4, %add3A_170 : i32
    %dma_start3A_172 = arith.constant 0 : i32
    %dma_start3A_173 = arith.constant 0 : i32
    %dma_start3A_174 = tpu.memref_slice %arg2[%add3A_171, %dma_start3A_172, %dma_start3A_173] : memref<2562x2x128xi32, #tpu.memory_space<hbm>> -> memref<1x2x128xi32, #tpu.memory_space<hbm>>
    %dma_start3A_175 = tpu.memref_squeeze %dma_start3A_174 : memref<1x2x128xi32, #tpu.memory_space<hbm>> -> memref<2x128xi32, #tpu.memory_space<hbm>>
    %dma_start3A_176 = arith.constant 0 : i32
    %dma_start3A_177 = arith.constant 0 : i32
    %dma_start3A_178 = tpu.memref_slice %arg2[%add3A_171, %dma_start3A_176, %dma_start3A_177] : memref<2562x2x128xi32, #tpu.memory_space<hbm>> -> memref<1x2x128xi32, #tpu.memory_space<hbm>>
    %dma_start3A_179 = tpu.memref_squeeze %dma_start3A_178 : memref<1x2x128xi32, #tpu.memory_space<hbm>> -> memref<2x128xi32, #tpu.memory_space<hbm>>
    tpu.enqueue_dma source(%dma_start3A_179 : memref<2x128xi32, #tpu.memory_space<hbm>>) target(%arg8 : memref<2x128xi32, #tpu.memory_space<vmem>>) target_semaphore(%arg12 : memref<!tpu.dma_semaphore, #tpu.memory_space<semaphore_mem>>)
    %dma_start3A_180 = arith.constant 0 : i32
    %dma_start3A_181 = arith.constant 0 : i32
    %dma_start3A_182 = tpu.memref_slice %arg10[%dma_start3A_180, %dma_start3A_181] : memref<2x128xi32, #tpu.memory_space<vmem>> -> memref<1x128xi32, #tpu.memory_space<vmem>>
    %dma_start3A_183 = tpu.memref_squeeze %dma_start3A_182 : memref<1x128xi32, #tpu.memory_space<vmem>> -> memref<128xi32, #tpu.memory_space<vmem>>
    %dma_start3A_184 = arith.constant 0 : i32
    %dma_start3A_185 = arith.constant 0 : i32
    %dma_start3A_186 = tpu.memref_slice %arg3[%dma_start3A_184, %dma_start3A_185] : memref<10240x128xf32, #tpu.memory_space<hbm>> -> memref<10240x128xf32, #tpu.memory_space<hbm>>
    tpu.enqueue_indirect_dma source(%dma_start3A_186 : memref<10240x128xf32, #tpu.memory_space<hbm>>) target(%arg16 : memref<128x128xf32, #tpu.memory_space<vmem>>) offsets(%dma_start3A_183 : memref<128xi32, #tpu.memory_space<vmem>>) semaphore(%arg18 : memref<!tpu.dma_semaphore, #tpu.memory_space<semaphore_mem>>)
    %dma_wait3A_187 = arith.constant 0 : i32
    %dma_wait3A_188 = arith.constant 0 : i32
    %dma_wait3A_189 = tpu.memref_slice %arg10[%dma_wait3A_187, %dma_wait3A_188] : memref<2x128xi32, #tpu.memory_space<vmem>> -> memref<1x128xi32, #tpu.memory_space<vmem>>
    %dma_wait3A_190 = tpu.memref_squeeze %dma_wait3A_189 : memref<1x128xi32, #tpu.memory_space<vmem>> -> memref<128xi32, #tpu.memory_space<vmem>>
    %dma_wait3A_191 = arith.constant 0 : i32
    %dma_wait3A_192 = arith.constant 0 : i32
    %dma_wait3A_193 = tpu.memref_slice %arg3[%dma_wait3A_191, %dma_wait3A_192] : memref<10240x128xf32, #tpu.memory_space<hbm>> -> memref<10240x128xf32, #tpu.memory_space<hbm>>
    tpu.wait_indirect_dma semaphore(%arg18 : memref<!tpu.dma_semaphore, #tpu.memory_space<semaphore_mem>>) src(%dma_wait3A_193 : memref<10240x128xf32, #tpu.memory_space<hbm>>) dst(%arg16 : memref<128x128xf32, #tpu.memory_space<vmem>>)
    %dma_start3A_194 = arith.constant 1 : i32
    %dma_start3A_195 = arith.constant 0 : i32
    %dma_start3A_196 = tpu.memref_slice %arg10[%dma_start3A_194, %dma_start3A_195] : memref<2x128xi32, #tpu.memory_space<vmem>> -> memref<1x128xi32, #tpu.memory_space<vmem>>
    %dma_start3A_197 = tpu.memref_squeeze %dma_start3A_196 : memref<1x128xi32, #tpu.memory_space<vmem>> -> memref<128xi32, #tpu.memory_space<vmem>>
    %dma_start3A_198 = arith.constant 0 : i32
    %dma_start3A_199 = arith.constant 0 : i32
    %dma_start3A_200 = tpu.memref_slice %arg21[%dma_start3A_198, %dma_start3A_199] : memref<10240x128xf32, #tpu.memory_space<vmem_shared>> -> memref<10240x128xf32, #tpu.memory_space<vmem_shared>>
    tpu.enqueue_indirect_dma source(%arg16 : memref<128x128xf32, #tpu.memory_space<vmem>>) target(%dma_start3A_200 : memref<10240x128xf32, #tpu.memory_space<vmem_shared>>) offsets(%dma_start3A_197 : memref<128xi32, #tpu.memory_space<vmem>>) semaphore(%arg20 : memref<!tpu.dma_semaphore, #tpu.memory_space<semaphore_mem>>) {add = true}
    %scan3A = arith.constant 0 : i32
    %scan3A_201 = arith.constant 1 : i32
    %scan3A_202 = arith.constant 19 : i32
    %scan3A_203 = arith.addi %scan3A_201, %scan3A_202 : i32
    %scan3A_204 = arith.constant 1 : i32
    scf.for %scan3A_241 = %scan3A_201 to %scan3A_203 step %scan3A_204  : i32 {
      %mul3A_242 = arith.constant 4 : i32
      %mul3A_243 = arith.muli %mul3A_242, %scan3A_241 : i32
      %add3A_244 = arith.constant 0 : i32
      %add3A_245 = arith.addi %mul3A_243, %add3A_244 : i32
      %add3A_246 = arith.addi %mul3A_4, %add3A_245 : i32
      %dma_wait3A_247 = arith.constant 0 : i32
      %dma_wait3A_248 = arith.constant 0 : i32
      %dma_wait3A_249 = tpu.memref_slice %arg2[%add3A_246, %dma_wait3A_247, %dma_wait3A_248] : memref<2562x2x128xi32, #tpu.memory_space<hbm>> -> memref<1x2x128xi32, #tpu.memory_space<hbm>>
      %dma_wait3A_250 = tpu.memref_squeeze %dma_wait3A_249 : memref<1x2x128xi32, #tpu.memory_space<hbm>> -> memref<2x128xi32, #tpu.memory_space<hbm>>
      %dma_wait3A_251 = arith.constant 0 : i32
      %dma_wait3A_252 = arith.constant 0 : i32
      %dma_wait3A_253 = tpu.memref_slice %arg2[%add3A_246, %dma_wait3A_251, %dma_wait3A_252] : memref<2562x2x128xi32, #tpu.memory_space<hbm>> -> memref<1x2x128xi32, #tpu.memory_space<hbm>>
      %dma_wait3A_254 = tpu.memref_squeeze %dma_wait3A_253 : memref<1x2x128xi32, #tpu.memory_space<hbm>> -> memref<2x128xi32, #tpu.memory_space<hbm>>
      tpu.wait_dma2 semaphore(%arg11 : memref<!tpu.dma_semaphore, #tpu.memory_space<semaphore_mem>>) src(%dma_wait3A_254 : memref<2x128xi32, #tpu.memory_space<hbm>>) dst(%arg7 : memref<2x128xi32, #tpu.memory_space<vmem>>)
      %dma_wait3A_255 = arith.constant 1 : i32
      %dma_wait3A_256 = arith.constant 0 : i32
      %dma_wait3A_257 = tpu.memref_slice %arg9[%dma_wait3A_255, %dma_wait3A_256] : memref<2x128xi32, #tpu.memory_space<vmem>> -> memref<1x128xi32, #tpu.memory_space<vmem>>
      %dma_wait3A_258 = tpu.memref_squeeze %dma_wait3A_257 : memref<1x128xi32, #tpu.memory_space<vmem>> -> memref<128xi32, #tpu.memory_space<vmem>>
      %dma_wait3A_259 = arith.constant 0 : i32
      %dma_wait3A_260 = arith.constant 0 : i32
      %dma_wait3A_261 = tpu.memref_slice %arg21[%dma_wait3A_259, %dma_wait3A_260] : memref<10240x128xf32, #tpu.memory_space<vmem_shared>> -> memref<10240x128xf32, #tpu.memory_space<vmem_shared>>
      tpu.wait_indirect_dma semaphore(%arg19 : memref<!tpu.dma_semaphore, #tpu.memory_space<semaphore_mem>>) src(%arg15 : memref<128x128xf32, #tpu.memory_space<vmem>>) dst(%dma_wait3A_261 : memref<10240x128xf32, #tpu.memory_space<vmem_shared>>)
      %add3A_262 = arith.constant 2 : i32
      %add3A_263 = arith.addi %add3A_245, %add3A_262 : i32
      %add3A_264 = arith.addi %mul3A_4, %add3A_263 : i32
      %dma_start3A_265 = arith.constant 0 : i32
      %dma_start3A_266 = arith.constant 0 : i32
      %dma_start3A_267 = tpu.memref_slice %arg2[%add3A_264, %dma_start3A_265, %dma_start3A_266] : memref<2562x2x128xi32, #tpu.memory_space<hbm>> -> memref<1x2x128xi32, #tpu.memory_space<hbm>>
      %dma_start3A_268 = tpu.memref_squeeze %dma_start3A_267 : memref<1x2x128xi32, #tpu.memory_space<hbm>> -> memref<2x128xi32, #tpu.memory_space<hbm>>
      %dma_start3A_269 = arith.constant 0 : i32
      %dma_start3A_270 = arith.constant 0 : i32
      %dma_start3A_271 = tpu.memref_slice %arg2[%add3A_264, %dma_start3A_269, %dma_start3A_270] : memref<2562x2x128xi32, #tpu.memory_space<hbm>> -> memref<1x2x128xi32, #tpu.memory_space<hbm>>
      %dma_start3A_272 = tpu.memref_squeeze %dma_start3A_271 : memref<1x2x128xi32, #tpu.memory_space<hbm>> -> memref<2x128xi32, #tpu.memory_space<hbm>>
      tpu.enqueue_dma source(%dma_start3A_272 : memref<2x128xi32, #tpu.memory_space<hbm>>) target(%arg9 : memref<2x128xi32, #tpu.memory_space<vmem>>) target_semaphore(%arg13 : memref<!tpu.dma_semaphore, #tpu.memory_space<semaphore_mem>>)
      %dma_start3A_273 = arith.constant 0 : i32
      %dma_start3A_274 = arith.constant 0 : i32
      %dma_start3A_275 = tpu.memref_slice %arg7[%dma_start3A_273, %dma_start3A_274] : memref<2x128xi32, #tpu.memory_space<vmem>> -> memref<1x128xi32, #tpu.memory_space<vmem>>
      %dma_start3A_276 = tpu.memref_squeeze %dma_start3A_275 : memref<1x128xi32, #tpu.memory_space<vmem>> -> memref<128xi32, #tpu.memory_space<vmem>>
      %dma_start3A_277 = arith.constant 0 : i32
      %dma_start3A_278 = arith.constant 0 : i32
      %dma_start3A_279 = tpu.memref_slice %arg3[%dma_start3A_277, %dma_start3A_278] : memref<10240x128xf32, #tpu.memory_space<hbm>> -> memref<10240x128xf32, #tpu.memory_space<hbm>>
      tpu.enqueue_indirect_dma source(%dma_start3A_279 : memref<10240x128xf32, #tpu.memory_space<hbm>>) target(%arg15 : memref<128x128xf32, #tpu.memory_space<vmem>>) offsets(%dma_start3A_276 : memref<128xi32, #tpu.memory_space<vmem>>) semaphore(%arg17 : memref<!tpu.dma_semaphore, #tpu.memory_space<semaphore_mem>>)
      %dma_wait3A_280 = arith.constant 0 : i32
      %dma_wait3A_281 = arith.constant 0 : i32
      %dma_wait3A_282 = tpu.memref_slice %arg7[%dma_wait3A_280, %dma_wait3A_281] : memref<2x128xi32, #tpu.memory_space<vmem>> -> memref<1x128xi32, #tpu.memory_space<vmem>>
      %dma_wait3A_283 = tpu.memref_squeeze %dma_wait3A_282 : memref<1x128xi32, #tpu.memory_space<vmem>> -> memref<128xi32, #tpu.memory_space<vmem>>
      %dma_wait3A_284 = arith.constant 0 : i32
      %dma_wait3A_285 = arith.constant 0 : i32
      %dma_wait3A_286 = tpu.memref_slice %arg3[%dma_wait3A_284, %dma_wait3A_285] : memref<10240x128xf32, #tpu.memory_space<hbm>> -> memref<10240x128xf32, #tpu.memory_space<hbm>>
      tpu.wait_indirect_dma semaphore(%arg17 : memref<!tpu.dma_semaphore, #tpu.memory_space<semaphore_mem>>) src(%dma_wait3A_286 : memref<10240x128xf32, #tpu.memory_space<hbm>>) dst(%arg15 : memref<128x128xf32, #tpu.memory_space<vmem>>)
      %dma_start3A_287 = arith.constant 1 : i32
      %dma_start3A_288 = arith.constant 0 : i32
      %dma_start3A_289 = tpu.memref_slice %arg7[%dma_start3A_287, %dma_start3A_288] : memref<2x128xi32, #tpu.memory_space<vmem>> -> memref<1x128xi32, #tpu.memory_space<vmem>>
      %dma_start3A_290 = tpu.memref_squeeze %dma_start3A_289 : memref<1x128xi32, #tpu.memory_space<vmem>> -> memref<128xi32, #tpu.memory_space<vmem>>
      %dma_start3A_291 = arith.constant 0 : i32
      %dma_start3A_292 = arith.constant 0 : i32
      %dma_start3A_293 = tpu.memref_slice %arg21[%dma_start3A_291, %dma_start3A_292] : memref<10240x128xf32, #tpu.memory_space<vmem_shared>> -> memref<10240x128xf32, #tpu.memory_space<vmem_shared>>
      tpu.enqueue_indirect_dma source(%arg15 : memref<128x128xf32, #tpu.memory_space<vmem>>) target(%dma_start3A_293 : memref<10240x128xf32, #tpu.memory_space<vmem_shared>>) offsets(%dma_start3A_290 : memref<128xi32, #tpu.memory_space<vmem>>) semaphore(%arg19 : memref<!tpu.dma_semaphore, #tpu.memory_space<semaphore_mem>>) {add = true}
      %add3A_294 = arith.constant 1 : i32
      %add3A_295 = arith.addi %mul3A_243, %add3A_294 : i32
      %add3A_296 = arith.addi %mul3A_4, %add3A_295 : i32
      %dma_wait3A_297 = arith.constant 0 : i32
      %dma_wait3A_298 = arith.constant 0 : i32
      %dma_wait3A_299 = tpu.memref_slice %arg2[%add3A_296, %dma_wait3A_297, %dma_wait3A_298] : memref<2562x2x128xi32, #tpu.memory_space<hbm>> -> memref<1x2x128xi32, #tpu.memory_space<hbm>>
      %dma_wait3A_300 = tpu.memref_squeeze %dma_wait3A_299 : memref<1x2x128xi32, #tpu.memory_space<hbm>> -> memref<2x128xi32, #tpu.memory_space<hbm>>
      %dma_wait3A_301 = arith.constant 0 : i32
      %dma_wait3A_302 = arith.constant 0 : i32
      %dma_wait3A_303 = tpu.memref_slice %arg2[%add3A_296, %dma_wait3A_301, %dma_wait3A_302] : memref<2562x2x128xi32, #tpu.memory_space<hbm>> -> memref<1x2x128xi32, #tpu.memory_space<hbm>>
      %dma_wait3A_304 = tpu.memref_squeeze %dma_wait3A_303 : memref<1x2x128xi32, #tpu.memory_space<hbm>> -> memref<2x128xi32, #tpu.memory_space<hbm>>
      tpu.wait_dma2 semaphore(%arg12 : memref<!tpu.dma_semaphore, #tpu.memory_space<semaphore_mem>>) src(%dma_wait3A_304 : memref<2x128xi32, #tpu.memory_space<hbm>>) dst(%arg8 : memref<2x128xi32, #tpu.memory_space<vmem>>)
      %dma_wait3A_305 = arith.constant 1 : i32
      %dma_wait3A_306 = arith.constant 0 : i32
      %dma_wait3A_307 = tpu.memref_slice %arg10[%dma_wait3A_305, %dma_wait3A_306] : memref<2x128xi32, #tpu.memory_space<vmem>> -> memref<1x128xi32, #tpu.memory_space<vmem>>
      %dma_wait3A_308 = tpu.memref_squeeze %dma_wait3A_307 : memref<1x128xi32, #tpu.memory_space<vmem>> -> memref<128xi32, #tpu.memory_space<vmem>>
      %dma_wait3A_309 = arith.constant 0 : i32
      %dma_wait3A_310 = arith.constant 0 : i32
      %dma_wait3A_311 = tpu.memref_slice %arg21[%dma_wait3A_309, %dma_wait3A_310] : memref<10240x128xf32, #tpu.memory_space<vmem_shared>> -> memref<10240x128xf32, #tpu.memory_space<vmem_shared>>
      tpu.wait_indirect_dma semaphore(%arg20 : memref<!tpu.dma_semaphore, #tpu.memory_space<semaphore_mem>>) src(%arg16 : memref<128x128xf32, #tpu.memory_space<vmem>>) dst(%dma_wait3A_311 : memref<10240x128xf32, #tpu.memory_space<vmem_shared>>)
      %add3A_312 = arith.constant 2 : i32
      %add3A_313 = arith.addi %add3A_295, %add3A_312 : i32
      %add3A_314 = arith.addi %mul3A_4, %add3A_313 : i32
      %dma_start3A_315 = arith.constant 0 : i32
      %dma_start3A_316 = arith.constant 0 : i32
      %dma_start3A_317 = tpu.memref_slice %arg2[%add3A_314, %dma_start3A_315, %dma_start3A_316] : memref<2562x2x128xi32, #tpu.memory_space<hbm>> -> memref<1x2x128xi32, #tpu.memory_space<hbm>>
      %dma_start3A_318 = tpu.memref_squeeze %dma_start3A_317 : memref<1x2x128xi32, #tpu.memory_space<hbm>> -> memref<2x128xi32, #tpu.memory_space<hbm>>
      %dma_start3A_319 = arith.constant 0 : i32
      %dma_start3A_320 = arith.constant 0 : i32
      %dma_start3A_321 = tpu.memref_slice %arg2[%add3A_314, %dma_start3A_319, %dma_start3A_320] : memref<2562x2x128xi32, #tpu.memory_space<hbm>> -> memref<1x2x128xi32, #tpu.memory_space<hbm>>
      %dma_start3A_322 = tpu.memref_squeeze %dma_start3A_321 : memref<1x2x128xi32, #tpu.memory_space<hbm>> -> memref<2x128xi32, #tpu.memory_space<hbm>>
      tpu.enqueue_dma source(%dma_start3A_322 : memref<2x128xi32, #tpu.memory_space<hbm>>) target(%arg10 : memref<2x128xi32, #tpu.memory_space<vmem>>) target_semaphore(%arg14 : memref<!tpu.dma_semaphore, #tpu.memory_space<semaphore_mem>>)
      %dma_start3A_323 = arith.constant 0 : i32
      %dma_start3A_324 = arith.constant 0 : i32
      %dma_start3A_325 = tpu.memref_slice %arg8[%dma_start3A_323, %dma_start3A_324] : memref<2x128xi32, #tpu.memory_space<vmem>> -> memref<1x128xi32, #tpu.memory_space<vmem>>
      %dma_start3A_326 = tpu.memref_squeeze %dma_start3A_325 : memref<1x128xi32, #tpu.memory_space<vmem>> -> memref<128xi32, #tpu.memory_space<vmem>>
      %dma_start3A_327 = arith.constant 0 : i32
      %dma_start3A_328 = arith.constant 0 : i32
      %dma_start3A_329 = tpu.memref_slice %arg3[%dma_start3A_327, %dma_start3A_328] : memref<10240x128xf32, #tpu.memory_space<hbm>> -> memref<10240x128xf32, #tpu.memory_space<hbm>>
      tpu.enqueue_indirect_dma source(%dma_start3A_329 : memref<10240x128xf32, #tpu.memory_space<hbm>>) target(%arg16 : memref<128x128xf32, #tpu.memory_space<vmem>>) offsets(%dma_start3A_326 : memref<128xi32, #tpu.memory_space<vmem>>) semaphore(%arg18 : memref<!tpu.dma_semaphore, #tpu.memory_space<semaphore_mem>>)
      %dma_wait3A_330 = arith.constant 0 : i32
      %dma_wait3A_331 = arith.constant 0 : i32
      %dma_wait3A_332 = tpu.memref_slice %arg8[%dma_wait3A_330, %dma_wait3A_331] : memref<2x128xi32, #tpu.memory_space<vmem>> -> memref<1x128xi32, #tpu.memory_space<vmem>>
      %dma_wait3A_333 = tpu.memref_squeeze %dma_wait3A_332 : memref<1x128xi32, #tpu.memory_space<vmem>> -> memref<128xi32, #tpu.memory_space<vmem>>
      %dma_wait3A_334 = arith.constant 0 : i32
      %dma_wait3A_335 = arith.constant 0 : i32
      %dma_wait3A_336 = tpu.memref_slice %arg3[%dma_wait3A_334, %dma_wait3A_335] : memref<10240x128xf32, #tpu.memory_space<hbm>> -> memref<10240x128xf32, #tpu.memory_space<hbm>>
      tpu.wait_indirect_dma semaphore(%arg18 : memref<!tpu.dma_semaphore, #tpu.memory_space<semaphore_mem>>) src(%dma_wait3A_336 : memref<10240x128xf32, #tpu.memory_space<hbm>>) dst(%arg16 : memref<128x128xf32, #tpu.memory_space<vmem>>)
      %dma_start3A_337 = arith.constant 1 : i32
      %dma_start3A_338 = arith.constant 0 : i32
      %dma_start3A_339 = tpu.memref_slice %arg8[%dma_start3A_337, %dma_start3A_338] : memref<2x128xi32, #tpu.memory_space<vmem>> -> memref<1x128xi32, #tpu.memory_space<vmem>>
      %dma_start3A_340 = tpu.memref_squeeze %dma_start3A_339 : memref<1x128xi32, #tpu.memory_space<vmem>> -> memref<128xi32, #tpu.memory_space<vmem>>
      %dma_start3A_341 = arith.constant 0 : i32
      %dma_start3A_342 = arith.constant 0 : i32
      %dma_start3A_343 = tpu.memref_slice %arg21[%dma_start3A_341, %dma_start3A_342] : memref<10240x128xf32, #tpu.memory_space<vmem_shared>> -> memref<10240x128xf32, #tpu.memory_space<vmem_shared>>
      tpu.enqueue_indirect_dma source(%arg16 : memref<128x128xf32, #tpu.memory_space<vmem>>) target(%dma_start3A_343 : memref<10240x128xf32, #tpu.memory_space<vmem_shared>>) offsets(%dma_start3A_340 : memref<128xi32, #tpu.memory_space<vmem>>) semaphore(%arg20 : memref<!tpu.dma_semaphore, #tpu.memory_space<semaphore_mem>>) {add = true}
      %add3A_344 = arith.constant 2 : i32
      %add3A_345 = arith.addi %mul3A_243, %add3A_344 : i32
      %add3A_346 = arith.addi %mul3A_4, %add3A_345 : i32
      %dma_wait3A_347 = arith.constant 0 : i32
      %dma_wait3A_348 = arith.constant 0 : i32
      %dma_wait3A_349 = tpu.memref_slice %arg2[%add3A_346, %dma_wait3A_347, %dma_wait3A_348] : memref<2562x2x128xi32, #tpu.memory_space<hbm>> -> memref<1x2x128xi32, #tpu.memory_space<hbm>>
      %dma_wait3A_350 = tpu.memref_squeeze %dma_wait3A_349 : memref<1x2x128xi32, #tpu.memory_space<hbm>> -> memref<2x128xi32, #tpu.memory_space<hbm>>
      %dma_wait3A_351 = arith.constant 0 : i32
      %dma_wait3A_352 = arith.constant 0 : i32
      %dma_wait3A_353 = tpu.memref_slice %arg2[%add3A_346, %dma_wait3A_351, %dma_wait3A_352] : memref<2562x2x128xi32, #tpu.memory_space<hbm>> -> memref<1x2x128xi32, #tpu.memory_space<hbm>>
      %dma_wait3A_354 = tpu.memref_squeeze %dma_wait3A_353 : memref<1x2x128xi32, #tpu.memory_space<hbm>> -> memref<2x128xi32, #tpu.memory_space<hbm>>
      tpu.wait_dma2 semaphore(%arg13 : memref<!tpu.dma_semaphore, #tpu.memory_space<semaphore_mem>>) src(%dma_wait3A_354 : memref<2x128xi32, #tpu.memory_space<hbm>>) dst(%arg9 : memref<2x128xi32, #tpu.memory_space<vmem>>)
      %dma_wait3A_355 = arith.constant 1 : i32
      %dma_wait3A_356 = arith.constant 0 : i32
      %dma_wait3A_357 = tpu.memref_slice %arg7[%dma_wait3A_355, %dma_wait3A_356] : memref<2x128xi32, #tpu.memory_space<vmem>> -> memref<1x128xi32, #tpu.memory_space<vmem>>
      %dma_wait3A_358 = tpu.memref_squeeze %dma_wait3A_357 : memref<1x128xi32, #tpu.memory_space<vmem>> -> memref<128xi32, #tpu.memory_space<vmem>>
      %dma_wait3A_359 = arith.constant 0 : i32
      %dma_wait3A_360 = arith.constant 0 : i32
      %dma_wait3A_361 = tpu.memref_slice %arg21[%dma_wait3A_359, %dma_wait3A_360] : memref<10240x128xf32, #tpu.memory_space<vmem_shared>> -> memref<10240x128xf32, #tpu.memory_space<vmem_shared>>
      tpu.wait_indirect_dma semaphore(%arg19 : memref<!tpu.dma_semaphore, #tpu.memory_space<semaphore_mem>>) src(%arg15 : memref<128x128xf32, #tpu.memory_space<vmem>>) dst(%dma_wait3A_361 : memref<10240x128xf32, #tpu.memory_space<vmem_shared>>)
      %add3A_362 = arith.constant 2 : i32
      %add3A_363 = arith.addi %add3A_345, %add3A_362 : i32
      %add3A_364 = arith.addi %mul3A_4, %add3A_363 : i32
      %dma_start3A_365 = arith.constant 0 : i32
      %dma_start3A_366 = arith.constant 0 : i32
      %dma_start3A_367 = tpu.memref_slice %arg2[%add3A_364, %dma_start3A_365, %dma_start3A_366] : memref<2562x2x128xi32, #tpu.memory_space<hbm>> -> memref<1x2x128xi32, #tpu.memory_space<hbm>>
      %dma_start3A_368 = tpu.memref_squeeze %dma_start3A_367 : memref<1x2x128xi32, #tpu.memory_space<hbm>> -> memref<2x128xi32, #tpu.memory_space<hbm>>
      %dma_start3A_369 = arith.constant 0 : i32
      %dma_start3A_370 = arith.constant 0 : i32
      %dma_start3A_371 = tpu.memref_slice %arg2[%add3A_364, %dma_start3A_369, %dma_start3A_370] : memref<2562x2x128xi32, #tpu.memory_space<hbm>> -> memref<1x2x128xi32, #tpu.memory_space<hbm>>
      %dma_start3A_372 = tpu.memref_squeeze %dma_start3A_371 : memref<1x2x128xi32, #tpu.memory_space<hbm>> -> memref<2x128xi32, #tpu.memory_space<hbm>>
      tpu.enqueue_dma source(%dma_start3A_372 : memref<2x128xi32, #tpu.memory_space<hbm>>) target(%arg7 : memref<2x128xi32, #tpu.memory_space<vmem>>) target_semaphore(%arg11 : memref<!tpu.dma_semaphore, #tpu.memory_space<semaphore_mem>>)
      %dma_start3A_373 = arith.constant 0 : i32
      %dma_start3A_374 = arith.constant 0 : i32
      %dma_start3A_375 = tpu.memref_slice %arg9[%dma_start3A_373, %dma_start3A_374] : memref<2x128xi32, #tpu.memory_space<vmem>> -> memref<1x128xi32, #tpu.memory_space<vmem>>
      %dma_start3A_376 = tpu.memref_squeeze %dma_start3A_375 : memref<1x128xi32, #tpu.memory_space<vmem>> -> memref<128xi32, #tpu.memory_space<vmem>>
      %dma_start3A_377 = arith.constant 0 : i32
      %dma_start3A_378 = arith.constant 0 : i32
      %dma_start3A_379 = tpu.memref_slice %arg3[%dma_start3A_377, %dma_start3A_378] : memref<10240x128xf32, #tpu.memory_space<hbm>> -> memref<10240x128xf32, #tpu.memory_space<hbm>>
      tpu.enqueue_indirect_dma source(%dma_start3A_379 : memref<10240x128xf32, #tpu.memory_space<hbm>>) target(%arg15 : memref<128x128xf32, #tpu.memory_space<vmem>>) offsets(%dma_start3A_376 : memref<128xi32, #tpu.memory_space<vmem>>) semaphore(%arg17 : memref<!tpu.dma_semaphore, #tpu.memory_space<semaphore_mem>>)
      %dma_wait3A_380 = arith.constant 0 : i32
      %dma_wait3A_381 = arith.constant 0 : i32
      %dma_wait3A_382 = tpu.memref_slice %arg9[%dma_wait3A_380, %dma_wait3A_381] : memref<2x128xi32, #tpu.memory_space<vmem>> -> memref<1x128xi32, #tpu.memory_space<vmem>>
      %dma_wait3A_383 = tpu.memref_squeeze %dma_wait3A_382 : memref<1x128xi32, #tpu.memory_space<vmem>> -> memref<128xi32, #tpu.memory_space<vmem>>
      %dma_wait3A_384 = arith.constant 0 : i32
      %dma_wait3A_385 = arith.constant 0 : i32
      %dma_wait3A_386 = tpu.memref_slice %arg3[%dma_wait3A_384, %dma_wait3A_385] : memref<10240x128xf32, #tpu.memory_space<hbm>> -> memref<10240x128xf32, #tpu.memory_space<hbm>>
      tpu.wait_indirect_dma semaphore(%arg17 : memref<!tpu.dma_semaphore, #tpu.memory_space<semaphore_mem>>) src(%dma_wait3A_386 : memref<10240x128xf32, #tpu.memory_space<hbm>>) dst(%arg15 : memref<128x128xf32, #tpu.memory_space<vmem>>)
      %dma_start3A_387 = arith.constant 1 : i32
      %dma_start3A_388 = arith.constant 0 : i32
      %dma_start3A_389 = tpu.memref_slice %arg9[%dma_start3A_387, %dma_start3A_388] : memref<2x128xi32, #tpu.memory_space<vmem>> -> memref<1x128xi32, #tpu.memory_space<vmem>>
      %dma_start3A_390 = tpu.memref_squeeze %dma_start3A_389 : memref<1x128xi32, #tpu.memory_space<vmem>> -> memref<128xi32, #tpu.memory_space<vmem>>
      %dma_start3A_391 = arith.constant 0 : i32
      %dma_start3A_392 = arith.constant 0 : i32
      %dma_start3A_393 = tpu.memref_slice %arg21[%dma_start3A_391, %dma_start3A_392] : memref<10240x128xf32, #tpu.memory_space<vmem_shared>> -> memref<10240x128xf32, #tpu.memory_space<vmem_shared>>
      tpu.enqueue_indirect_dma source(%arg15 : memref<128x128xf32, #tpu.memory_space<vmem>>) target(%dma_start3A_393 : memref<10240x128xf32, #tpu.memory_space<vmem_shared>>) offsets(%dma_start3A_390 : memref<128xi32, #tpu.memory_space<vmem>>) semaphore(%arg19 : memref<!tpu.dma_semaphore, #tpu.memory_space<semaphore_mem>>) {add = true}
      %add3A_394 = arith.constant 3 : i32
      %add3A_395 = arith.addi %mul3A_243, %add3A_394 : i32
      %add3A_396 = arith.addi %mul3A_4, %add3A_395 : i32
      %dma_wait3A_397 = arith.constant 0 : i32
      %dma_wait3A_398 = arith.constant 0 : i32
      %dma_wait3A_399 = tpu.memref_slice %arg2[%add3A_396, %dma_wait3A_397, %dma_wait3A_398] : memref<2562x2x128xi32, #tpu.memory_space<hbm>> -> memref<1x2x128xi32, #tpu.memory_space<hbm>>
      %dma_wait3A_400 = tpu.memref_squeeze %dma_wait3A_399 : memref<1x2x128xi32, #tpu.memory_space<hbm>> -> memref<2x128xi32, #tpu.memory_space<hbm>>
      %dma_wait3A_401 = arith.constant 0 : i32
      %dma_wait3A_402 = arith.constant 0 : i32
      %dma_wait3A_403 = tpu.memref_slice %arg2[%add3A_396, %dma_wait3A_401, %dma_wait3A_402] : memref<2562x2x128xi32, #tpu.memory_space<hbm>> -> memref<1x2x128xi32, #tpu.memory_space<hbm>>
      %dma_wait3A_404 = tpu.memref_squeeze %dma_wait3A_403 : memref<1x2x128xi32, #tpu.memory_space<hbm>> -> memref<2x128xi32, #tpu.memory_space<hbm>>
      tpu.wait_dma2 semaphore(%arg14 : memref<!tpu.dma_semaphore, #tpu.memory_space<semaphore_mem>>) src(%dma_wait3A_404 : memref<2x128xi32, #tpu.memory_space<hbm>>) dst(%arg10 : memref<2x128xi32, #tpu.memory_space<vmem>>)
      %dma_wait3A_405 = arith.constant 1 : i32
      %dma_wait3A_406 = arith.constant 0 : i32
      %dma_wait3A_407 = tpu.memref_slice %arg8[%dma_wait3A_405, %dma_wait3A_406] : memref<2x128xi32, #tpu.memory_space<vmem>> -> memref<1x128xi32, #tpu.memory_space<vmem>>
      %dma_wait3A_408 = tpu.memref_squeeze %dma_wait3A_407 : memref<1x128xi32, #tpu.memory_space<vmem>> -> memref<128xi32, #tpu.memory_space<vmem>>
      %dma_wait3A_409 = arith.constant 0 : i32
      %dma_wait3A_410 = arith.constant 0 : i32
      %dma_wait3A_411 = tpu.memref_slice %arg21[%dma_wait3A_409, %dma_wait3A_410] : memref<10240x128xf32, #tpu.memory_space<vmem_shared>> -> memref<10240x128xf32, #tpu.memory_space<vmem_shared>>
      tpu.wait_indirect_dma semaphore(%arg20 : memref<!tpu.dma_semaphore, #tpu.memory_space<semaphore_mem>>) src(%arg16 : memref<128x128xf32, #tpu.memory_space<vmem>>) dst(%dma_wait3A_411 : memref<10240x128xf32, #tpu.memory_space<vmem_shared>>)
      %add3A_412 = arith.constant 2 : i32
      %add3A_413 = arith.addi %add3A_395, %add3A_412 : i32
      %add3A_414 = arith.addi %mul3A_4, %add3A_413 : i32
      %dma_start3A_415 = arith.constant 0 : i32
      %dma_start3A_416 = arith.constant 0 : i32
      %dma_start3A_417 = tpu.memref_slice %arg2[%add3A_414, %dma_start3A_415, %dma_start3A_416] : memref<2562x2x128xi32, #tpu.memory_space<hbm>> -> memref<1x2x128xi32, #tpu.memory_space<hbm>>
      %dma_start3A_418 = tpu.memref_squeeze %dma_start3A_417 : memref<1x2x128xi32, #tpu.memory_space<hbm>> -> memref<2x128xi32, #tpu.memory_space<hbm>>
      %dma_start3A_419 = arith.constant 0 : i32
      %dma_start3A_420 = arith.constant 0 : i32
      %dma_start3A_421 = tpu.memref_slice %arg2[%add3A_414, %dma_start3A_419, %dma_start3A_420] : memref<2562x2x128xi32, #tpu.memory_space<hbm>> -> memref<1x2x128xi32, #tpu.memory_space<hbm>>
      %dma_start3A_422 = tpu.memref_squeeze %dma_start3A_421 : memref<1x2x128xi32, #tpu.memory_space<hbm>> -> memref<2x128xi32, #tpu.memory_space<hbm>>
      tpu.enqueue_dma source(%dma_start3A_422 : memref<2x128xi32, #tpu.memory_space<hbm>>) target(%arg8 : memref<2x128xi32, #tpu.memory_space<vmem>>) target_semaphore(%arg12 : memref<!tpu.dma_semaphore, #tpu.memory_space<semaphore_mem>>)
      %dma_start3A_423 = arith.constant 0 : i32
      %dma_start3A_424 = arith.constant 0 : i32
      %dma_start3A_425 = tpu.memref_slice %arg10[%dma_start3A_423, %dma_start3A_424] : memref<2x128xi32, #tpu.memory_space<vmem>> -> memref<1x128xi32, #tpu.memory_space<vmem>>
      %dma_start3A_426 = tpu.memref_squeeze %dma_start3A_425 : memref<1x128xi32, #tpu.memory_space<vmem>> -> memref<128xi32, #tpu.memory_space<vmem>>
      %dma_start3A_427 = arith.constant 0 : i32
      %dma_start3A_428 = arith.constant 0 : i32
      %dma_start3A_429 = tpu.memref_slice %arg3[%dma_start3A_427, %dma_start3A_428] : memref<10240x128xf32, #tpu.memory_space<hbm>> -> memref<10240x128xf32, #tpu.memory_space<hbm>>
      tpu.enqueue_indirect_dma source(%dma_start3A_429 : memref<10240x128xf32, #tpu.memory_space<hbm>>) target(%arg16 : memref<128x128xf32, #tpu.memory_space<vmem>>) offsets(%dma_start3A_426 : memref<128xi32, #tpu.memory_space<vmem>>) semaphore(%arg18 : memref<!tpu.dma_semaphore, #tpu.memory_space<semaphore_mem>>)
      %dma_wait3A_430 = arith.constant 0 : i32
      %dma_wait3A_431 = arith.constant 0 : i32
      %dma_wait3A_432 = tpu.memref_slice %arg10[%dma_wait3A_430, %dma_wait3A_431] : memref<2x128xi32, #tpu.memory_space<vmem>> -> memref<1x128xi32, #tpu.memory_space<vmem>>
      %dma_wait3A_433 = tpu.memref_squeeze %dma_wait3A_432 : memref<1x128xi32, #tpu.memory_space<vmem>> -> memref<128xi32, #tpu.memory_space<vmem>>
      %dma_wait3A_434 = arith.constant 0 : i32
      %dma_wait3A_435 = arith.constant 0 : i32
      %dma_wait3A_436 = tpu.memref_slice %arg3[%dma_wait3A_434, %dma_wait3A_435] : memref<10240x128xf32, #tpu.memory_space<hbm>> -> memref<10240x128xf32, #tpu.memory_space<hbm>>
      tpu.wait_indirect_dma semaphore(%arg18 : memref<!tpu.dma_semaphore, #tpu.memory_space<semaphore_mem>>) src(%dma_wait3A_436 : memref<10240x128xf32, #tpu.memory_space<hbm>>) dst(%arg16 : memref<128x128xf32, #tpu.memory_space<vmem>>)
      %dma_start3A_437 = arith.constant 1 : i32
      %dma_start3A_438 = arith.constant 0 : i32
      %dma_start3A_439 = tpu.memref_slice %arg10[%dma_start3A_437, %dma_start3A_438] : memref<2x128xi32, #tpu.memory_space<vmem>> -> memref<1x128xi32, #tpu.memory_space<vmem>>
      %dma_start3A_440 = tpu.memref_squeeze %dma_start3A_439 : memref<1x128xi32, #tpu.memory_space<vmem>> -> memref<128xi32, #tpu.memory_space<vmem>>
      %dma_start3A_441 = arith.constant 0 : i32
      %dma_start3A_442 = arith.constant 0 : i32
      %dma_start3A_443 = tpu.memref_slice %arg21[%dma_start3A_441, %dma_start3A_442] : memref<10240x128xf32, #tpu.memory_space<vmem_shared>> -> memref<10240x128xf32, #tpu.memory_space<vmem_shared>>
      tpu.enqueue_indirect_dma source(%arg16 : memref<128x128xf32, #tpu.memory_space<vmem>>) target(%dma_start3A_443 : memref<10240x128xf32, #tpu.memory_space<vmem_shared>>) offsets(%dma_start3A_440 : memref<128xi32, #tpu.memory_space<vmem>>) semaphore(%arg20 : memref<!tpu.dma_semaphore, #tpu.memory_space<semaphore_mem>>) {add = true}
    }
    %scan3A_205 = arith.constant 19 : i32
    %dma_wait3A_206 = arith.constant 1 : i32
    %dma_wait3A_207 = arith.constant 0 : i32
    %dma_wait3A_208 = tpu.memref_slice %arg9[%dma_wait3A_206, %dma_wait3A_207] : memref<2x128xi32, #tpu.memory_space<vmem>> -> memref<1x128xi32, #tpu.memory_space<vmem>>
    %dma_wait3A_209 = tpu.memref_squeeze %dma_wait3A_208 : memref<1x128xi32, #tpu.memory_space<vmem>> -> memref<128xi32, #tpu.memory_space<vmem>>
    %dma_wait3A_210 = arith.constant 0 : i32
    %dma_wait3A_211 = arith.constant 0 : i32
    %dma_wait3A_212 = tpu.memref_slice %arg21[%dma_wait3A_210, %dma_wait3A_211] : memref<10240x128xf32, #tpu.memory_space<vmem_shared>> -> memref<10240x128xf32, #tpu.memory_space<vmem_shared>>
    tpu.wait_indirect_dma semaphore(%arg19 : memref<!tpu.dma_semaphore, #tpu.memory_space<semaphore_mem>>) src(%arg15 : memref<128x128xf32, #tpu.memory_space<vmem>>) dst(%dma_wait3A_212 : memref<10240x128xf32, #tpu.memory_space<vmem_shared>>)
    %dma_wait3A_213 = arith.constant 1 : i32
    %dma_wait3A_214 = arith.constant 0 : i32
    %dma_wait3A_215 = tpu.memref_slice %arg10[%dma_wait3A_213, %dma_wait3A_214] : memref<2x128xi32, #tpu.memory_space<vmem>> -> memref<1x128xi32, #tpu.memory_space<vmem>>
    %dma_wait3A_216 = tpu.memref_squeeze %dma_wait3A_215 : memref<1x128xi32, #tpu.memory_space<vmem>> -> memref<128xi32, #tpu.memory_space<vmem>>
    %dma_wait3A_217 = arith.constant 0 : i32
    %dma_wait3A_218 = arith.constant 0 : i32
    %dma_wait3A_219 = tpu.memref_slice %arg21[%dma_wait3A_217, %dma_wait3A_218] : memref<10240x128xf32, #tpu.memory_space<vmem_shared>> -> memref<10240x128xf32, #tpu.memory_space<vmem_shared>>
    tpu.wait_indirect_dma semaphore(%arg20 : memref<!tpu.dma_semaphore, #tpu.memory_space<semaphore_mem>>) src(%arg16 : memref<128x128xf32, #tpu.memory_space<vmem>>) dst(%dma_wait3A_219 : memref<10240x128xf32, #tpu.memory_space<vmem_shared>>)
    %add3A_220 = arith.constant 80 : i32
    %add3A_221 = arith.addi %mul3A_4, %add3A_220 : i32
    %dma_wait3A_222 = arith.constant 0 : i32
    %dma_wait3A_223 = arith.constant 0 : i32
    %dma_wait3A_224 = tpu.memref_slice %arg2[%add3A_221, %dma_wait3A_222, %dma_wait3A_223] : memref<2562x2x128xi32, #tpu.memory_space<hbm>> -> memref<1x2x128xi32, #tpu.memory_space<hbm>>
    %dma_wait3A_225 = tpu.memref_squeeze %dma_wait3A_224 : memref<1x2x128xi32, #tpu.memory_space<hbm>> -> memref<2x128xi32, #tpu.memory_space<hbm>>
    %dma_wait3A_226 = arith.constant 0 : i32
    %dma_wait3A_227 = arith.constant 0 : i32
    %dma_wait3A_228 = tpu.memref_slice %arg2[%add3A_221, %dma_wait3A_226, %dma_wait3A_227] : memref<2562x2x128xi32, #tpu.memory_space<hbm>> -> memref<1x2x128xi32, #tpu.memory_space<hbm>>
    %dma_wait3A_229 = tpu.memref_squeeze %dma_wait3A_228 : memref<1x2x128xi32, #tpu.memory_space<hbm>> -> memref<2x128xi32, #tpu.memory_space<hbm>>
    tpu.wait_dma2 semaphore(%arg11 : memref<!tpu.dma_semaphore, #tpu.memory_space<semaphore_mem>>) src(%dma_wait3A_229 : memref<2x128xi32, #tpu.memory_space<hbm>>) dst(%arg7 : memref<2x128xi32, #tpu.memory_space<vmem>>)
    %add3A_230 = arith.constant 81 : i32
    %add3A_231 = arith.addi %mul3A_4, %add3A_230 : i32
    %dma_wait3A_232 = arith.constant 0 : i32
    %dma_wait3A_233 = arith.constant 0 : i32
    %dma_wait3A_234 = tpu.memref_slice %arg2[%add3A_231, %dma_wait3A_232, %dma_wait3A_233] : memref<2562x2x128xi32, #tpu.memory_space<hbm>> -> memref<1x2x128xi32, #tpu.memory_space<hbm>>
    %dma_wait3A_235 = tpu.memref_squeeze %dma_wait3A_234 : memref<1x2x128xi32, #tpu.memory_space<hbm>> -> memref<2x128xi32, #tpu.memory_space<hbm>>
    %dma_wait3A_236 = arith.constant 0 : i32
    %dma_wait3A_237 = arith.constant 0 : i32
    %dma_wait3A_238 = tpu.memref_slice %arg2[%add3A_231, %dma_wait3A_236, %dma_wait3A_237] : memref<2562x2x128xi32, #tpu.memory_space<hbm>> -> memref<1x2x128xi32, #tpu.memory_space<hbm>>
    %dma_wait3A_239 = tpu.memref_squeeze %dma_wait3A_238 : memref<1x2x128xi32, #tpu.memory_space<hbm>> -> memref<2x128xi32, #tpu.memory_space<hbm>>
    tpu.wait_dma2 semaphore(%arg12 : memref<!tpu.dma_semaphore, #tpu.memory_space<semaphore_mem>>) src(%dma_wait3A_239 : memref<2x128xi32, #tpu.memory_space<hbm>>) dst(%arg8 : memref<2x128xi32, #tpu.memory_space<vmem>>)
    %barrier3A_240 = arith.constant 0 : index
    tpu.barrier barrier_id(%barrier3A_240)
    "tpu.region"() ({
      %run_scoped3A = tpu.sem_alloc : memref<!tpu.dma_semaphore, #tpu.memory_space<semaphore_mem>>
      %dma_start3A_241 = arith.constant 0 : i32
      %dma_start3A_242 = tpu.memref_slice %arg6[%arg0, %mul3A_0, %dma_start3A_241] : memref<2x10240x128xf32, #tpu.memory_space<hbm>> -> memref<1x640x128xf32, #tpu.memory_space<hbm>>
      %dma_start3A_243 = tpu.memref_squeeze %dma_start3A_242 : memref<1x640x128xf32, #tpu.memory_space<hbm>> -> memref<640x128xf32, #tpu.memory_space<hbm>>
      %dma_start3A_244 = arith.constant 0 : i32
      %dma_start3A_245 = tpu.memref_slice %arg21[%mul3A_0, %dma_start3A_244] : memref<10240x128xf32, #tpu.memory_space<vmem_shared>> -> memref<640x128xf32, #tpu.memory_space<vmem_shared>>
      tpu.enqueue_dma source(%dma_start3A_245 : memref<640x128xf32, #tpu.memory_space<vmem_shared>>) target(%dma_start3A_243 : memref<640x128xf32, #tpu.memory_space<hbm>>) target_semaphore(%run_scoped3A : memref<!tpu.dma_semaphore, #tpu.memory_space<semaphore_mem>>)
      %dma_wait3A_246 = arith.constant 0 : i32
      %dma_wait3A_247 = tpu.memref_slice %arg6[%arg0, %mul3A_0, %dma_wait3A_246] : memref<2x10240x128xf32, #tpu.memory_space<hbm>> -> memref<1x640x128xf32, #tpu.memory_space<hbm>>
      %dma_wait3A_248 = tpu.memref_squeeze %dma_wait3A_247 : memref<1x640x128xf32, #tpu.memory_space<hbm>> -> memref<640x128xf32, #tpu.memory_space<hbm>>
      %dma_wait3A_249 = arith.constant 0 : i32
      %dma_wait3A_250 = tpu.memref_slice %arg21[%mul3A_0, %dma_wait3A_249] : memref<10240x128xf32, #tpu.memory_space<vmem_shared>> -> memref<640x128xf32, #tpu.memory_space<vmem_shared>>
      tpu.wait_dma2 semaphore(%run_scoped3A : memref<!tpu.dma_semaphore, #tpu.memory_space<semaphore_mem>>) src(%dma_wait3A_250 : memref<640x128xf32, #tpu.memory_space<vmem_shared>>) dst(%dma_wait3A_248 : memref<640x128xf32, #tpu.memory_space<hbm>>)
      tpu.yield
    }) : () -> ()
    return
  }
}

#map = affine_map<(d0, d1) -> (0)>
#map1 = affine_map<(d0, d1) -> (0, 0)>
#map2 = affine_map<(d0, d1) -> (0, 0, 0)>
module attributes {stable_mosaic.version = 14 : i64} {
  func.func @body(%arg0: i32, %arg1: i32, %arg2: memref<327936xi32, #tpu.memory_space<hbm>>, %arg3: memref<128x128xf32, #tpu.memory_space<hbm>>, %arg4: memref<10240x128xf32, #tpu.memory_space<hbm>>, %arg5: memref<2x10240x128xf32, #tpu.memory_space<hbm>>, %arg6: memref<128xi32, #tpu.memory_space<vmem>>, %arg7: memref<128xi32, #tpu.memory_space<vmem>>, %arg8: memref<128x128xf32, #tpu.memory_space<vmem>>, %arg9: memref<10240x128xf32, #tpu.memory_space<vmem_shared>>, %arg10: memref<!tpu.dma_semaphore, #tpu.memory_space<semaphore_mem>>, %arg11: memref<!tpu.dma_semaphore, #tpu.memory_space<semaphore_mem>>) attributes {dimension_semantics = [#tpu.dimension_semantics<core_parallel>, #tpu.dimension_semantics<subcore_parallel>], iteration_bounds = array<i64: 2, 16>, scalar_prefetch = 0 : i64, scratch_operands = 6 : i64, tpu.core_type = #tpu.core_type<sc_vector_subcore>, window_params = [{transform_indices = #map}, {transform_indices = #map1}, {transform_indices = #map1}, {transform_indices = #map2}]} {
    %mul3A = arith.constant 640 : i32
    %mul3A_0 = arith.muli %arg1, %mul3A : i32
    "tpu.region"() ({
      %run_scoped3A = tpu.sem_alloc : memref<!tpu.dma_semaphore, #tpu.memory_space<semaphore_mem>>
      %dma_start3A_25 = arith.constant 0 : i32
      %dma_start3A_26 = tpu.memref_slice %arg9[%mul3A_0, %dma_start3A_25] : memref<10240x128xf32, #tpu.memory_space<vmem_shared>> -> memref<640x128xf32, #tpu.memory_space<vmem_shared>>
      %dma_start3A_27 = arith.constant 0 : i32
      %dma_start3A_28 = tpu.memref_slice %arg4[%mul3A_0, %dma_start3A_27] : memref<10240x128xf32, #tpu.memory_space<hbm>> -> memref<640x128xf32, #tpu.memory_space<hbm>>
      tpu.enqueue_dma source(%dma_start3A_28 : memref<640x128xf32, #tpu.memory_space<hbm>>) target(%dma_start3A_26 : memref<640x128xf32, #tpu.memory_space<vmem_shared>>) target_semaphore(%run_scoped3A : memref<!tpu.dma_semaphore, #tpu.memory_space<semaphore_mem>>)
      %dma_wait3A_29 = arith.constant 0 : i32
      %dma_wait3A_30 = tpu.memref_slice %arg9[%mul3A_0, %dma_wait3A_29] : memref<10240x128xf32, #tpu.memory_space<vmem_shared>> -> memref<640x128xf32, #tpu.memory_space<vmem_shared>>
      %dma_wait3A_31 = arith.constant 0 : i32
      %dma_wait3A_32 = tpu.memref_slice %arg4[%mul3A_0, %dma_wait3A_31] : memref<10240x128xf32, #tpu.memory_space<hbm>> -> memref<640x128xf32, #tpu.memory_space<hbm>>
      tpu.wait_dma2 semaphore(%run_scoped3A : memref<!tpu.dma_semaphore, #tpu.memory_space<semaphore_mem>>) src(%dma_wait3A_32 : memref<640x128xf32, #tpu.memory_space<hbm>>) dst(%dma_wait3A_30 : memref<640x128xf32, #tpu.memory_space<vmem_shared>>)
      tpu.yield
    }) : () -> ()
    "tpu.region"() ({
      %run_scoped3A = tpu.sem_alloc : memref<!tpu.dma_semaphore, #tpu.memory_space<semaphore_mem>>
      tpu.enqueue_dma source(%arg3 : memref<128x128xf32, #tpu.memory_space<hbm>>) target(%arg8 : memref<128x128xf32, #tpu.memory_space<vmem>>) target_semaphore(%run_scoped3A : memref<!tpu.dma_semaphore, #tpu.memory_space<semaphore_mem>>)
      tpu.wait_dma2 semaphore(%run_scoped3A : memref<!tpu.dma_semaphore, #tpu.memory_space<semaphore_mem>>) src(%arg3 : memref<128x128xf32, #tpu.memory_space<hbm>>) dst(%arg8 : memref<128x128xf32, #tpu.memory_space<vmem>>)
      tpu.yield
    }) : () -> ()
    %barrier3A = arith.constant 0 : index
    tpu.barrier barrier_id(%barrier3A)
    %mul3A_1 = arith.constant 16 : i32
    %mul3A_2 = arith.muli %arg0, %mul3A_1 : i32
    %add3A = arith.addi %mul3A_2, %arg1 : i32
    %mul3A_3 = arith.constant 10240 : i32
    %mul3A_4 = arith.muli %add3A, %mul3A_3 : i32
    %add3A_5 = arith.constant 0 : i32
    %add3A_6 = arith.addi %mul3A_4, %add3A_5 : i32
    "tpu.region"() ({
      %run_scoped3A = tpu.sem_alloc : memref<!tpu.dma_semaphore, #tpu.memory_space<semaphore_mem>>
      %dma_start3A_25 = tpu.memref_slice %arg2[%add3A_6] : memref<327936xi32, #tpu.memory_space<hbm>> -> memref<128xi32, #tpu.memory_space<hbm>>
      %dma_start3A_26 = tpu.memref_slice %arg2[%add3A_6] : memref<327936xi32, #tpu.memory_space<hbm>> -> memref<128xi32, #tpu.memory_space<hbm>>
      tpu.enqueue_dma source(%dma_start3A_26 : memref<128xi32, #tpu.memory_space<hbm>>) target(%arg6 : memref<128xi32, #tpu.memory_space<vmem>>) target_semaphore(%run_scoped3A : memref<!tpu.dma_semaphore, #tpu.memory_space<semaphore_mem>>)
      %dma_wait3A_27 = tpu.memref_slice %arg2[%add3A_6] : memref<327936xi32, #tpu.memory_space<hbm>> -> memref<128xi32, #tpu.memory_space<hbm>>
      %dma_wait3A_28 = tpu.memref_slice %arg2[%add3A_6] : memref<327936xi32, #tpu.memory_space<hbm>> -> memref<128xi32, #tpu.memory_space<hbm>>
      tpu.wait_dma2 semaphore(%run_scoped3A : memref<!tpu.dma_semaphore, #tpu.memory_space<semaphore_mem>>) src(%dma_wait3A_28 : memref<128xi32, #tpu.memory_space<hbm>>) dst(%arg6 : memref<128xi32, #tpu.memory_space<vmem>>)
      tpu.yield
    }) : () -> ()
    %dma_start3A = arith.constant 0 : i32
    %dma_start3A_7 = arith.constant 0 : i32
    %dma_start3A_8 = tpu.memref_slice %arg9[%dma_start3A, %dma_start3A_7] : memref<10240x128xf32, #tpu.memory_space<vmem_shared>> -> memref<10240x128xf32, #tpu.memory_space<vmem_shared>>
    tpu.enqueue_indirect_dma source(%arg8 : memref<128x128xf32, #tpu.memory_space<vmem>>) target(%dma_start3A_8 : memref<10240x128xf32, #tpu.memory_space<vmem_shared>>) offsets(%arg6 : memref<128xi32, #tpu.memory_space<vmem>>) semaphore(%arg10 : memref<!tpu.dma_semaphore, #tpu.memory_space<semaphore_mem>>) {add = true}
    %add3A_9 = arith.constant 128 : i32
    %add3A_10 = arith.addi %mul3A_4, %add3A_9 : i32
    "tpu.region"() ({
      %run_scoped3A = tpu.sem_alloc : memref<!tpu.dma_semaphore, #tpu.memory_space<semaphore_mem>>
      %dma_start3A_25 = tpu.memref_slice %arg2[%add3A_10] : memref<327936xi32, #tpu.memory_space<hbm>> -> memref<128xi32, #tpu.memory_space<hbm>>
      %dma_start3A_26 = tpu.memref_slice %arg2[%add3A_10] : memref<327936xi32, #tpu.memory_space<hbm>> -> memref<128xi32, #tpu.memory_space<hbm>>
      tpu.enqueue_dma source(%dma_start3A_26 : memref<128xi32, #tpu.memory_space<hbm>>) target(%arg7 : memref<128xi32, #tpu.memory_space<vmem>>) target_semaphore(%run_scoped3A : memref<!tpu.dma_semaphore, #tpu.memory_space<semaphore_mem>>)
      %dma_wait3A_27 = tpu.memref_slice %arg2[%add3A_10] : memref<327936xi32, #tpu.memory_space<hbm>> -> memref<128xi32, #tpu.memory_space<hbm>>
      %dma_wait3A_28 = tpu.memref_slice %arg2[%add3A_10] : memref<327936xi32, #tpu.memory_space<hbm>> -> memref<128xi32, #tpu.memory_space<hbm>>
      tpu.wait_dma2 semaphore(%run_scoped3A : memref<!tpu.dma_semaphore, #tpu.memory_space<semaphore_mem>>) src(%dma_wait3A_28 : memref<128xi32, #tpu.memory_space<hbm>>) dst(%arg7 : memref<128xi32, #tpu.memory_space<vmem>>)
      tpu.yield
    }) : () -> ()
    %dma_start3A_11 = arith.constant 0 : i32
    %dma_start3A_12 = arith.constant 0 : i32
    %dma_start3A_13 = tpu.memref_slice %arg9[%dma_start3A_11, %dma_start3A_12] : memref<10240x128xf32, #tpu.memory_space<vmem_shared>> -> memref<10240x128xf32, #tpu.memory_space<vmem_shared>>
    tpu.enqueue_indirect_dma source(%arg8 : memref<128x128xf32, #tpu.memory_space<vmem>>) target(%dma_start3A_13 : memref<10240x128xf32, #tpu.memory_space<vmem_shared>>) offsets(%arg7 : memref<128xi32, #tpu.memory_space<vmem>>) semaphore(%arg11 : memref<!tpu.dma_semaphore, #tpu.memory_space<semaphore_mem>>) {add = true}
    %scan3A = arith.constant 0 : i32
    %scan3A_14 = arith.constant 1 : i32
    %scan3A_15 = arith.constant 39 : i32
    %scan3A_16 = arith.addi %scan3A_14, %scan3A_15 : i32
    %scan3A_17 = arith.constant 1 : i32
    scf.for %scan3A_25 = %scan3A_14 to %scan3A_16 step %scan3A_17  : i32 {
      %dma_wait3A_26 = arith.constant 0 : i32
      %dma_wait3A_27 = arith.constant 0 : i32
      %dma_wait3A_28 = tpu.memref_slice %arg9[%dma_wait3A_26, %dma_wait3A_27] : memref<10240x128xf32, #tpu.memory_space<vmem_shared>> -> memref<10240x128xf32, #tpu.memory_space<vmem_shared>>
      tpu.wait_indirect_dma semaphore(%arg10 : memref<!tpu.dma_semaphore, #tpu.memory_space<semaphore_mem>>) src(%arg8 : memref<128x128xf32, #tpu.memory_space<vmem>>) dst(%dma_wait3A_28 : memref<10240x128xf32, #tpu.memory_space<vmem_shared>>)
      %mul3A_29 = arith.constant 2 : i32
      %mul3A_30 = arith.muli %mul3A_29, %scan3A_25 : i32
      %mul3A_31 = arith.constant 128 : i32
      %mul3A_32 = arith.muli %mul3A_30, %mul3A_31 : i32
      %add3A_33 = arith.addi %mul3A_4, %mul3A_32 : i32
      "tpu.region"() ({
        %run_scoped3A = tpu.sem_alloc : memref<!tpu.dma_semaphore, #tpu.memory_space<semaphore_mem>>
        %dma_start3A_50 = tpu.memref_slice %arg2[%add3A_33] : memref<327936xi32, #tpu.memory_space<hbm>> -> memref<128xi32, #tpu.memory_space<hbm>>
        %dma_start3A_51 = tpu.memref_slice %arg2[%add3A_33] : memref<327936xi32, #tpu.memory_space<hbm>> -> memref<128xi32, #tpu.memory_space<hbm>>
        tpu.enqueue_dma source(%dma_start3A_51 : memref<128xi32, #tpu.memory_space<hbm>>) target(%arg6 : memref<128xi32, #tpu.memory_space<vmem>>) target_semaphore(%run_scoped3A : memref<!tpu.dma_semaphore, #tpu.memory_space<semaphore_mem>>)
        %dma_wait3A_52 = tpu.memref_slice %arg2[%add3A_33] : memref<327936xi32, #tpu.memory_space<hbm>> -> memref<128xi32, #tpu.memory_space<hbm>>
        %dma_wait3A_53 = tpu.memref_slice %arg2[%add3A_33] : memref<327936xi32, #tpu.memory_space<hbm>> -> memref<128xi32, #tpu.memory_space<hbm>>
        tpu.wait_dma2 semaphore(%run_scoped3A : memref<!tpu.dma_semaphore, #tpu.memory_space<semaphore_mem>>) src(%dma_wait3A_53 : memref<128xi32, #tpu.memory_space<hbm>>) dst(%arg6 : memref<128xi32, #tpu.memory_space<vmem>>)
        tpu.yield
      }) : () -> ()
      %dma_start3A_34 = arith.constant 0 : i32
      %dma_start3A_35 = arith.constant 0 : i32
      %dma_start3A_36 = tpu.memref_slice %arg9[%dma_start3A_34, %dma_start3A_35] : memref<10240x128xf32, #tpu.memory_space<vmem_shared>> -> memref<10240x128xf32, #tpu.memory_space<vmem_shared>>
      tpu.enqueue_indirect_dma source(%arg8 : memref<128x128xf32, #tpu.memory_space<vmem>>) target(%dma_start3A_36 : memref<10240x128xf32, #tpu.memory_space<vmem_shared>>) offsets(%arg6 : memref<128xi32, #tpu.memory_space<vmem>>) semaphore(%arg10 : memref<!tpu.dma_semaphore, #tpu.memory_space<semaphore_mem>>) {add = true}
      %dma_wait3A_37 = arith.constant 0 : i32
      %dma_wait3A_38 = arith.constant 0 : i32
      %dma_wait3A_39 = tpu.memref_slice %arg9[%dma_wait3A_37, %dma_wait3A_38] : memref<10240x128xf32, #tpu.memory_space<vmem_shared>> -> memref<10240x128xf32, #tpu.memory_space<vmem_shared>>
      tpu.wait_indirect_dma semaphore(%arg11 : memref<!tpu.dma_semaphore, #tpu.memory_space<semaphore_mem>>) src(%arg8 : memref<128x128xf32, #tpu.memory_space<vmem>>) dst(%dma_wait3A_39 : memref<10240x128xf32, #tpu.memory_space<vmem_shared>>)
      %mul3A_40 = arith.constant 2 : i32
      %mul3A_41 = arith.muli %mul3A_40, %scan3A_25 : i32
      %add3A_42 = arith.constant 1 : i32
      %add3A_43 = arith.addi %mul3A_41, %add3A_42 : i32
      %mul3A_44 = arith.constant 128 : i32
      %mul3A_45 = arith.muli %add3A_43, %mul3A_44 : i32
      %add3A_46 = arith.addi %mul3A_4, %mul3A_45 : i32
      "tpu.region"() ({
        %run_scoped3A = tpu.sem_alloc : memref<!tpu.dma_semaphore, #tpu.memory_space<semaphore_mem>>
        %dma_start3A_50 = tpu.memref_slice %arg2[%add3A_46] : memref<327936xi32, #tpu.memory_space<hbm>> -> memref<128xi32, #tpu.memory_space<hbm>>
        %dma_start3A_51 = tpu.memref_slice %arg2[%add3A_46] : memref<327936xi32, #tpu.memory_space<hbm>> -> memref<128xi32, #tpu.memory_space<hbm>>
        tpu.enqueue_dma source(%dma_start3A_51 : memref<128xi32, #tpu.memory_space<hbm>>) target(%arg7 : memref<128xi32, #tpu.memory_space<vmem>>) target_semaphore(%run_scoped3A : memref<!tpu.dma_semaphore, #tpu.memory_space<semaphore_mem>>)
        %dma_wait3A_52 = tpu.memref_slice %arg2[%add3A_46] : memref<327936xi32, #tpu.memory_space<hbm>> -> memref<128xi32, #tpu.memory_space<hbm>>
        %dma_wait3A_53 = tpu.memref_slice %arg2[%add3A_46] : memref<327936xi32, #tpu.memory_space<hbm>> -> memref<128xi32, #tpu.memory_space<hbm>>
        tpu.wait_dma2 semaphore(%run_scoped3A : memref<!tpu.dma_semaphore, #tpu.memory_space<semaphore_mem>>) src(%dma_wait3A_53 : memref<128xi32, #tpu.memory_space<hbm>>) dst(%arg7 : memref<128xi32, #tpu.memory_space<vmem>>)
        tpu.yield
      }) : () -> ()
      %dma_start3A_47 = arith.constant 0 : i32
      %dma_start3A_48 = arith.constant 0 : i32
      %dma_start3A_49 = tpu.memref_slice %arg9[%dma_start3A_47, %dma_start3A_48] : memref<10240x128xf32, #tpu.memory_space<vmem_shared>> -> memref<10240x128xf32, #tpu.memory_space<vmem_shared>>
      tpu.enqueue_indirect_dma source(%arg8 : memref<128x128xf32, #tpu.memory_space<vmem>>) target(%dma_start3A_49 : memref<10240x128xf32, #tpu.memory_space<vmem_shared>>) offsets(%arg7 : memref<128xi32, #tpu.memory_space<vmem>>) semaphore(%arg11 : memref<!tpu.dma_semaphore, #tpu.memory_space<semaphore_mem>>) {add = true}
    }
    %scan3A_18 = arith.constant 39 : i32
    %dma_wait3A = arith.constant 0 : i32
    %dma_wait3A_19 = arith.constant 0 : i32
    %dma_wait3A_20 = tpu.memref_slice %arg9[%dma_wait3A, %dma_wait3A_19] : memref<10240x128xf32, #tpu.memory_space<vmem_shared>> -> memref<10240x128xf32, #tpu.memory_space<vmem_shared>>
    tpu.wait_indirect_dma semaphore(%arg10 : memref<!tpu.dma_semaphore, #tpu.memory_space<semaphore_mem>>) src(%arg8 : memref<128x128xf32, #tpu.memory_space<vmem>>) dst(%dma_wait3A_20 : memref<10240x128xf32, #tpu.memory_space<vmem_shared>>)
    %dma_wait3A_21 = arith.constant 0 : i32
    %dma_wait3A_22 = arith.constant 0 : i32
    %dma_wait3A_23 = tpu.memref_slice %arg9[%dma_wait3A_21, %dma_wait3A_22] : memref<10240x128xf32, #tpu.memory_space<vmem_shared>> -> memref<10240x128xf32, #tpu.memory_space<vmem_shared>>
    tpu.wait_indirect_dma semaphore(%arg11 : memref<!tpu.dma_semaphore, #tpu.memory_space<semaphore_mem>>) src(%arg8 : memref<128x128xf32, #tpu.memory_space<vmem>>) dst(%dma_wait3A_23 : memref<10240x128xf32, #tpu.memory_space<vmem_shared>>)
    %barrier3A_24 = arith.constant 0 : index
    tpu.barrier barrier_id(%barrier3A_24)
    "tpu.region"() ({
      %run_scoped3A = tpu.sem_alloc : memref<!tpu.dma_semaphore, #tpu.memory_space<semaphore_mem>>
      %dma_start3A_25 = arith.constant 0 : i32
      %dma_start3A_26 = tpu.memref_slice %arg5[%arg0, %mul3A_0, %dma_start3A_25] : memref<2x10240x128xf32, #tpu.memory_space<hbm>> -> memref<1x640x128xf32, #tpu.memory_space<hbm>>
      %dma_start3A_27 = tpu.memref_squeeze %dma_start3A_26 : memref<1x640x128xf32, #tpu.memory_space<hbm>> -> memref<640x128xf32, #tpu.memory_space<hbm>>
      %dma_start3A_28 = arith.constant 0 : i32
      %dma_start3A_29 = tpu.memref_slice %arg9[%mul3A_0, %dma_start3A_28] : memref<10240x128xf32, #tpu.memory_space<vmem_shared>> -> memref<640x128xf32, #tpu.memory_space<vmem_shared>>
      tpu.enqueue_dma source(%dma_start3A_29 : memref<640x128xf32, #tpu.memory_space<vmem_shared>>) target(%dma_start3A_27 : memref<640x128xf32, #tpu.memory_space<hbm>>) target_semaphore(%run_scoped3A : memref<!tpu.dma_semaphore, #tpu.memory_space<semaphore_mem>>)
      %dma_wait3A_30 = arith.constant 0 : i32
      %dma_wait3A_31 = tpu.memref_slice %arg5[%arg0, %mul3A_0, %dma_wait3A_30] : memref<2x10240x128xf32, #tpu.memory_space<hbm>> -> memref<1x640x128xf32, #tpu.memory_space<hbm>>
      %dma_wait3A_32 = tpu.memref_squeeze %dma_wait3A_31 : memref<1x640x128xf32, #tpu.memory_space<hbm>> -> memref<640x128xf32, #tpu.memory_space<hbm>>
      %dma_wait3A_33 = arith.constant 0 : i32
      %dma_wait3A_34 = tpu.memref_slice %arg9[%mul3A_0, %dma_wait3A_33] : memref<10240x128xf32, #tpu.memory_space<vmem_shared>> -> memref<640x128xf32, #tpu.memory_space<vmem_shared>>
      tpu.wait_dma2 semaphore(%run_scoped3A : memref<!tpu.dma_semaphore, #tpu.memory_space<semaphore_mem>>) src(%dma_wait3A_34 : memref<640x128xf32, #tpu.memory_space<vmem_shared>>) dst(%dma_wait3A_32 : memref<640x128xf32, #tpu.memory_space<hbm>>)
      tpu.yield
    }) : () -> ()
    return
  }
}

#map = affine_map<(d0, d1) -> (0, 0, 0)>
#map1 = affine_map<(d0, d1) -> (0, 0)>
module attributes {stable_mosaic.version = 14 : i64} {
  func.func @body(%arg0: i32, %arg1: i32, %arg2: memref<2562x2x128xi32, #tpu.memory_space<hbm>>, %arg3: memref<10240x128xf32, #tpu.memory_space<hbm>>, %arg4: memref<10240x128xf32, #tpu.memory_space<hbm>>, %arg5: memref<10240x128xf32, #tpu.memory_space<hbm>>, %arg6: memref<2x10240x128xf32, #tpu.memory_space<hbm>>, %arg7: memref<2x128xi32, #tpu.memory_space<vmem>>, %arg8: memref<2x128xi32, #tpu.memory_space<vmem>>, %arg9: memref<2x128xi32, #tpu.memory_space<vmem>>, %arg10: memref<2x128xi32, #tpu.memory_space<vmem>>, %arg11: memref<!tpu.dma_semaphore, #tpu.memory_space<semaphore_mem>>, %arg12: memref<!tpu.dma_semaphore, #tpu.memory_space<semaphore_mem>>, %arg13: memref<!tpu.dma_semaphore, #tpu.memory_space<semaphore_mem>>, %arg14: memref<!tpu.dma_semaphore, #tpu.memory_space<semaphore_mem>>, %arg15: memref<128x128xf32, #tpu.memory_space<vmem>>, %arg16: memref<128x128xf32, #tpu.memory_space<vmem>>, %arg17: memref<!tpu.dma_semaphore, #tpu.memory_space<semaphore_mem>>, %arg18: memref<!tpu.dma_semaphore, #tpu.memory_space<semaphore_mem>>, %arg19: memref<!tpu.dma_semaphore, #tpu.memory_space<semaphore_mem>>, %arg20: memref<!tpu.dma_semaphore, #tpu.memory_space<semaphore_mem>>, %arg21: memref<10240x128xf32, #tpu.memory_space<vmem_shared>>) attributes {dimension_semantics = [#tpu.dimension_semantics<core_parallel>, #tpu.dimension_semantics<subcore_parallel>], iteration_bounds = array<i64: 2, 16>, scalar_prefetch = 0 : i64, scratch_operands = 15 : i64, tpu.core_type = #tpu.core_type<sc_vector_subcore>, window_params = [{transform_indices = #map}, {transform_indices = #map1}, {transform_indices = #map1}, {transform_indices = #map1}, {transform_indices = #map}]} {
    %mul3A = arith.constant 640 : i32
    %mul3A_0 = arith.muli %arg1, %mul3A : i32
    "tpu.region"() ({
      %run_scoped3A = tpu.sem_alloc : memref<!tpu.dma_semaphore, #tpu.memory_space<semaphore_mem>>
      %dma_start3A = arith.constant 0 : i32
      %dma_start3A_11 = tpu.memref_slice %arg21[%mul3A_0, %dma_start3A] : memref<10240x128xf32, #tpu.memory_space<vmem_shared>> -> memref<640x128xf32, #tpu.memory_space<vmem_shared>>
      %dma_start3A_12 = arith.constant 0 : i32
      %dma_start3A_13 = tpu.memref_slice %arg5[%mul3A_0, %dma_start3A_12] : memref<10240x128xf32, #tpu.memory_space<hbm>> -> memref<640x128xf32, #tpu.memory_space<hbm>>
      tpu.enqueue_dma source(%dma_start3A_13 : memref<640x128xf32, #tpu.memory_space<hbm>>) target(%dma_start3A_11 : memref<640x128xf32, #tpu.memory_space<vmem_shared>>) target_semaphore(%run_scoped3A : memref<!tpu.dma_semaphore, #tpu.memory_space<semaphore_mem>>)
      %dma_wait3A = arith.constant 0 : i32
      %dma_wait3A_14 = tpu.memref_slice %arg21[%mul3A_0, %dma_wait3A] : memref<10240x128xf32, #tpu.memory_space<vmem_shared>> -> memref<640x128xf32, #tpu.memory_space<vmem_shared>>
      %dma_wait3A_15 = arith.constant 0 : i32
      %dma_wait3A_16 = tpu.memref_slice %arg5[%mul3A_0, %dma_wait3A_15] : memref<10240x128xf32, #tpu.memory_space<hbm>> -> memref<640x128xf32, #tpu.memory_space<hbm>>
      tpu.wait_dma2 semaphore(%run_scoped3A : memref<!tpu.dma_semaphore, #tpu.memory_space<semaphore_mem>>) src(%dma_wait3A_16 : memref<640x128xf32, #tpu.memory_space<hbm>>) dst(%dma_wait3A_14 : memref<640x128xf32, #tpu.memory_space<vmem_shared>>)
      tpu.yield
    }) : () -> ()
    %barrier3A = arith.constant 0 : index
    tpu.barrier barrier_id(%barrier3A)
    %mul3A_1 = arith.constant 160 : i32
    %mul3A_2 = arith.muli %arg1, %mul3A_1 : i32
    %eq3A = arith.constant 0 : i32
    %eq3A_3 = arith.cmpi eq, %arg0, %eq3A : i32
    %convert_element_type3A = arith.extui %eq3A_3 : i1 to i32
    %cond3A = arith.constant 0 : i32
    %cond3A_4 = arith.cmpi ne, %convert_element_type3A, %cond3A : i32
    scf.if %cond3A_4 {
      %add3A = arith.constant 0 : i32
      %add3A_11 = arith.addi %mul3A_2, %add3A : i32
      %dma_start3A = arith.constant 0 : i32
      %dma_start3A_12 = arith.constant 0 : i32
      %dma_start3A_13 = tpu.memref_slice %arg2[%add3A_11, %dma_start3A, %dma_start3A_12] : memref<2562x2x128xi32, #tpu.memory_space<hbm>> -> memref<1x2x128xi32, #tpu.memory_space<hbm>>
      %dma_start3A_14 = tpu.memref_squeeze %dma_start3A_13 : memref<1x2x128xi32, #tpu.memory_space<hbm>> -> memref<2x128xi32, #tpu.memory_space<hbm>>
      %dma_start3A_15 = arith.constant 0 : i32
      %dma_start3A_16 = arith.constant 0 : i32
      %dma_start3A_17 = tpu.memref_slice %arg2[%add3A_11, %dma_start3A_15, %dma_start3A_16] : memref<2562x2x128xi32, #tpu.memory_space<hbm>> -> memref<1x2x128xi32, #tpu.memory_space<hbm>>
      %dma_start3A_18 = tpu.memref_squeeze %dma_start3A_17 : memref<1x2x128xi32, #tpu.memory_space<hbm>> -> memref<2x128xi32, #tpu.memory_space<hbm>>
      tpu.enqueue_dma source(%dma_start3A_18 : memref<2x128xi32, #tpu.memory_space<hbm>>) target(%arg7 : memref<2x128xi32, #tpu.memory_space<vmem>>) target_semaphore(%arg11 : memref<!tpu.dma_semaphore, #tpu.memory_space<semaphore_mem>>)
      %add3A_19 = arith.constant 1 : i32
      %add3A_20 = arith.addi %mul3A_2, %add3A_19 : i32
      %dma_start3A_21 = arith.constant 0 : i32
      %dma_start3A_22 = arith.constant 0 : i32
      %dma_start3A_23 = tpu.memref_slice %arg2[%add3A_20, %dma_start3A_21, %dma_start3A_22] : memref<2562x2x128xi32, #tpu.memory_space<hbm>> -> memref<1x2x128xi32, #tpu.memory_space<hbm>>
      %dma_start3A_24 = tpu.memref_squeeze %dma_start3A_23 : memref<1x2x128xi32, #tpu.memory_space<hbm>> -> memref<2x128xi32, #tpu.memory_space<hbm>>
      %dma_start3A_25 = arith.constant 0 : i32
      %dma_start3A_26 = arith.constant 0 : i32
      %dma_start3A_27 = tpu.memref_slice %arg2[%add3A_20, %dma_start3A_25, %dma_start3A_26] : memref<2562x2x128xi32, #tpu.memory_space<hbm>> -> memref<1x2x128xi32, #tpu.memory_space<hbm>>
      %dma_start3A_28 = tpu.memref_squeeze %dma_start3A_27 : memref<1x2x128xi32, #tpu.memory_space<hbm>> -> memref<2x128xi32, #tpu.memory_space<hbm>>
      tpu.enqueue_dma source(%dma_start3A_28 : memref<2x128xi32, #tpu.memory_space<hbm>>) target(%arg8 : memref<2x128xi32, #tpu.memory_space<vmem>>) target_semaphore(%arg12 : memref<!tpu.dma_semaphore, #tpu.memory_space<semaphore_mem>>)
      %add3A_29 = arith.constant 0 : i32
      %add3A_30 = arith.addi %mul3A_2, %add3A_29 : i32
      %dma_wait3A = arith.constant 0 : i32
      %dma_wait3A_31 = arith.constant 0 : i32
      %dma_wait3A_32 = tpu.memref_slice %arg2[%add3A_30, %dma_wait3A, %dma_wait3A_31] : memref<2562x2x128xi32, #tpu.memory_space<hbm>> -> memref<1x2x128xi32, #tpu.memory_space<hbm>>
      %dma_wait3A_33 = tpu.memref_squeeze %dma_wait3A_32 : memref<1x2x128xi32, #tpu.memory_space<hbm>> -> memref<2x128xi32, #tpu.memory_space<hbm>>
      %dma_wait3A_34 = arith.constant 0 : i32
      %dma_wait3A_35 = arith.constant 0 : i32
      %dma_wait3A_36 = tpu.memref_slice %arg2[%add3A_30, %dma_wait3A_34, %dma_wait3A_35] : memref<2562x2x128xi32, #tpu.memory_space<hbm>> -> memref<1x2x128xi32, #tpu.memory_space<hbm>>
      %dma_wait3A_37 = tpu.memref_squeeze %dma_wait3A_36 : memref<1x2x128xi32, #tpu.memory_space<hbm>> -> memref<2x128xi32, #tpu.memory_space<hbm>>
      tpu.wait_dma2 semaphore(%arg11 : memref<!tpu.dma_semaphore, #tpu.memory_space<semaphore_mem>>) src(%dma_wait3A_37 : memref<2x128xi32, #tpu.memory_space<hbm>>) dst(%arg7 : memref<2x128xi32, #tpu.memory_space<vmem>>)
      %add3A_38 = arith.constant 2 : i32
      %add3A_39 = arith.addi %mul3A_2, %add3A_38 : i32
      %dma_start3A_40 = arith.constant 0 : i32
      %dma_start3A_41 = arith.constant 0 : i32
      %dma_start3A_42 = tpu.memref_slice %arg2[%add3A_39, %dma_start3A_40, %dma_start3A_41] : memref<2562x2x128xi32, #tpu.memory_space<hbm>> -> memref<1x2x128xi32, #tpu.memory_space<hbm>>
      %dma_start3A_43 = tpu.memref_squeeze %dma_start3A_42 : memref<1x2x128xi32, #tpu.memory_space<hbm>> -> memref<2x128xi32, #tpu.memory_space<hbm>>
      %dma_start3A_44 = arith.constant 0 : i32
      %dma_start3A_45 = arith.constant 0 : i32
      %dma_start3A_46 = tpu.memref_slice %arg2[%add3A_39, %dma_start3A_44, %dma_start3A_45] : memref<2562x2x128xi32, #tpu.memory_space<hbm>> -> memref<1x2x128xi32, #tpu.memory_space<hbm>>
      %dma_start3A_47 = tpu.memref_squeeze %dma_start3A_46 : memref<1x2x128xi32, #tpu.memory_space<hbm>> -> memref<2x128xi32, #tpu.memory_space<hbm>>
      tpu.enqueue_dma source(%dma_start3A_47 : memref<2x128xi32, #tpu.memory_space<hbm>>) target(%arg9 : memref<2x128xi32, #tpu.memory_space<vmem>>) target_semaphore(%arg13 : memref<!tpu.dma_semaphore, #tpu.memory_space<semaphore_mem>>)
      %dma_start3A_48 = arith.constant 0 : i32
      %dma_start3A_49 = arith.constant 0 : i32
      %dma_start3A_50 = tpu.memref_slice %arg7[%dma_start3A_48, %dma_start3A_49] : memref<2x128xi32, #tpu.memory_space<vmem>> -> memref<1x128xi32, #tpu.memory_space<vmem>>
      %dma_start3A_51 = tpu.memref_squeeze %dma_start3A_50 : memref<1x128xi32, #tpu.memory_space<vmem>> -> memref<128xi32, #tpu.memory_space<vmem>>
      %dma_start3A_52 = arith.constant 0 : i32
      %dma_start3A_53 = arith.constant 0 : i32
      %dma_start3A_54 = tpu.memref_slice %arg3[%dma_start3A_52, %dma_start3A_53] : memref<10240x128xf32, #tpu.memory_space<hbm>> -> memref<10240x128xf32, #tpu.memory_space<hbm>>
      tpu.enqueue_indirect_dma source(%dma_start3A_54 : memref<10240x128xf32, #tpu.memory_space<hbm>>) target(%arg15 : memref<128x128xf32, #tpu.memory_space<vmem>>) offsets(%dma_start3A_51 : memref<128xi32, #tpu.memory_space<vmem>>) semaphore(%arg17 : memref<!tpu.dma_semaphore, #tpu.memory_space<semaphore_mem>>)
      %dma_wait3A_55 = arith.constant 0 : i32
      %dma_wait3A_56 = arith.constant 0 : i32
      %dma_wait3A_57 = tpu.memref_slice %arg7[%dma_wait3A_55, %dma_wait3A_56] : memref<2x128xi32, #tpu.memory_space<vmem>> -> memref<1x128xi32, #tpu.memory_space<vmem>>
      %dma_wait3A_58 = tpu.memref_squeeze %dma_wait3A_57 : memref<1x128xi32, #tpu.memory_space<vmem>> -> memref<128xi32, #tpu.memory_space<vmem>>
      %dma_wait3A_59 = arith.constant 0 : i32
      %dma_wait3A_60 = arith.constant 0 : i32
      %dma_wait3A_61 = tpu.memref_slice %arg3[%dma_wait3A_59, %dma_wait3A_60] : memref<10240x128xf32, #tpu.memory_space<hbm>> -> memref<10240x128xf32, #tpu.memory_space<hbm>>
      tpu.wait_indirect_dma semaphore(%arg17 : memref<!tpu.dma_semaphore, #tpu.memory_space<semaphore_mem>>) src(%dma_wait3A_61 : memref<10240x128xf32, #tpu.memory_space<hbm>>) dst(%arg15 : memref<128x128xf32, #tpu.memory_space<vmem>>)
      %dma_start3A_62 = arith.constant 1 : i32
      %dma_start3A_63 = arith.constant 0 : i32
      %dma_start3A_64 = tpu.memref_slice %arg7[%dma_start3A_62, %dma_start3A_63] : memref<2x128xi32, #tpu.memory_space<vmem>> -> memref<1x128xi32, #tpu.memory_space<vmem>>
      %dma_start3A_65 = tpu.memref_squeeze %dma_start3A_64 : memref<1x128xi32, #tpu.memory_space<vmem>> -> memref<128xi32, #tpu.memory_space<vmem>>
      %dma_start3A_66 = arith.constant 0 : i32
      %dma_start3A_67 = arith.constant 0 : i32
      %dma_start3A_68 = tpu.memref_slice %arg21[%dma_start3A_66, %dma_start3A_67] : memref<10240x128xf32, #tpu.memory_space<vmem_shared>> -> memref<10240x128xf32, #tpu.memory_space<vmem_shared>>
      tpu.enqueue_indirect_dma source(%arg15 : memref<128x128xf32, #tpu.memory_space<vmem>>) target(%dma_start3A_68 : memref<10240x128xf32, #tpu.memory_space<vmem_shared>>) offsets(%dma_start3A_65 : memref<128xi32, #tpu.memory_space<vmem>>) semaphore(%arg19 : memref<!tpu.dma_semaphore, #tpu.memory_space<semaphore_mem>>) {add = true}
      %add3A_69 = arith.constant 1 : i32
      %add3A_70 = arith.addi %mul3A_2, %add3A_69 : i32
      %dma_wait3A_71 = arith.constant 0 : i32
      %dma_wait3A_72 = arith.constant 0 : i32
      %dma_wait3A_73 = tpu.memref_slice %arg2[%add3A_70, %dma_wait3A_71, %dma_wait3A_72] : memref<2562x2x128xi32, #tpu.memory_space<hbm>> -> memref<1x2x128xi32, #tpu.memory_space<hbm>>
      %dma_wait3A_74 = tpu.memref_squeeze %dma_wait3A_73 : memref<1x2x128xi32, #tpu.memory_space<hbm>> -> memref<2x128xi32, #tpu.memory_space<hbm>>
      %dma_wait3A_75 = arith.constant 0 : i32
      %dma_wait3A_76 = arith.constant 0 : i32
      %dma_wait3A_77 = tpu.memref_slice %arg2[%add3A_70, %dma_wait3A_75, %dma_wait3A_76] : memref<2562x2x128xi32, #tpu.memory_space<hbm>> -> memref<1x2x128xi32, #tpu.memory_space<hbm>>
      %dma_wait3A_78 = tpu.memref_squeeze %dma_wait3A_77 : memref<1x2x128xi32, #tpu.memory_space<hbm>> -> memref<2x128xi32, #tpu.memory_space<hbm>>
      tpu.wait_dma2 semaphore(%arg12 : memref<!tpu.dma_semaphore, #tpu.memory_space<semaphore_mem>>) src(%dma_wait3A_78 : memref<2x128xi32, #tpu.memory_space<hbm>>) dst(%arg8 : memref<2x128xi32, #tpu.memory_space<vmem>>)
      %add3A_79 = arith.constant 3 : i32
      %add3A_80 = arith.addi %mul3A_2, %add3A_79 : i32
      %dma_start3A_81 = arith.constant 0 : i32
      %dma_start3A_82 = arith.constant 0 : i32
      %dma_start3A_83 = tpu.memref_slice %arg2[%add3A_80, %dma_start3A_81, %dma_start3A_82] : memref<2562x2x128xi32, #tpu.memory_space<hbm>> -> memref<1x2x128xi32, #tpu.memory_space<hbm>>
      %dma_start3A_84 = tpu.memref_squeeze %dma_start3A_83 : memref<1x2x128xi32, #tpu.memory_space<hbm>> -> memref<2x128xi32, #tpu.memory_space<hbm>>
      %dma_start3A_85 = arith.constant 0 : i32
      %dma_start3A_86 = arith.constant 0 : i32
      %dma_start3A_87 = tpu.memref_slice %arg2[%add3A_80, %dma_start3A_85, %dma_start3A_86] : memref<2562x2x128xi32, #tpu.memory_space<hbm>> -> memref<1x2x128xi32, #tpu.memory_space<hbm>>
      %dma_start3A_88 = tpu.memref_squeeze %dma_start3A_87 : memref<1x2x128xi32, #tpu.memory_space<hbm>> -> memref<2x128xi32, #tpu.memory_space<hbm>>
      tpu.enqueue_dma source(%dma_start3A_88 : memref<2x128xi32, #tpu.memory_space<hbm>>) target(%arg10 : memref<2x128xi32, #tpu.memory_space<vmem>>) target_semaphore(%arg14 : memref<!tpu.dma_semaphore, #tpu.memory_space<semaphore_mem>>)
      %dma_start3A_89 = arith.constant 0 : i32
      %dma_start3A_90 = arith.constant 0 : i32
      %dma_start3A_91 = tpu.memref_slice %arg8[%dma_start3A_89, %dma_start3A_90] : memref<2x128xi32, #tpu.memory_space<vmem>> -> memref<1x128xi32, #tpu.memory_space<vmem>>
      %dma_start3A_92 = tpu.memref_squeeze %dma_start3A_91 : memref<1x128xi32, #tpu.memory_space<vmem>> -> memref<128xi32, #tpu.memory_space<vmem>>
      %dma_start3A_93 = arith.constant 0 : i32
      %dma_start3A_94 = arith.constant 0 : i32
      %dma_start3A_95 = tpu.memref_slice %arg3[%dma_start3A_93, %dma_start3A_94] : memref<10240x128xf32, #tpu.memory_space<hbm>> -> memref<10240x128xf32, #tpu.memory_space<hbm>>
      tpu.enqueue_indirect_dma source(%dma_start3A_95 : memref<10240x128xf32, #tpu.memory_space<hbm>>) target(%arg16 : memref<128x128xf32, #tpu.memory_space<vmem>>) offsets(%dma_start3A_92 : memref<128xi32, #tpu.memory_space<vmem>>) semaphore(%arg18 : memref<!tpu.dma_semaphore, #tpu.memory_space<semaphore_mem>>)
      %dma_wait3A_96 = arith.constant 0 : i32
      %dma_wait3A_97 = arith.constant 0 : i32
      %dma_wait3A_98 = tpu.memref_slice %arg8[%dma_wait3A_96, %dma_wait3A_97] : memref<2x128xi32, #tpu.memory_space<vmem>> -> memref<1x128xi32, #tpu.memory_space<vmem>>
      %dma_wait3A_99 = tpu.memref_squeeze %dma_wait3A_98 : memref<1x128xi32, #tpu.memory_space<vmem>> -> memref<128xi32, #tpu.memory_space<vmem>>
      %dma_wait3A_100 = arith.constant 0 : i32
      %dma_wait3A_101 = arith.constant 0 : i32
      %dma_wait3A_102 = tpu.memref_slice %arg3[%dma_wait3A_100, %dma_wait3A_101] : memref<10240x128xf32, #tpu.memory_space<hbm>> -> memref<10240x128xf32, #tpu.memory_space<hbm>>
      tpu.wait_indirect_dma semaphore(%arg18 : memref<!tpu.dma_semaphore, #tpu.memory_space<semaphore_mem>>) src(%dma_wait3A_102 : memref<10240x128xf32, #tpu.memory_space<hbm>>) dst(%arg16 : memref<128x128xf32, #tpu.memory_space<vmem>>)
      %dma_start3A_103 = arith.constant 1 : i32
      %dma_start3A_104 = arith.constant 0 : i32
      %dma_start3A_105 = tpu.memref_slice %arg8[%dma_start3A_103, %dma_start3A_104] : memref<2x128xi32, #tpu.memory_space<vmem>> -> memref<1x128xi32, #tpu.memory_space<vmem>>
      %dma_start3A_106 = tpu.memref_squeeze %dma_start3A_105 : memref<1x128xi32, #tpu.memory_space<vmem>> -> memref<128xi32, #tpu.memory_space<vmem>>
      %dma_start3A_107 = arith.constant 0 : i32
      %dma_start3A_108 = arith.constant 0 : i32
      %dma_start3A_109 = tpu.memref_slice %arg21[%dma_start3A_107, %dma_start3A_108] : memref<10240x128xf32, #tpu.memory_space<vmem_shared>> -> memref<10240x128xf32, #tpu.memory_space<vmem_shared>>
      tpu.enqueue_indirect_dma source(%arg16 : memref<128x128xf32, #tpu.memory_space<vmem>>) target(%dma_start3A_109 : memref<10240x128xf32, #tpu.memory_space<vmem_shared>>) offsets(%dma_start3A_106 : memref<128xi32, #tpu.memory_space<vmem>>) semaphore(%arg20 : memref<!tpu.dma_semaphore, #tpu.memory_space<semaphore_mem>>) {add = true}
      %add3A_110 = arith.constant 2 : i32
      %add3A_111 = arith.addi %mul3A_2, %add3A_110 : i32
      %dma_wait3A_112 = arith.constant 0 : i32
      %dma_wait3A_113 = arith.constant 0 : i32
      %dma_wait3A_114 = tpu.memref_slice %arg2[%add3A_111, %dma_wait3A_112, %dma_wait3A_113] : memref<2562x2x128xi32, #tpu.memory_space<hbm>> -> memref<1x2x128xi32, #tpu.memory_space<hbm>>
      %dma_wait3A_115 = tpu.memref_squeeze %dma_wait3A_114 : memref<1x2x128xi32, #tpu.memory_space<hbm>> -> memref<2x128xi32, #tpu.memory_space<hbm>>
      %dma_wait3A_116 = arith.constant 0 : i32
      %dma_wait3A_117 = arith.constant 0 : i32
      %dma_wait3A_118 = tpu.memref_slice %arg2[%add3A_111, %dma_wait3A_116, %dma_wait3A_117] : memref<2562x2x128xi32, #tpu.memory_space<hbm>> -> memref<1x2x128xi32, #tpu.memory_space<hbm>>
      %dma_wait3A_119 = tpu.memref_squeeze %dma_wait3A_118 : memref<1x2x128xi32, #tpu.memory_space<hbm>> -> memref<2x128xi32, #tpu.memory_space<hbm>>
      tpu.wait_dma2 semaphore(%arg13 : memref<!tpu.dma_semaphore, #tpu.memory_space<semaphore_mem>>) src(%dma_wait3A_119 : memref<2x128xi32, #tpu.memory_space<hbm>>) dst(%arg9 : memref<2x128xi32, #tpu.memory_space<vmem>>)
      %dma_wait3A_120 = arith.constant 1 : i32
      %dma_wait3A_121 = arith.constant 0 : i32
      %dma_wait3A_122 = tpu.memref_slice %arg7[%dma_wait3A_120, %dma_wait3A_121] : memref<2x128xi32, #tpu.memory_space<vmem>> -> memref<1x128xi32, #tpu.memory_space<vmem>>
      %dma_wait3A_123 = tpu.memref_squeeze %dma_wait3A_122 : memref<1x128xi32, #tpu.memory_space<vmem>> -> memref<128xi32, #tpu.memory_space<vmem>>
      %dma_wait3A_124 = arith.constant 0 : i32
      %dma_wait3A_125 = arith.constant 0 : i32
      %dma_wait3A_126 = tpu.memref_slice %arg21[%dma_wait3A_124, %dma_wait3A_125] : memref<10240x128xf32, #tpu.memory_space<vmem_shared>> -> memref<10240x128xf32, #tpu.memory_space<vmem_shared>>
      tpu.wait_indirect_dma semaphore(%arg19 : memref<!tpu.dma_semaphore, #tpu.memory_space<semaphore_mem>>) src(%arg15 : memref<128x128xf32, #tpu.memory_space<vmem>>) dst(%dma_wait3A_126 : memref<10240x128xf32, #tpu.memory_space<vmem_shared>>)
      %add3A_127 = arith.constant 4 : i32
      %add3A_128 = arith.addi %mul3A_2, %add3A_127 : i32
      %dma_start3A_129 = arith.constant 0 : i32
      %dma_start3A_130 = arith.constant 0 : i32
      %dma_start3A_131 = tpu.memref_slice %arg2[%add3A_128, %dma_start3A_129, %dma_start3A_130] : memref<2562x2x128xi32, #tpu.memory_space<hbm>> -> memref<1x2x128xi32, #tpu.memory_space<hbm>>
      %dma_start3A_132 = tpu.memref_squeeze %dma_start3A_131 : memref<1x2x128xi32, #tpu.memory_space<hbm>> -> memref<2x128xi32, #tpu.memory_space<hbm>>
      %dma_start3A_133 = arith.constant 0 : i32
      %dma_start3A_134 = arith.constant 0 : i32
      %dma_start3A_135 = tpu.memref_slice %arg2[%add3A_128, %dma_start3A_133, %dma_start3A_134] : memref<2562x2x128xi32, #tpu.memory_space<hbm>> -> memref<1x2x128xi32, #tpu.memory_space<hbm>>
      %dma_start3A_136 = tpu.memref_squeeze %dma_start3A_135 : memref<1x2x128xi32, #tpu.memory_space<hbm>> -> memref<2x128xi32, #tpu.memory_space<hbm>>
      tpu.enqueue_dma source(%dma_start3A_136 : memref<2x128xi32, #tpu.memory_space<hbm>>) target(%arg7 : memref<2x128xi32, #tpu.memory_space<vmem>>) target_semaphore(%arg11 : memref<!tpu.dma_semaphore, #tpu.memory_space<semaphore_mem>>)
      %dma_start3A_137 = arith.constant 0 : i32
      %dma_start3A_138 = arith.constant 0 : i32
      %dma_start3A_139 = tpu.memref_slice %arg9[%dma_start3A_137, %dma_start3A_138] : memref<2x128xi32, #tpu.memory_space<vmem>> -> memref<1x128xi32, #tpu.memory_space<vmem>>
      %dma_start3A_140 = tpu.memref_squeeze %dma_start3A_139 : memref<1x128xi32, #tpu.memory_space<vmem>> -> memref<128xi32, #tpu.memory_space<vmem>>
      %dma_start3A_141 = arith.constant 0 : i32
      %dma_start3A_142 = arith.constant 0 : i32
      %dma_start3A_143 = tpu.memref_slice %arg3[%dma_start3A_141, %dma_start3A_142] : memref<10240x128xf32, #tpu.memory_space<hbm>> -> memref<10240x128xf32, #tpu.memory_space<hbm>>
      tpu.enqueue_indirect_dma source(%dma_start3A_143 : memref<10240x128xf32, #tpu.memory_space<hbm>>) target(%arg15 : memref<128x128xf32, #tpu.memory_space<vmem>>) offsets(%dma_start3A_140 : memref<128xi32, #tpu.memory_space<vmem>>) semaphore(%arg17 : memref<!tpu.dma_semaphore, #tpu.memory_space<semaphore_mem>>)
      %dma_wait3A_144 = arith.constant 0 : i32
      %dma_wait3A_145 = arith.constant 0 : i32
      %dma_wait3A_146 = tpu.memref_slice %arg9[%dma_wait3A_144, %dma_wait3A_145] : memref<2x128xi32, #tpu.memory_space<vmem>> -> memref<1x128xi32, #tpu.memory_space<vmem>>
      %dma_wait3A_147 = tpu.memref_squeeze %dma_wait3A_146 : memref<1x128xi32, #tpu.memory_space<vmem>> -> memref<128xi32, #tpu.memory_space<vmem>>
      %dma_wait3A_148 = arith.constant 0 : i32
      %dma_wait3A_149 = arith.constant 0 : i32
      %dma_wait3A_150 = tpu.memref_slice %arg3[%dma_wait3A_148, %dma_wait3A_149] : memref<10240x128xf32, #tpu.memory_space<hbm>> -> memref<10240x128xf32, #tpu.memory_space<hbm>>
      tpu.wait_indirect_dma semaphore(%arg17 : memref<!tpu.dma_semaphore, #tpu.memory_space<semaphore_mem>>) src(%dma_wait3A_150 : memref<10240x128xf32, #tpu.memory_space<hbm>>) dst(%arg15 : memref<128x128xf32, #tpu.memory_space<vmem>>)
      %dma_start3A_151 = arith.constant 1 : i32
      %dma_start3A_152 = arith.constant 0 : i32
      %dma_start3A_153 = tpu.memref_slice %arg9[%dma_start3A_151, %dma_start3A_152] : memref<2x128xi32, #tpu.memory_space<vmem>> -> memref<1x128xi32, #tpu.memory_space<vmem>>
      %dma_start3A_154 = tpu.memref_squeeze %dma_start3A_153 : memref<1x128xi32, #tpu.memory_space<vmem>> -> memref<128xi32, #tpu.memory_space<vmem>>
      %dma_start3A_155 = arith.constant 0 : i32
      %dma_start3A_156 = arith.constant 0 : i32
      %dma_start3A_157 = tpu.memref_slice %arg21[%dma_start3A_155, %dma_start3A_156] : memref<10240x128xf32, #tpu.memory_space<vmem_shared>> -> memref<10240x128xf32, #tpu.memory_space<vmem_shared>>
      tpu.enqueue_indirect_dma source(%arg15 : memref<128x128xf32, #tpu.memory_space<vmem>>) target(%dma_start3A_157 : memref<10240x128xf32, #tpu.memory_space<vmem_shared>>) offsets(%dma_start3A_154 : memref<128xi32, #tpu.memory_space<vmem>>) semaphore(%arg19 : memref<!tpu.dma_semaphore, #tpu.memory_space<semaphore_mem>>) {add = true}
      %add3A_158 = arith.constant 3 : i32
      %add3A_159 = arith.addi %mul3A_2, %add3A_158 : i32
      %dma_wait3A_160 = arith.constant 0 : i32
      %dma_wait3A_161 = arith.constant 0 : i32
      %dma_wait3A_162 = tpu.memref_slice %arg2[%add3A_159, %dma_wait3A_160, %dma_wait3A_161] : memref<2562x2x128xi32, #tpu.memory_space<hbm>> -> memref<1x2x128xi32, #tpu.memory_space<hbm>>
      %dma_wait3A_163 = tpu.memref_squeeze %dma_wait3A_162 : memref<1x2x128xi32, #tpu.memory_space<hbm>> -> memref<2x128xi32, #tpu.memory_space<hbm>>
      %dma_wait3A_164 = arith.constant 0 : i32
      %dma_wait3A_165 = arith.constant 0 : i32
      %dma_wait3A_166 = tpu.memref_slice %arg2[%add3A_159, %dma_wait3A_164, %dma_wait3A_165] : memref<2562x2x128xi32, #tpu.memory_space<hbm>> -> memref<1x2x128xi32, #tpu.memory_space<hbm>>
      %dma_wait3A_167 = tpu.memref_squeeze %dma_wait3A_166 : memref<1x2x128xi32, #tpu.memory_space<hbm>> -> memref<2x128xi32, #tpu.memory_space<hbm>>
      tpu.wait_dma2 semaphore(%arg14 : memref<!tpu.dma_semaphore, #tpu.memory_space<semaphore_mem>>) src(%dma_wait3A_167 : memref<2x128xi32, #tpu.memory_space<hbm>>) dst(%arg10 : memref<2x128xi32, #tpu.memory_space<vmem>>)
      %dma_wait3A_168 = arith.constant 1 : i32
      %dma_wait3A_169 = arith.constant 0 : i32
      %dma_wait3A_170 = tpu.memref_slice %arg8[%dma_wait3A_168, %dma_wait3A_169] : memref<2x128xi32, #tpu.memory_space<vmem>> -> memref<1x128xi32, #tpu.memory_space<vmem>>
      %dma_wait3A_171 = tpu.memref_squeeze %dma_wait3A_170 : memref<1x128xi32, #tpu.memory_space<vmem>> -> memref<128xi32, #tpu.memory_space<vmem>>
      %dma_wait3A_172 = arith.constant 0 : i32
      %dma_wait3A_173 = arith.constant 0 : i32
      %dma_wait3A_174 = tpu.memref_slice %arg21[%dma_wait3A_172, %dma_wait3A_173] : memref<10240x128xf32, #tpu.memory_space<vmem_shared>> -> memref<10240x128xf32, #tpu.memory_space<vmem_shared>>
      tpu.wait_indirect_dma semaphore(%arg20 : memref<!tpu.dma_semaphore, #tpu.memory_space<semaphore_mem>>) src(%arg16 : memref<128x128xf32, #tpu.memory_space<vmem>>) dst(%dma_wait3A_174 : memref<10240x128xf32, #tpu.memory_space<vmem_shared>>)
      %add3A_175 = arith.constant 5 : i32
      %add3A_176 = arith.addi %mul3A_2, %add3A_175 : i32
      %dma_start3A_177 = arith.constant 0 : i32
      %dma_start3A_178 = arith.constant 0 : i32
      %dma_start3A_179 = tpu.memref_slice %arg2[%add3A_176, %dma_start3A_177, %dma_start3A_178] : memref<2562x2x128xi32, #tpu.memory_space<hbm>> -> memref<1x2x128xi32, #tpu.memory_space<hbm>>
      %dma_start3A_180 = tpu.memref_squeeze %dma_start3A_179 : memref<1x2x128xi32, #tpu.memory_space<hbm>> -> memref<2x128xi32, #tpu.memory_space<hbm>>
      %dma_start3A_181 = arith.constant 0 : i32
      %dma_start3A_182 = arith.constant 0 : i32
      %dma_start3A_183 = tpu.memref_slice %arg2[%add3A_176, %dma_start3A_181, %dma_start3A_182] : memref<2562x2x128xi32, #tpu.memory_space<hbm>> -> memref<1x2x128xi32, #tpu.memory_space<hbm>>
      %dma_start3A_184 = tpu.memref_squeeze %dma_start3A_183 : memref<1x2x128xi32, #tpu.memory_space<hbm>> -> memref<2x128xi32, #tpu.memory_space<hbm>>
      tpu.enqueue_dma source(%dma_start3A_184 : memref<2x128xi32, #tpu.memory_space<hbm>>) target(%arg8 : memref<2x128xi32, #tpu.memory_space<vmem>>) target_semaphore(%arg12 : memref<!tpu.dma_semaphore, #tpu.memory_space<semaphore_mem>>)
      %dma_start3A_185 = arith.constant 0 : i32
      %dma_start3A_186 = arith.constant 0 : i32
      %dma_start3A_187 = tpu.memref_slice %arg10[%dma_start3A_185, %dma_start3A_186] : memref<2x128xi32, #tpu.memory_space<vmem>> -> memref<1x128xi32, #tpu.memory_space<vmem>>
      %dma_start3A_188 = tpu.memref_squeeze %dma_start3A_187 : memref<1x128xi32, #tpu.memory_space<vmem>> -> memref<128xi32, #tpu.memory_space<vmem>>
      %dma_start3A_189 = arith.constant 0 : i32
      %dma_start3A_190 = arith.constant 0 : i32
      %dma_start3A_191 = tpu.memref_slice %arg3[%dma_start3A_189, %dma_start3A_190] : memref<10240x128xf32, #tpu.memory_space<hbm>> -> memref<10240x128xf32, #tpu.memory_space<hbm>>
      tpu.enqueue_indirect_dma source(%dma_start3A_191 : memref<10240x128xf32, #tpu.memory_space<hbm>>) target(%arg16 : memref<128x128xf32, #tpu.memory_space<vmem>>) offsets(%dma_start3A_188 : memref<128xi32, #tpu.memory_space<vmem>>) semaphore(%arg18 : memref<!tpu.dma_semaphore, #tpu.memory_space<semaphore_mem>>)
      %dma_wait3A_192 = arith.constant 0 : i32
      %dma_wait3A_193 = arith.constant 0 : i32
      %dma_wait3A_194 = tpu.memref_slice %arg10[%dma_wait3A_192, %dma_wait3A_193] : memref<2x128xi32, #tpu.memory_space<vmem>> -> memref<1x128xi32, #tpu.memory_space<vmem>>
      %dma_wait3A_195 = tpu.memref_squeeze %dma_wait3A_194 : memref<1x128xi32, #tpu.memory_space<vmem>> -> memref<128xi32, #tpu.memory_space<vmem>>
      %dma_wait3A_196 = arith.constant 0 : i32
      %dma_wait3A_197 = arith.constant 0 : i32
      %dma_wait3A_198 = tpu.memref_slice %arg3[%dma_wait3A_196, %dma_wait3A_197] : memref<10240x128xf32, #tpu.memory_space<hbm>> -> memref<10240x128xf32, #tpu.memory_space<hbm>>
      tpu.wait_indirect_dma semaphore(%arg18 : memref<!tpu.dma_semaphore, #tpu.memory_space<semaphore_mem>>) src(%dma_wait3A_198 : memref<10240x128xf32, #tpu.memory_space<hbm>>) dst(%arg16 : memref<128x128xf32, #tpu.memory_space<vmem>>)
      %dma_start3A_199 = arith.constant 1 : i32
      %dma_start3A_200 = arith.constant 0 : i32
      %dma_start3A_201 = tpu.memref_slice %arg10[%dma_start3A_199, %dma_start3A_200] : memref<2x128xi32, #tpu.memory_space<vmem>> -> memref<1x128xi32, #tpu.memory_space<vmem>>
      %dma_start3A_202 = tpu.memref_squeeze %dma_start3A_201 : memref<1x128xi32, #tpu.memory_space<vmem>> -> memref<128xi32, #tpu.memory_space<vmem>>
      %dma_start3A_203 = arith.constant 0 : i32
      %dma_start3A_204 = arith.constant 0 : i32
      %dma_start3A_205 = tpu.memref_slice %arg21[%dma_start3A_203, %dma_start3A_204] : memref<10240x128xf32, #tpu.memory_space<vmem_shared>> -> memref<10240x128xf32, #tpu.memory_space<vmem_shared>>
      tpu.enqueue_indirect_dma source(%arg16 : memref<128x128xf32, #tpu.memory_space<vmem>>) target(%dma_start3A_205 : memref<10240x128xf32, #tpu.memory_space<vmem_shared>>) offsets(%dma_start3A_202 : memref<128xi32, #tpu.memory_space<vmem>>) semaphore(%arg20 : memref<!tpu.dma_semaphore, #tpu.memory_space<semaphore_mem>>) {add = true}
      %scan3A = arith.constant 0 : i32
      %scan3A_206 = arith.constant 1 : i32
      %scan3A_207 = arith.constant 39 : i32
      %scan3A_208 = arith.addi %scan3A_206, %scan3A_207 : i32
      %scan3A_209 = arith.constant 1 : i32
      scf.for %scan3A_245 = %scan3A_206 to %scan3A_208 step %scan3A_209  : i32 {
        %mul3A_246 = arith.constant 4 : i32
        %mul3A_247 = arith.muli %mul3A_246, %scan3A_245 : i32
        %add3A_248 = arith.constant 0 : i32
        %add3A_249 = arith.addi %mul3A_247, %add3A_248 : i32
        %add3A_250 = arith.addi %mul3A_2, %add3A_249 : i32
        %dma_wait3A_251 = arith.constant 0 : i32
        %dma_wait3A_252 = arith.constant 0 : i32
        %dma_wait3A_253 = tpu.memref_slice %arg2[%add3A_250, %dma_wait3A_251, %dma_wait3A_252] : memref<2562x2x128xi32, #tpu.memory_space<hbm>> -> memref<1x2x128xi32, #tpu.memory_space<hbm>>
        %dma_wait3A_254 = tpu.memref_squeeze %dma_wait3A_253 : memref<1x2x128xi32, #tpu.memory_space<hbm>> -> memref<2x128xi32, #tpu.memory_space<hbm>>
        %dma_wait3A_255 = arith.constant 0 : i32
        %dma_wait3A_256 = arith.constant 0 : i32
        %dma_wait3A_257 = tpu.memref_slice %arg2[%add3A_250, %dma_wait3A_255, %dma_wait3A_256] : memref<2562x2x128xi32, #tpu.memory_space<hbm>> -> memref<1x2x128xi32, #tpu.memory_space<hbm>>
        %dma_wait3A_258 = tpu.memref_squeeze %dma_wait3A_257 : memref<1x2x128xi32, #tpu.memory_space<hbm>> -> memref<2x128xi32, #tpu.memory_space<hbm>>
        tpu.wait_dma2 semaphore(%arg11 : memref<!tpu.dma_semaphore, #tpu.memory_space<semaphore_mem>>) src(%dma_wait3A_258 : memref<2x128xi32, #tpu.memory_space<hbm>>) dst(%arg7 : memref<2x128xi32, #tpu.memory_space<vmem>>)
        %dma_wait3A_259 = arith.constant 1 : i32
        %dma_wait3A_260 = arith.constant 0 : i32
        %dma_wait3A_261 = tpu.memref_slice %arg9[%dma_wait3A_259, %dma_wait3A_260] : memref<2x128xi32, #tpu.memory_space<vmem>> -> memref<1x128xi32, #tpu.memory_space<vmem>>
        %dma_wait3A_262 = tpu.memref_squeeze %dma_wait3A_261 : memref<1x128xi32, #tpu.memory_space<vmem>> -> memref<128xi32, #tpu.memory_space<vmem>>
        %dma_wait3A_263 = arith.constant 0 : i32
        %dma_wait3A_264 = arith.constant 0 : i32
        %dma_wait3A_265 = tpu.memref_slice %arg21[%dma_wait3A_263, %dma_wait3A_264] : memref<10240x128xf32, #tpu.memory_space<vmem_shared>> -> memref<10240x128xf32, #tpu.memory_space<vmem_shared>>
        tpu.wait_indirect_dma semaphore(%arg19 : memref<!tpu.dma_semaphore, #tpu.memory_space<semaphore_mem>>) src(%arg15 : memref<128x128xf32, #tpu.memory_space<vmem>>) dst(%dma_wait3A_265 : memref<10240x128xf32, #tpu.memory_space<vmem_shared>>)
        %add3A_266 = arith.constant 2 : i32
        %add3A_267 = arith.addi %add3A_249, %add3A_266 : i32
        %add3A_268 = arith.addi %mul3A_2, %add3A_267 : i32
        %dma_start3A_269 = arith.constant 0 : i32
        %dma_start3A_270 = arith.constant 0 : i32
        %dma_start3A_271 = tpu.memref_slice %arg2[%add3A_268, %dma_start3A_269, %dma_start3A_270] : memref<2562x2x128xi32, #tpu.memory_space<hbm>> -> memref<1x2x128xi32, #tpu.memory_space<hbm>>
        %dma_start3A_272 = tpu.memref_squeeze %dma_start3A_271 : memref<1x2x128xi32, #tpu.memory_space<hbm>> -> memref<2x128xi32, #tpu.memory_space<hbm>>
        %dma_start3A_273 = arith.constant 0 : i32
        %dma_start3A_274 = arith.constant 0 : i32
        %dma_start3A_275 = tpu.memref_slice %arg2[%add3A_268, %dma_start3A_273, %dma_start3A_274] : memref<2562x2x128xi32, #tpu.memory_space<hbm>> -> memref<1x2x128xi32, #tpu.memory_space<hbm>>
        %dma_start3A_276 = tpu.memref_squeeze %dma_start3A_275 : memref<1x2x128xi32, #tpu.memory_space<hbm>> -> memref<2x128xi32, #tpu.memory_space<hbm>>
        tpu.enqueue_dma source(%dma_start3A_276 : memref<2x128xi32, #tpu.memory_space<hbm>>) target(%arg9 : memref<2x128xi32, #tpu.memory_space<vmem>>) target_semaphore(%arg13 : memref<!tpu.dma_semaphore, #tpu.memory_space<semaphore_mem>>)
        %dma_start3A_277 = arith.constant 0 : i32
        %dma_start3A_278 = arith.constant 0 : i32
        %dma_start3A_279 = tpu.memref_slice %arg7[%dma_start3A_277, %dma_start3A_278] : memref<2x128xi32, #tpu.memory_space<vmem>> -> memref<1x128xi32, #tpu.memory_space<vmem>>
        %dma_start3A_280 = tpu.memref_squeeze %dma_start3A_279 : memref<1x128xi32, #tpu.memory_space<vmem>> -> memref<128xi32, #tpu.memory_space<vmem>>
        %dma_start3A_281 = arith.constant 0 : i32
        %dma_start3A_282 = arith.constant 0 : i32
        %dma_start3A_283 = tpu.memref_slice %arg3[%dma_start3A_281, %dma_start3A_282] : memref<10240x128xf32, #tpu.memory_space<hbm>> -> memref<10240x128xf32, #tpu.memory_space<hbm>>
        tpu.enqueue_indirect_dma source(%dma_start3A_283 : memref<10240x128xf32, #tpu.memory_space<hbm>>) target(%arg15 : memref<128x128xf32, #tpu.memory_space<vmem>>) offsets(%dma_start3A_280 : memref<128xi32, #tpu.memory_space<vmem>>) semaphore(%arg17 : memref<!tpu.dma_semaphore, #tpu.memory_space<semaphore_mem>>)
        %dma_wait3A_284 = arith.constant 0 : i32
        %dma_wait3A_285 = arith.constant 0 : i32
        %dma_wait3A_286 = tpu.memref_slice %arg7[%dma_wait3A_284, %dma_wait3A_285] : memref<2x128xi32, #tpu.memory_space<vmem>> -> memref<1x128xi32, #tpu.memory_space<vmem>>
        %dma_wait3A_287 = tpu.memref_squeeze %dma_wait3A_286 : memref<1x128xi32, #tpu.memory_space<vmem>> -> memref<128xi32, #tpu.memory_space<vmem>>
        %dma_wait3A_288 = arith.constant 0 : i32
        %dma_wait3A_289 = arith.constant 0 : i32
        %dma_wait3A_290 = tpu.memref_slice %arg3[%dma_wait3A_288, %dma_wait3A_289] : memref<10240x128xf32, #tpu.memory_space<hbm>> -> memref<10240x128xf32, #tpu.memory_space<hbm>>
        tpu.wait_indirect_dma semaphore(%arg17 : memref<!tpu.dma_semaphore, #tpu.memory_space<semaphore_mem>>) src(%dma_wait3A_290 : memref<10240x128xf32, #tpu.memory_space<hbm>>) dst(%arg15 : memref<128x128xf32, #tpu.memory_space<vmem>>)
        %dma_start3A_291 = arith.constant 1 : i32
        %dma_start3A_292 = arith.constant 0 : i32
        %dma_start3A_293 = tpu.memref_slice %arg7[%dma_start3A_291, %dma_start3A_292] : memref<2x128xi32, #tpu.memory_space<vmem>> -> memref<1x128xi32, #tpu.memory_space<vmem>>
        %dma_start3A_294 = tpu.memref_squeeze %dma_start3A_293 : memref<1x128xi32, #tpu.memory_space<vmem>> -> memref<128xi32, #tpu.memory_space<vmem>>
        %dma_start3A_295 = arith.constant 0 : i32
        %dma_start3A_296 = arith.constant 0 : i32
        %dma_start3A_297 = tpu.memref_slice %arg21[%dma_start3A_295, %dma_start3A_296] : memref<10240x128xf32, #tpu.memory_space<vmem_shared>> -> memref<10240x128xf32, #tpu.memory_space<vmem_shared>>
        tpu.enqueue_indirect_dma source(%arg15 : memref<128x128xf32, #tpu.memory_space<vmem>>) target(%dma_start3A_297 : memref<10240x128xf32, #tpu.memory_space<vmem_shared>>) offsets(%dma_start3A_294 : memref<128xi32, #tpu.memory_space<vmem>>) semaphore(%arg19 : memref<!tpu.dma_semaphore, #tpu.memory_space<semaphore_mem>>) {add = true}
        %add3A_298 = arith.constant 1 : i32
        %add3A_299 = arith.addi %mul3A_247, %add3A_298 : i32
        %add3A_300 = arith.addi %mul3A_2, %add3A_299 : i32
        %dma_wait3A_301 = arith.constant 0 : i32
        %dma_wait3A_302 = arith.constant 0 : i32
        %dma_wait3A_303 = tpu.memref_slice %arg2[%add3A_300, %dma_wait3A_301, %dma_wait3A_302] : memref<2562x2x128xi32, #tpu.memory_space<hbm>> -> memref<1x2x128xi32, #tpu.memory_space<hbm>>
        %dma_wait3A_304 = tpu.memref_squeeze %dma_wait3A_303 : memref<1x2x128xi32, #tpu.memory_space<hbm>> -> memref<2x128xi32, #tpu.memory_space<hbm>>
        %dma_wait3A_305 = arith.constant 0 : i32
        %dma_wait3A_306 = arith.constant 0 : i32
        %dma_wait3A_307 = tpu.memref_slice %arg2[%add3A_300, %dma_wait3A_305, %dma_wait3A_306] : memref<2562x2x128xi32, #tpu.memory_space<hbm>> -> memref<1x2x128xi32, #tpu.memory_space<hbm>>
        %dma_wait3A_308 = tpu.memref_squeeze %dma_wait3A_307 : memref<1x2x128xi32, #tpu.memory_space<hbm>> -> memref<2x128xi32, #tpu.memory_space<hbm>>
        tpu.wait_dma2 semaphore(%arg12 : memref<!tpu.dma_semaphore, #tpu.memory_space<semaphore_mem>>) src(%dma_wait3A_308 : memref<2x128xi32, #tpu.memory_space<hbm>>) dst(%arg8 : memref<2x128xi32, #tpu.memory_space<vmem>>)
        %dma_wait3A_309 = arith.constant 1 : i32
        %dma_wait3A_310 = arith.constant 0 : i32
        %dma_wait3A_311 = tpu.memref_slice %arg10[%dma_wait3A_309, %dma_wait3A_310] : memref<2x128xi32, #tpu.memory_space<vmem>> -> memref<1x128xi32, #tpu.memory_space<vmem>>
        %dma_wait3A_312 = tpu.memref_squeeze %dma_wait3A_311 : memref<1x128xi32, #tpu.memory_space<vmem>> -> memref<128xi32, #tpu.memory_space<vmem>>
        %dma_wait3A_313 = arith.constant 0 : i32
        %dma_wait3A_314 = arith.constant 0 : i32
        %dma_wait3A_315 = tpu.memref_slice %arg21[%dma_wait3A_313, %dma_wait3A_314] : memref<10240x128xf32, #tpu.memory_space<vmem_shared>> -> memref<10240x128xf32, #tpu.memory_space<vmem_shared>>
        tpu.wait_indirect_dma semaphore(%arg20 : memref<!tpu.dma_semaphore, #tpu.memory_space<semaphore_mem>>) src(%arg16 : memref<128x128xf32, #tpu.memory_space<vmem>>) dst(%dma_wait3A_315 : memref<10240x128xf32, #tpu.memory_space<vmem_shared>>)
        %add3A_316 = arith.constant 2 : i32
        %add3A_317 = arith.addi %add3A_299, %add3A_316 : i32
        %add3A_318 = arith.addi %mul3A_2, %add3A_317 : i32
        %dma_start3A_319 = arith.constant 0 : i32
        %dma_start3A_320 = arith.constant 0 : i32
        %dma_start3A_321 = tpu.memref_slice %arg2[%add3A_318, %dma_start3A_319, %dma_start3A_320] : memref<2562x2x128xi32, #tpu.memory_space<hbm>> -> memref<1x2x128xi32, #tpu.memory_space<hbm>>
        %dma_start3A_322 = tpu.memref_squeeze %dma_start3A_321 : memref<1x2x128xi32, #tpu.memory_space<hbm>> -> memref<2x128xi32, #tpu.memory_space<hbm>>
        %dma_start3A_323 = arith.constant 0 : i32
        %dma_start3A_324 = arith.constant 0 : i32
        %dma_start3A_325 = tpu.memref_slice %arg2[%add3A_318, %dma_start3A_323, %dma_start3A_324] : memref<2562x2x128xi32, #tpu.memory_space<hbm>> -> memref<1x2x128xi32, #tpu.memory_space<hbm>>
        %dma_start3A_326 = tpu.memref_squeeze %dma_start3A_325 : memref<1x2x128xi32, #tpu.memory_space<hbm>> -> memref<2x128xi32, #tpu.memory_space<hbm>>
        tpu.enqueue_dma source(%dma_start3A_326 : memref<2x128xi32, #tpu.memory_space<hbm>>) target(%arg10 : memref<2x128xi32, #tpu.memory_space<vmem>>) target_semaphore(%arg14 : memref<!tpu.dma_semaphore, #tpu.memory_space<semaphore_mem>>)
        %dma_start3A_327 = arith.constant 0 : i32
        %dma_start3A_328 = arith.constant 0 : i32
        %dma_start3A_329 = tpu.memref_slice %arg8[%dma_start3A_327, %dma_start3A_328] : memref<2x128xi32, #tpu.memory_space<vmem>> -> memref<1x128xi32, #tpu.memory_space<vmem>>
        %dma_start3A_330 = tpu.memref_squeeze %dma_start3A_329 : memref<1x128xi32, #tpu.memory_space<vmem>> -> memref<128xi32, #tpu.memory_space<vmem>>
        %dma_start3A_331 = arith.constant 0 : i32
        %dma_start3A_332 = arith.constant 0 : i32
        %dma_start3A_333 = tpu.memref_slice %arg3[%dma_start3A_331, %dma_start3A_332] : memref<10240x128xf32, #tpu.memory_space<hbm>> -> memref<10240x128xf32, #tpu.memory_space<hbm>>
        tpu.enqueue_indirect_dma source(%dma_start3A_333 : memref<10240x128xf32, #tpu.memory_space<hbm>>) target(%arg16 : memref<128x128xf32, #tpu.memory_space<vmem>>) offsets(%dma_start3A_330 : memref<128xi32, #tpu.memory_space<vmem>>) semaphore(%arg18 : memref<!tpu.dma_semaphore, #tpu.memory_space<semaphore_mem>>)
        %dma_wait3A_334 = arith.constant 0 : i32
        %dma_wait3A_335 = arith.constant 0 : i32
        %dma_wait3A_336 = tpu.memref_slice %arg8[%dma_wait3A_334, %dma_wait3A_335] : memref<2x128xi32, #tpu.memory_space<vmem>> -> memref<1x128xi32, #tpu.memory_space<vmem>>
        %dma_wait3A_337 = tpu.memref_squeeze %dma_wait3A_336 : memref<1x128xi32, #tpu.memory_space<vmem>> -> memref<128xi32, #tpu.memory_space<vmem>>
        %dma_wait3A_338 = arith.constant 0 : i32
        %dma_wait3A_339 = arith.constant 0 : i32
        %dma_wait3A_340 = tpu.memref_slice %arg3[%dma_wait3A_338, %dma_wait3A_339] : memref<10240x128xf32, #tpu.memory_space<hbm>> -> memref<10240x128xf32, #tpu.memory_space<hbm>>
        tpu.wait_indirect_dma semaphore(%arg18 : memref<!tpu.dma_semaphore, #tpu.memory_space<semaphore_mem>>) src(%dma_wait3A_340 : memref<10240x128xf32, #tpu.memory_space<hbm>>) dst(%arg16 : memref<128x128xf32, #tpu.memory_space<vmem>>)
        %dma_start3A_341 = arith.constant 1 : i32
        %dma_start3A_342 = arith.constant 0 : i32
        %dma_start3A_343 = tpu.memref_slice %arg8[%dma_start3A_341, %dma_start3A_342] : memref<2x128xi32, #tpu.memory_space<vmem>> -> memref<1x128xi32, #tpu.memory_space<vmem>>
        %dma_start3A_344 = tpu.memref_squeeze %dma_start3A_343 : memref<1x128xi32, #tpu.memory_space<vmem>> -> memref<128xi32, #tpu.memory_space<vmem>>
        %dma_start3A_345 = arith.constant 0 : i32
        %dma_start3A_346 = arith.constant 0 : i32
        %dma_start3A_347 = tpu.memref_slice %arg21[%dma_start3A_345, %dma_start3A_346] : memref<10240x128xf32, #tpu.memory_space<vmem_shared>> -> memref<10240x128xf32, #tpu.memory_space<vmem_shared>>
        tpu.enqueue_indirect_dma source(%arg16 : memref<128x128xf32, #tpu.memory_space<vmem>>) target(%dma_start3A_347 : memref<10240x128xf32, #tpu.memory_space<vmem_shared>>) offsets(%dma_start3A_344 : memref<128xi32, #tpu.memory_space<vmem>>) semaphore(%arg20 : memref<!tpu.dma_semaphore, #tpu.memory_space<semaphore_mem>>) {add = true}
        %add3A_348 = arith.constant 2 : i32
        %add3A_349 = arith.addi %mul3A_247, %add3A_348 : i32
        %add3A_350 = arith.addi %mul3A_2, %add3A_349 : i32
        %dma_wait3A_351 = arith.constant 0 : i32
        %dma_wait3A_352 = arith.constant 0 : i32
        %dma_wait3A_353 = tpu.memref_slice %arg2[%add3A_350, %dma_wait3A_351, %dma_wait3A_352] : memref<2562x2x128xi32, #tpu.memory_space<hbm>> -> memref<1x2x128xi32, #tpu.memory_space<hbm>>
        %dma_wait3A_354 = tpu.memref_squeeze %dma_wait3A_353 : memref<1x2x128xi32, #tpu.memory_space<hbm>> -> memref<2x128xi32, #tpu.memory_space<hbm>>
        %dma_wait3A_355 = arith.constant 0 : i32
        %dma_wait3A_356 = arith.constant 0 : i32
        %dma_wait3A_357 = tpu.memref_slice %arg2[%add3A_350, %dma_wait3A_355, %dma_wait3A_356] : memref<2562x2x128xi32, #tpu.memory_space<hbm>> -> memref<1x2x128xi32, #tpu.memory_space<hbm>>
        %dma_wait3A_358 = tpu.memref_squeeze %dma_wait3A_357 : memref<1x2x128xi32, #tpu.memory_space<hbm>> -> memref<2x128xi32, #tpu.memory_space<hbm>>
        tpu.wait_dma2 semaphore(%arg13 : memref<!tpu.dma_semaphore, #tpu.memory_space<semaphore_mem>>) src(%dma_wait3A_358 : memref<2x128xi32, #tpu.memory_space<hbm>>) dst(%arg9 : memref<2x128xi32, #tpu.memory_space<vmem>>)
        %dma_wait3A_359 = arith.constant 1 : i32
        %dma_wait3A_360 = arith.constant 0 : i32
        %dma_wait3A_361 = tpu.memref_slice %arg7[%dma_wait3A_359, %dma_wait3A_360] : memref<2x128xi32, #tpu.memory_space<vmem>> -> memref<1x128xi32, #tpu.memory_space<vmem>>
        %dma_wait3A_362 = tpu.memref_squeeze %dma_wait3A_361 : memref<1x128xi32, #tpu.memory_space<vmem>> -> memref<128xi32, #tpu.memory_space<vmem>>
        %dma_wait3A_363 = arith.constant 0 : i32
        %dma_wait3A_364 = arith.constant 0 : i32
        %dma_wait3A_365 = tpu.memref_slice %arg21[%dma_wait3A_363, %dma_wait3A_364] : memref<10240x128xf32, #tpu.memory_space<vmem_shared>> -> memref<10240x128xf32, #tpu.memory_space<vmem_shared>>
        tpu.wait_indirect_dma semaphore(%arg19 : memref<!tpu.dma_semaphore, #tpu.memory_space<semaphore_mem>>) src(%arg15 : memref<128x128xf32, #tpu.memory_space<vmem>>) dst(%dma_wait3A_365 : memref<10240x128xf32, #tpu.memory_space<vmem_shared>>)
        %add3A_366 = arith.constant 2 : i32
        %add3A_367 = arith.addi %add3A_349, %add3A_366 : i32
        %add3A_368 = arith.addi %mul3A_2, %add3A_367 : i32
        %dma_start3A_369 = arith.constant 0 : i32
        %dma_start3A_370 = arith.constant 0 : i32
        %dma_start3A_371 = tpu.memref_slice %arg2[%add3A_368, %dma_start3A_369, %dma_start3A_370] : memref<2562x2x128xi32, #tpu.memory_space<hbm>> -> memref<1x2x128xi32, #tpu.memory_space<hbm>>
        %dma_start3A_372 = tpu.memref_squeeze %dma_start3A_371 : memref<1x2x128xi32, #tpu.memory_space<hbm>> -> memref<2x128xi32, #tpu.memory_space<hbm>>
        %dma_start3A_373 = arith.constant 0 : i32
        %dma_start3A_374 = arith.constant 0 : i32
        %dma_start3A_375 = tpu.memref_slice %arg2[%add3A_368, %dma_start3A_373, %dma_start3A_374] : memref<2562x2x128xi32, #tpu.memory_space<hbm>> -> memref<1x2x128xi32, #tpu.memory_space<hbm>>
        %dma_start3A_376 = tpu.memref_squeeze %dma_start3A_375 : memref<1x2x128xi32, #tpu.memory_space<hbm>> -> memref<2x128xi32, #tpu.memory_space<hbm>>
        tpu.enqueue_dma source(%dma_start3A_376 : memref<2x128xi32, #tpu.memory_space<hbm>>) target(%arg7 : memref<2x128xi32, #tpu.memory_space<vmem>>) target_semaphore(%arg11 : memref<!tpu.dma_semaphore, #tpu.memory_space<semaphore_mem>>)
        %dma_start3A_377 = arith.constant 0 : i32
        %dma_start3A_378 = arith.constant 0 : i32
        %dma_start3A_379 = tpu.memref_slice %arg9[%dma_start3A_377, %dma_start3A_378] : memref<2x128xi32, #tpu.memory_space<vmem>> -> memref<1x128xi32, #tpu.memory_space<vmem>>
        %dma_start3A_380 = tpu.memref_squeeze %dma_start3A_379 : memref<1x128xi32, #tpu.memory_space<vmem>> -> memref<128xi32, #tpu.memory_space<vmem>>
        %dma_start3A_381 = arith.constant 0 : i32
        %dma_start3A_382 = arith.constant 0 : i32
        %dma_start3A_383 = tpu.memref_slice %arg3[%dma_start3A_381, %dma_start3A_382] : memref<10240x128xf32, #tpu.memory_space<hbm>> -> memref<10240x128xf32, #tpu.memory_space<hbm>>
        tpu.enqueue_indirect_dma source(%dma_start3A_383 : memref<10240x128xf32, #tpu.memory_space<hbm>>) target(%arg15 : memref<128x128xf32, #tpu.memory_space<vmem>>) offsets(%dma_start3A_380 : memref<128xi32, #tpu.memory_space<vmem>>) semaphore(%arg17 : memref<!tpu.dma_semaphore, #tpu.memory_space<semaphore_mem>>)
        %dma_wait3A_384 = arith.constant 0 : i32
        %dma_wait3A_385 = arith.constant 0 : i32
        %dma_wait3A_386 = tpu.memref_slice %arg9[%dma_wait3A_384, %dma_wait3A_385] : memref<2x128xi32, #tpu.memory_space<vmem>> -> memref<1x128xi32, #tpu.memory_space<vmem>>
        %dma_wait3A_387 = tpu.memref_squeeze %dma_wait3A_386 : memref<1x128xi32, #tpu.memory_space<vmem>> -> memref<128xi32, #tpu.memory_space<vmem>>
        %dma_wait3A_388 = arith.constant 0 : i32
        %dma_wait3A_389 = arith.constant 0 : i32
        %dma_wait3A_390 = tpu.memref_slice %arg3[%dma_wait3A_388, %dma_wait3A_389] : memref<10240x128xf32, #tpu.memory_space<hbm>> -> memref<10240x128xf32, #tpu.memory_space<hbm>>
        tpu.wait_indirect_dma semaphore(%arg17 : memref<!tpu.dma_semaphore, #tpu.memory_space<semaphore_mem>>) src(%dma_wait3A_390 : memref<10240x128xf32, #tpu.memory_space<hbm>>) dst(%arg15 : memref<128x128xf32, #tpu.memory_space<vmem>>)
        %dma_start3A_391 = arith.constant 1 : i32
        %dma_start3A_392 = arith.constant 0 : i32
        %dma_start3A_393 = tpu.memref_slice %arg9[%dma_start3A_391, %dma_start3A_392] : memref<2x128xi32, #tpu.memory_space<vmem>> -> memref<1x128xi32, #tpu.memory_space<vmem>>
        %dma_start3A_394 = tpu.memref_squeeze %dma_start3A_393 : memref<1x128xi32, #tpu.memory_space<vmem>> -> memref<128xi32, #tpu.memory_space<vmem>>
        %dma_start3A_395 = arith.constant 0 : i32
        %dma_start3A_396 = arith.constant 0 : i32
        %dma_start3A_397 = tpu.memref_slice %arg21[%dma_start3A_395, %dma_start3A_396] : memref<10240x128xf32, #tpu.memory_space<vmem_shared>> -> memref<10240x128xf32, #tpu.memory_space<vmem_shared>>
        tpu.enqueue_indirect_dma source(%arg15 : memref<128x128xf32, #tpu.memory_space<vmem>>) target(%dma_start3A_397 : memref<10240x128xf32, #tpu.memory_space<vmem_shared>>) offsets(%dma_start3A_394 : memref<128xi32, #tpu.memory_space<vmem>>) semaphore(%arg19 : memref<!tpu.dma_semaphore, #tpu.memory_space<semaphore_mem>>) {add = true}
        %add3A_398 = arith.constant 3 : i32
        %add3A_399 = arith.addi %mul3A_247, %add3A_398 : i32
        %add3A_400 = arith.addi %mul3A_2, %add3A_399 : i32
        %dma_wait3A_401 = arith.constant 0 : i32
        %dma_wait3A_402 = arith.constant 0 : i32
        %dma_wait3A_403 = tpu.memref_slice %arg2[%add3A_400, %dma_wait3A_401, %dma_wait3A_402] : memref<2562x2x128xi32, #tpu.memory_space<hbm>> -> memref<1x2x128xi32, #tpu.memory_space<hbm>>
        %dma_wait3A_404 = tpu.memref_squeeze %dma_wait3A_403 : memref<1x2x128xi32, #tpu.memory_space<hbm>> -> memref<2x128xi32, #tpu.memory_space<hbm>>
        %dma_wait3A_405 = arith.constant 0 : i32
        %dma_wait3A_406 = arith.constant 0 : i32
        %dma_wait3A_407 = tpu.memref_slice %arg2[%add3A_400, %dma_wait3A_405, %dma_wait3A_406] : memref<2562x2x128xi32, #tpu.memory_space<hbm>> -> memref<1x2x128xi32, #tpu.memory_space<hbm>>
        %dma_wait3A_408 = tpu.memref_squeeze %dma_wait3A_407 : memref<1x2x128xi32, #tpu.memory_space<hbm>> -> memref<2x128xi32, #tpu.memory_space<hbm>>
        tpu.wait_dma2 semaphore(%arg14 : memref<!tpu.dma_semaphore, #tpu.memory_space<semaphore_mem>>) src(%dma_wait3A_408 : memref<2x128xi32, #tpu.memory_space<hbm>>) dst(%arg10 : memref<2x128xi32, #tpu.memory_space<vmem>>)
        %dma_wait3A_409 = arith.constant 1 : i32
        %dma_wait3A_410 = arith.constant 0 : i32
        %dma_wait3A_411 = tpu.memref_slice %arg8[%dma_wait3A_409, %dma_wait3A_410] : memref<2x128xi32, #tpu.memory_space<vmem>> -> memref<1x128xi32, #tpu.memory_space<vmem>>
        %dma_wait3A_412 = tpu.memref_squeeze %dma_wait3A_411 : memref<1x128xi32, #tpu.memory_space<vmem>> -> memref<128xi32, #tpu.memory_space<vmem>>
        %dma_wait3A_413 = arith.constant 0 : i32
        %dma_wait3A_414 = arith.constant 0 : i32
        %dma_wait3A_415 = tpu.memref_slice %arg21[%dma_wait3A_413, %dma_wait3A_414] : memref<10240x128xf32, #tpu.memory_space<vmem_shared>> -> memref<10240x128xf32, #tpu.memory_space<vmem_shared>>
        tpu.wait_indirect_dma semaphore(%arg20 : memref<!tpu.dma_semaphore, #tpu.memory_space<semaphore_mem>>) src(%arg16 : memref<128x128xf32, #tpu.memory_space<vmem>>) dst(%dma_wait3A_415 : memref<10240x128xf32, #tpu.memory_space<vmem_shared>>)
        %add3A_416 = arith.constant 2 : i32
        %add3A_417 = arith.addi %add3A_399, %add3A_416 : i32
        %add3A_418 = arith.addi %mul3A_2, %add3A_417 : i32
        %dma_start3A_419 = arith.constant 0 : i32
        %dma_start3A_420 = arith.constant 0 : i32
        %dma_start3A_421 = tpu.memref_slice %arg2[%add3A_418, %dma_start3A_419, %dma_start3A_420] : memref<2562x2x128xi32, #tpu.memory_space<hbm>> -> memref<1x2x128xi32, #tpu.memory_space<hbm>>
        %dma_start3A_422 = tpu.memref_squeeze %dma_start3A_421 : memref<1x2x128xi32, #tpu.memory_space<hbm>> -> memref<2x128xi32, #tpu.memory_space<hbm>>
        %dma_start3A_423 = arith.constant 0 : i32
        %dma_start3A_424 = arith.constant 0 : i32
        %dma_start3A_425 = tpu.memref_slice %arg2[%add3A_418, %dma_start3A_423, %dma_start3A_424] : memref<2562x2x128xi32, #tpu.memory_space<hbm>> -> memref<1x2x128xi32, #tpu.memory_space<hbm>>
        %dma_start3A_426 = tpu.memref_squeeze %dma_start3A_425 : memref<1x2x128xi32, #tpu.memory_space<hbm>> -> memref<2x128xi32, #tpu.memory_space<hbm>>
        tpu.enqueue_dma source(%dma_start3A_426 : memref<2x128xi32, #tpu.memory_space<hbm>>) target(%arg8 : memref<2x128xi32, #tpu.memory_space<vmem>>) target_semaphore(%arg12 : memref<!tpu.dma_semaphore, #tpu.memory_space<semaphore_mem>>)
        %dma_start3A_427 = arith.constant 0 : i32
        %dma_start3A_428 = arith.constant 0 : i32
        %dma_start3A_429 = tpu.memref_slice %arg10[%dma_start3A_427, %dma_start3A_428] : memref<2x128xi32, #tpu.memory_space<vmem>> -> memref<1x128xi32, #tpu.memory_space<vmem>>
        %dma_start3A_430 = tpu.memref_squeeze %dma_start3A_429 : memref<1x128xi32, #tpu.memory_space<vmem>> -> memref<128xi32, #tpu.memory_space<vmem>>
        %dma_start3A_431 = arith.constant 0 : i32
        %dma_start3A_432 = arith.constant 0 : i32
        %dma_start3A_433 = tpu.memref_slice %arg3[%dma_start3A_431, %dma_start3A_432] : memref<10240x128xf32, #tpu.memory_space<hbm>> -> memref<10240x128xf32, #tpu.memory_space<hbm>>
        tpu.enqueue_indirect_dma source(%dma_start3A_433 : memref<10240x128xf32, #tpu.memory_space<hbm>>) target(%arg16 : memref<128x128xf32, #tpu.memory_space<vmem>>) offsets(%dma_start3A_430 : memref<128xi32, #tpu.memory_space<vmem>>) semaphore(%arg18 : memref<!tpu.dma_semaphore, #tpu.memory_space<semaphore_mem>>)
        %dma_wait3A_434 = arith.constant 0 : i32
        %dma_wait3A_435 = arith.constant 0 : i32
        %dma_wait3A_436 = tpu.memref_slice %arg10[%dma_wait3A_434, %dma_wait3A_435] : memref<2x128xi32, #tpu.memory_space<vmem>> -> memref<1x128xi32, #tpu.memory_space<vmem>>
        %dma_wait3A_437 = tpu.memref_squeeze %dma_wait3A_436 : memref<1x128xi32, #tpu.memory_space<vmem>> -> memref<128xi32, #tpu.memory_space<vmem>>
        %dma_wait3A_438 = arith.constant 0 : i32
        %dma_wait3A_439 = arith.constant 0 : i32
        %dma_wait3A_440 = tpu.memref_slice %arg3[%dma_wait3A_438, %dma_wait3A_439] : memref<10240x128xf32, #tpu.memory_space<hbm>> -> memref<10240x128xf32, #tpu.memory_space<hbm>>
        tpu.wait_indirect_dma semaphore(%arg18 : memref<!tpu.dma_semaphore, #tpu.memory_space<semaphore_mem>>) src(%dma_wait3A_440 : memref<10240x128xf32, #tpu.memory_space<hbm>>) dst(%arg16 : memref<128x128xf32, #tpu.memory_space<vmem>>)
        %dma_start3A_441 = arith.constant 1 : i32
        %dma_start3A_442 = arith.constant 0 : i32
        %dma_start3A_443 = tpu.memref_slice %arg10[%dma_start3A_441, %dma_start3A_442] : memref<2x128xi32, #tpu.memory_space<vmem>> -> memref<1x128xi32, #tpu.memory_space<vmem>>
        %dma_start3A_444 = tpu.memref_squeeze %dma_start3A_443 : memref<1x128xi32, #tpu.memory_space<vmem>> -> memref<128xi32, #tpu.memory_space<vmem>>
        %dma_start3A_445 = arith.constant 0 : i32
        %dma_start3A_446 = arith.constant 0 : i32
        %dma_start3A_447 = tpu.memref_slice %arg21[%dma_start3A_445, %dma_start3A_446] : memref<10240x128xf32, #tpu.memory_space<vmem_shared>> -> memref<10240x128xf32, #tpu.memory_space<vmem_shared>>
        tpu.enqueue_indirect_dma source(%arg16 : memref<128x128xf32, #tpu.memory_space<vmem>>) target(%dma_start3A_447 : memref<10240x128xf32, #tpu.memory_space<vmem_shared>>) offsets(%dma_start3A_444 : memref<128xi32, #tpu.memory_space<vmem>>) semaphore(%arg20 : memref<!tpu.dma_semaphore, #tpu.memory_space<semaphore_mem>>) {add = true}
      }
      %scan3A_210 = arith.constant 39 : i32
      %dma_wait3A_211 = arith.constant 1 : i32
      %dma_wait3A_212 = arith.constant 0 : i32
      %dma_wait3A_213 = tpu.memref_slice %arg9[%dma_wait3A_211, %dma_wait3A_212] : memref<2x128xi32, #tpu.memory_space<vmem>> -> memref<1x128xi32, #tpu.memory_space<vmem>>
      %dma_wait3A_214 = tpu.memref_squeeze %dma_wait3A_213 : memref<1x128xi32, #tpu.memory_space<vmem>> -> memref<128xi32, #tpu.memory_space<vmem>>
      %dma_wait3A_215 = arith.constant 0 : i32
      %dma_wait3A_216 = arith.constant 0 : i32
      %dma_wait3A_217 = tpu.memref_slice %arg21[%dma_wait3A_215, %dma_wait3A_216] : memref<10240x128xf32, #tpu.memory_space<vmem_shared>> -> memref<10240x128xf32, #tpu.memory_space<vmem_shared>>
      tpu.wait_indirect_dma semaphore(%arg19 : memref<!tpu.dma_semaphore, #tpu.memory_space<semaphore_mem>>) src(%arg15 : memref<128x128xf32, #tpu.memory_space<vmem>>) dst(%dma_wait3A_217 : memref<10240x128xf32, #tpu.memory_space<vmem_shared>>)
      %dma_wait3A_218 = arith.constant 1 : i32
      %dma_wait3A_219 = arith.constant 0 : i32
      %dma_wait3A_220 = tpu.memref_slice %arg10[%dma_wait3A_218, %dma_wait3A_219] : memref<2x128xi32, #tpu.memory_space<vmem>> -> memref<1x128xi32, #tpu.memory_space<vmem>>
      %dma_wait3A_221 = tpu.memref_squeeze %dma_wait3A_220 : memref<1x128xi32, #tpu.memory_space<vmem>> -> memref<128xi32, #tpu.memory_space<vmem>>
      %dma_wait3A_222 = arith.constant 0 : i32
      %dma_wait3A_223 = arith.constant 0 : i32
      %dma_wait3A_224 = tpu.memref_slice %arg21[%dma_wait3A_222, %dma_wait3A_223] : memref<10240x128xf32, #tpu.memory_space<vmem_shared>> -> memref<10240x128xf32, #tpu.memory_space<vmem_shared>>
      tpu.wait_indirect_dma semaphore(%arg20 : memref<!tpu.dma_semaphore, #tpu.memory_space<semaphore_mem>>) src(%arg16 : memref<128x128xf32, #tpu.memory_space<vmem>>) dst(%dma_wait3A_224 : memref<10240x128xf32, #tpu.memory_space<vmem_shared>>)
      %add3A_225 = arith.constant 160 : i32
      %add3A_226 = arith.addi %mul3A_2, %add3A_225 : i32
      %dma_wait3A_227 = arith.constant 0 : i32
      %dma_wait3A_228 = arith.constant 0 : i32
      %dma_wait3A_229 = tpu.memref_slice %arg2[%add3A_226, %dma_wait3A_227, %dma_wait3A_228] : memref<2562x2x128xi32, #tpu.memory_space<hbm>> -> memref<1x2x128xi32, #tpu.memory_space<hbm>>
      %dma_wait3A_230 = tpu.memref_squeeze %dma_wait3A_229 : memref<1x2x128xi32, #tpu.memory_space<hbm>> -> memref<2x128xi32, #tpu.memory_space<hbm>>
      %dma_wait3A_231 = arith.constant 0 : i32
      %dma_wait3A_232 = arith.constant 0 : i32
      %dma_wait3A_233 = tpu.memref_slice %arg2[%add3A_226, %dma_wait3A_231, %dma_wait3A_232] : memref<2562x2x128xi32, #tpu.memory_space<hbm>> -> memref<1x2x128xi32, #tpu.memory_space<hbm>>
      %dma_wait3A_234 = tpu.memref_squeeze %dma_wait3A_233 : memref<1x2x128xi32, #tpu.memory_space<hbm>> -> memref<2x128xi32, #tpu.memory_space<hbm>>
      tpu.wait_dma2 semaphore(%arg11 : memref<!tpu.dma_semaphore, #tpu.memory_space<semaphore_mem>>) src(%dma_wait3A_234 : memref<2x128xi32, #tpu.memory_space<hbm>>) dst(%arg7 : memref<2x128xi32, #tpu.memory_space<vmem>>)
      %add3A_235 = arith.constant 161 : i32
      %add3A_236 = arith.addi %mul3A_2, %add3A_235 : i32
      %dma_wait3A_237 = arith.constant 0 : i32
      %dma_wait3A_238 = arith.constant 0 : i32
      %dma_wait3A_239 = tpu.memref_slice %arg2[%add3A_236, %dma_wait3A_237, %dma_wait3A_238] : memref<2562x2x128xi32, #tpu.memory_space<hbm>> -> memref<1x2x128xi32, #tpu.memory_space<hbm>>
      %dma_wait3A_240 = tpu.memref_squeeze %dma_wait3A_239 : memref<1x2x128xi32, #tpu.memory_space<hbm>> -> memref<2x128xi32, #tpu.memory_space<hbm>>
      %dma_wait3A_241 = arith.constant 0 : i32
      %dma_wait3A_242 = arith.constant 0 : i32
      %dma_wait3A_243 = tpu.memref_slice %arg2[%add3A_236, %dma_wait3A_241, %dma_wait3A_242] : memref<2562x2x128xi32, #tpu.memory_space<hbm>> -> memref<1x2x128xi32, #tpu.memory_space<hbm>>
      %dma_wait3A_244 = tpu.memref_squeeze %dma_wait3A_243 : memref<1x2x128xi32, #tpu.memory_space<hbm>> -> memref<2x128xi32, #tpu.memory_space<hbm>>
      tpu.wait_dma2 semaphore(%arg12 : memref<!tpu.dma_semaphore, #tpu.memory_space<semaphore_mem>>) src(%dma_wait3A_244 : memref<2x128xi32, #tpu.memory_space<hbm>>) dst(%arg8 : memref<2x128xi32, #tpu.memory_space<vmem>>)
    } else {
    }
    %eq3A_5 = arith.constant 1 : i32
    %eq3A_6 = arith.cmpi eq, %arg0, %eq3A_5 : i32
    %convert_element_type3A_7 = arith.extui %eq3A_6 : i1 to i32
    %cond3A_8 = arith.constant 0 : i32
    %cond3A_9 = arith.cmpi ne, %convert_element_type3A_7, %cond3A_8 : i32
    scf.if %cond3A_9 {
      %add3A = arith.constant 0 : i32
      %add3A_11 = arith.addi %mul3A_2, %add3A : i32
      %dma_start3A = arith.constant 0 : i32
      %dma_start3A_12 = arith.constant 0 : i32
      %dma_start3A_13 = tpu.memref_slice %arg2[%add3A_11, %dma_start3A, %dma_start3A_12] : memref<2562x2x128xi32, #tpu.memory_space<hbm>> -> memref<1x2x128xi32, #tpu.memory_space<hbm>>
      %dma_start3A_14 = tpu.memref_squeeze %dma_start3A_13 : memref<1x2x128xi32, #tpu.memory_space<hbm>> -> memref<2x128xi32, #tpu.memory_space<hbm>>
      %dma_start3A_15 = arith.constant 0 : i32
      %dma_start3A_16 = arith.constant 0 : i32
      %dma_start3A_17 = tpu.memref_slice %arg2[%add3A_11, %dma_start3A_15, %dma_start3A_16] : memref<2562x2x128xi32, #tpu.memory_space<hbm>> -> memref<1x2x128xi32, #tpu.memory_space<hbm>>
      %dma_start3A_18 = tpu.memref_squeeze %dma_start3A_17 : memref<1x2x128xi32, #tpu.memory_space<hbm>> -> memref<2x128xi32, #tpu.memory_space<hbm>>
      tpu.enqueue_dma source(%dma_start3A_18 : memref<2x128xi32, #tpu.memory_space<hbm>>) target(%arg7 : memref<2x128xi32, #tpu.memory_space<vmem>>) target_semaphore(%arg11 : memref<!tpu.dma_semaphore, #tpu.memory_space<semaphore_mem>>)
      %add3A_19 = arith.constant 1 : i32
      %add3A_20 = arith.addi %mul3A_2, %add3A_19 : i32
      %dma_start3A_21 = arith.constant 0 : i32
      %dma_start3A_22 = arith.constant 0 : i32
      %dma_start3A_23 = tpu.memref_slice %arg2[%add3A_20, %dma_start3A_21, %dma_start3A_22] : memref<2562x2x128xi32, #tpu.memory_space<hbm>> -> memref<1x2x128xi32, #tpu.memory_space<hbm>>
      %dma_start3A_24 = tpu.memref_squeeze %dma_start3A_23 : memref<1x2x128xi32, #tpu.memory_space<hbm>> -> memref<2x128xi32, #tpu.memory_space<hbm>>
      %dma_start3A_25 = arith.constant 0 : i32
      %dma_start3A_26 = arith.constant 0 : i32
      %dma_start3A_27 = tpu.memref_slice %arg2[%add3A_20, %dma_start3A_25, %dma_start3A_26] : memref<2562x2x128xi32, #tpu.memory_space<hbm>> -> memref<1x2x128xi32, #tpu.memory_space<hbm>>
      %dma_start3A_28 = tpu.memref_squeeze %dma_start3A_27 : memref<1x2x128xi32, #tpu.memory_space<hbm>> -> memref<2x128xi32, #tpu.memory_space<hbm>>
      tpu.enqueue_dma source(%dma_start3A_28 : memref<2x128xi32, #tpu.memory_space<hbm>>) target(%arg8 : memref<2x128xi32, #tpu.memory_space<vmem>>) target_semaphore(%arg12 : memref<!tpu.dma_semaphore, #tpu.memory_space<semaphore_mem>>)
      %add3A_29 = arith.constant 0 : i32
      %add3A_30 = arith.addi %mul3A_2, %add3A_29 : i32
      %dma_wait3A = arith.constant 0 : i32
      %dma_wait3A_31 = arith.constant 0 : i32
      %dma_wait3A_32 = tpu.memref_slice %arg2[%add3A_30, %dma_wait3A, %dma_wait3A_31] : memref<2562x2x128xi32, #tpu.memory_space<hbm>> -> memref<1x2x128xi32, #tpu.memory_space<hbm>>
      %dma_wait3A_33 = tpu.memref_squeeze %dma_wait3A_32 : memref<1x2x128xi32, #tpu.memory_space<hbm>> -> memref<2x128xi32, #tpu.memory_space<hbm>>
      %dma_wait3A_34 = arith.constant 0 : i32
      %dma_wait3A_35 = arith.constant 0 : i32
      %dma_wait3A_36 = tpu.memref_slice %arg2[%add3A_30, %dma_wait3A_34, %dma_wait3A_35] : memref<2562x2x128xi32, #tpu.memory_space<hbm>> -> memref<1x2x128xi32, #tpu.memory_space<hbm>>
      %dma_wait3A_37 = tpu.memref_squeeze %dma_wait3A_36 : memref<1x2x128xi32, #tpu.memory_space<hbm>> -> memref<2x128xi32, #tpu.memory_space<hbm>>
      tpu.wait_dma2 semaphore(%arg11 : memref<!tpu.dma_semaphore, #tpu.memory_space<semaphore_mem>>) src(%dma_wait3A_37 : memref<2x128xi32, #tpu.memory_space<hbm>>) dst(%arg7 : memref<2x128xi32, #tpu.memory_space<vmem>>)
      %add3A_38 = arith.constant 2 : i32
      %add3A_39 = arith.addi %mul3A_2, %add3A_38 : i32
      %dma_start3A_40 = arith.constant 0 : i32
      %dma_start3A_41 = arith.constant 0 : i32
      %dma_start3A_42 = tpu.memref_slice %arg2[%add3A_39, %dma_start3A_40, %dma_start3A_41] : memref<2562x2x128xi32, #tpu.memory_space<hbm>> -> memref<1x2x128xi32, #tpu.memory_space<hbm>>
      %dma_start3A_43 = tpu.memref_squeeze %dma_start3A_42 : memref<1x2x128xi32, #tpu.memory_space<hbm>> -> memref<2x128xi32, #tpu.memory_space<hbm>>
      %dma_start3A_44 = arith.constant 0 : i32
      %dma_start3A_45 = arith.constant 0 : i32
      %dma_start3A_46 = tpu.memref_slice %arg2[%add3A_39, %dma_start3A_44, %dma_start3A_45] : memref<2562x2x128xi32, #tpu.memory_space<hbm>> -> memref<1x2x128xi32, #tpu.memory_space<hbm>>
      %dma_start3A_47 = tpu.memref_squeeze %dma_start3A_46 : memref<1x2x128xi32, #tpu.memory_space<hbm>> -> memref<2x128xi32, #tpu.memory_space<hbm>>
      tpu.enqueue_dma source(%dma_start3A_47 : memref<2x128xi32, #tpu.memory_space<hbm>>) target(%arg9 : memref<2x128xi32, #tpu.memory_space<vmem>>) target_semaphore(%arg13 : memref<!tpu.dma_semaphore, #tpu.memory_space<semaphore_mem>>)
      %dma_start3A_48 = arith.constant 0 : i32
      %dma_start3A_49 = arith.constant 0 : i32
      %dma_start3A_50 = tpu.memref_slice %arg7[%dma_start3A_48, %dma_start3A_49] : memref<2x128xi32, #tpu.memory_space<vmem>> -> memref<1x128xi32, #tpu.memory_space<vmem>>
      %dma_start3A_51 = tpu.memref_squeeze %dma_start3A_50 : memref<1x128xi32, #tpu.memory_space<vmem>> -> memref<128xi32, #tpu.memory_space<vmem>>
      %dma_start3A_52 = arith.constant 0 : i32
      %dma_start3A_53 = arith.constant 0 : i32
      %dma_start3A_54 = tpu.memref_slice %arg4[%dma_start3A_52, %dma_start3A_53] : memref<10240x128xf32, #tpu.memory_space<hbm>> -> memref<10240x128xf32, #tpu.memory_space<hbm>>
      tpu.enqueue_indirect_dma source(%dma_start3A_54 : memref<10240x128xf32, #tpu.memory_space<hbm>>) target(%arg15 : memref<128x128xf32, #tpu.memory_space<vmem>>) offsets(%dma_start3A_51 : memref<128xi32, #tpu.memory_space<vmem>>) semaphore(%arg17 : memref<!tpu.dma_semaphore, #tpu.memory_space<semaphore_mem>>)
      %dma_wait3A_55 = arith.constant 0 : i32
      %dma_wait3A_56 = arith.constant 0 : i32
      %dma_wait3A_57 = tpu.memref_slice %arg7[%dma_wait3A_55, %dma_wait3A_56] : memref<2x128xi32, #tpu.memory_space<vmem>> -> memref<1x128xi32, #tpu.memory_space<vmem>>
      %dma_wait3A_58 = tpu.memref_squeeze %dma_wait3A_57 : memref<1x128xi32, #tpu.memory_space<vmem>> -> memref<128xi32, #tpu.memory_space<vmem>>
      %dma_wait3A_59 = arith.constant 0 : i32
      %dma_wait3A_60 = arith.constant 0 : i32
      %dma_wait3A_61 = tpu.memref_slice %arg4[%dma_wait3A_59, %dma_wait3A_60] : memref<10240x128xf32, #tpu.memory_space<hbm>> -> memref<10240x128xf32, #tpu.memory_space<hbm>>
      tpu.wait_indirect_dma semaphore(%arg17 : memref<!tpu.dma_semaphore, #tpu.memory_space<semaphore_mem>>) src(%dma_wait3A_61 : memref<10240x128xf32, #tpu.memory_space<hbm>>) dst(%arg15 : memref<128x128xf32, #tpu.memory_space<vmem>>)
      %dma_start3A_62 = arith.constant 1 : i32
      %dma_start3A_63 = arith.constant 0 : i32
      %dma_start3A_64 = tpu.memref_slice %arg7[%dma_start3A_62, %dma_start3A_63] : memref<2x128xi32, #tpu.memory_space<vmem>> -> memref<1x128xi32, #tpu.memory_space<vmem>>
      %dma_start3A_65 = tpu.memref_squeeze %dma_start3A_64 : memref<1x128xi32, #tpu.memory_space<vmem>> -> memref<128xi32, #tpu.memory_space<vmem>>
      %dma_start3A_66 = arith.constant 0 : i32
      %dma_start3A_67 = arith.constant 0 : i32
      %dma_start3A_68 = tpu.memref_slice %arg21[%dma_start3A_66, %dma_start3A_67] : memref<10240x128xf32, #tpu.memory_space<vmem_shared>> -> memref<10240x128xf32, #tpu.memory_space<vmem_shared>>
      tpu.enqueue_indirect_dma source(%arg15 : memref<128x128xf32, #tpu.memory_space<vmem>>) target(%dma_start3A_68 : memref<10240x128xf32, #tpu.memory_space<vmem_shared>>) offsets(%dma_start3A_65 : memref<128xi32, #tpu.memory_space<vmem>>) semaphore(%arg19 : memref<!tpu.dma_semaphore, #tpu.memory_space<semaphore_mem>>) {add = true}
      %add3A_69 = arith.constant 1 : i32
      %add3A_70 = arith.addi %mul3A_2, %add3A_69 : i32
      %dma_wait3A_71 = arith.constant 0 : i32
      %dma_wait3A_72 = arith.constant 0 : i32
      %dma_wait3A_73 = tpu.memref_slice %arg2[%add3A_70, %dma_wait3A_71, %dma_wait3A_72] : memref<2562x2x128xi32, #tpu.memory_space<hbm>> -> memref<1x2x128xi32, #tpu.memory_space<hbm>>
      %dma_wait3A_74 = tpu.memref_squeeze %dma_wait3A_73 : memref<1x2x128xi32, #tpu.memory_space<hbm>> -> memref<2x128xi32, #tpu.memory_space<hbm>>
      %dma_wait3A_75 = arith.constant 0 : i32
      %dma_wait3A_76 = arith.constant 0 : i32
      %dma_wait3A_77 = tpu.memref_slice %arg2[%add3A_70, %dma_wait3A_75, %dma_wait3A_76] : memref<2562x2x128xi32, #tpu.memory_space<hbm>> -> memref<1x2x128xi32, #tpu.memory_space<hbm>>
      %dma_wait3A_78 = tpu.memref_squeeze %dma_wait3A_77 : memref<1x2x128xi32, #tpu.memory_space<hbm>> -> memref<2x128xi32, #tpu.memory_space<hbm>>
      tpu.wait_dma2 semaphore(%arg12 : memref<!tpu.dma_semaphore, #tpu.memory_space<semaphore_mem>>) src(%dma_wait3A_78 : memref<2x128xi32, #tpu.memory_space<hbm>>) dst(%arg8 : memref<2x128xi32, #tpu.memory_space<vmem>>)
      %add3A_79 = arith.constant 3 : i32
      %add3A_80 = arith.addi %mul3A_2, %add3A_79 : i32
      %dma_start3A_81 = arith.constant 0 : i32
      %dma_start3A_82 = arith.constant 0 : i32
      %dma_start3A_83 = tpu.memref_slice %arg2[%add3A_80, %dma_start3A_81, %dma_start3A_82] : memref<2562x2x128xi32, #tpu.memory_space<hbm>> -> memref<1x2x128xi32, #tpu.memory_space<hbm>>
      %dma_start3A_84 = tpu.memref_squeeze %dma_start3A_83 : memref<1x2x128xi32, #tpu.memory_space<hbm>> -> memref<2x128xi32, #tpu.memory_space<hbm>>
      %dma_start3A_85 = arith.constant 0 : i32
      %dma_start3A_86 = arith.constant 0 : i32
      %dma_start3A_87 = tpu.memref_slice %arg2[%add3A_80, %dma_start3A_85, %dma_start3A_86] : memref<2562x2x128xi32, #tpu.memory_space<hbm>> -> memref<1x2x128xi32, #tpu.memory_space<hbm>>
      %dma_start3A_88 = tpu.memref_squeeze %dma_start3A_87 : memref<1x2x128xi32, #tpu.memory_space<hbm>> -> memref<2x128xi32, #tpu.memory_space<hbm>>
      tpu.enqueue_dma source(%dma_start3A_88 : memref<2x128xi32, #tpu.memory_space<hbm>>) target(%arg10 : memref<2x128xi32, #tpu.memory_space<vmem>>) target_semaphore(%arg14 : memref<!tpu.dma_semaphore, #tpu.memory_space<semaphore_mem>>)
      %dma_start3A_89 = arith.constant 0 : i32
      %dma_start3A_90 = arith.constant 0 : i32
      %dma_start3A_91 = tpu.memref_slice %arg8[%dma_start3A_89, %dma_start3A_90] : memref<2x128xi32, #tpu.memory_space<vmem>> -> memref<1x128xi32, #tpu.memory_space<vmem>>
      %dma_start3A_92 = tpu.memref_squeeze %dma_start3A_91 : memref<1x128xi32, #tpu.memory_space<vmem>> -> memref<128xi32, #tpu.memory_space<vmem>>
      %dma_start3A_93 = arith.constant 0 : i32
      %dma_start3A_94 = arith.constant 0 : i32
      %dma_start3A_95 = tpu.memref_slice %arg4[%dma_start3A_93, %dma_start3A_94] : memref<10240x128xf32, #tpu.memory_space<hbm>> -> memref<10240x128xf32, #tpu.memory_space<hbm>>
      tpu.enqueue_indirect_dma source(%dma_start3A_95 : memref<10240x128xf32, #tpu.memory_space<hbm>>) target(%arg16 : memref<128x128xf32, #tpu.memory_space<vmem>>) offsets(%dma_start3A_92 : memref<128xi32, #tpu.memory_space<vmem>>) semaphore(%arg18 : memref<!tpu.dma_semaphore, #tpu.memory_space<semaphore_mem>>)
      %dma_wait3A_96 = arith.constant 0 : i32
      %dma_wait3A_97 = arith.constant 0 : i32
      %dma_wait3A_98 = tpu.memref_slice %arg8[%dma_wait3A_96, %dma_wait3A_97] : memref<2x128xi32, #tpu.memory_space<vmem>> -> memref<1x128xi32, #tpu.memory_space<vmem>>
      %dma_wait3A_99 = tpu.memref_squeeze %dma_wait3A_98 : memref<1x128xi32, #tpu.memory_space<vmem>> -> memref<128xi32, #tpu.memory_space<vmem>>
      %dma_wait3A_100 = arith.constant 0 : i32
      %dma_wait3A_101 = arith.constant 0 : i32
      %dma_wait3A_102 = tpu.memref_slice %arg4[%dma_wait3A_100, %dma_wait3A_101] : memref<10240x128xf32, #tpu.memory_space<hbm>> -> memref<10240x128xf32, #tpu.memory_space<hbm>>
      tpu.wait_indirect_dma semaphore(%arg18 : memref<!tpu.dma_semaphore, #tpu.memory_space<semaphore_mem>>) src(%dma_wait3A_102 : memref<10240x128xf32, #tpu.memory_space<hbm>>) dst(%arg16 : memref<128x128xf32, #tpu.memory_space<vmem>>)
      %dma_start3A_103 = arith.constant 1 : i32
      %dma_start3A_104 = arith.constant 0 : i32
      %dma_start3A_105 = tpu.memref_slice %arg8[%dma_start3A_103, %dma_start3A_104] : memref<2x128xi32, #tpu.memory_space<vmem>> -> memref<1x128xi32, #tpu.memory_space<vmem>>
      %dma_start3A_106 = tpu.memref_squeeze %dma_start3A_105 : memref<1x128xi32, #tpu.memory_space<vmem>> -> memref<128xi32, #tpu.memory_space<vmem>>
      %dma_start3A_107 = arith.constant 0 : i32
      %dma_start3A_108 = arith.constant 0 : i32
      %dma_start3A_109 = tpu.memref_slice %arg21[%dma_start3A_107, %dma_start3A_108] : memref<10240x128xf32, #tpu.memory_space<vmem_shared>> -> memref<10240x128xf32, #tpu.memory_space<vmem_shared>>
      tpu.enqueue_indirect_dma source(%arg16 : memref<128x128xf32, #tpu.memory_space<vmem>>) target(%dma_start3A_109 : memref<10240x128xf32, #tpu.memory_space<vmem_shared>>) offsets(%dma_start3A_106 : memref<128xi32, #tpu.memory_space<vmem>>) semaphore(%arg20 : memref<!tpu.dma_semaphore, #tpu.memory_space<semaphore_mem>>) {add = true}
      %add3A_110 = arith.constant 2 : i32
      %add3A_111 = arith.addi %mul3A_2, %add3A_110 : i32
      %dma_wait3A_112 = arith.constant 0 : i32
      %dma_wait3A_113 = arith.constant 0 : i32
      %dma_wait3A_114 = tpu.memref_slice %arg2[%add3A_111, %dma_wait3A_112, %dma_wait3A_113] : memref<2562x2x128xi32, #tpu.memory_space<hbm>> -> memref<1x2x128xi32, #tpu.memory_space<hbm>>
      %dma_wait3A_115 = tpu.memref_squeeze %dma_wait3A_114 : memref<1x2x128xi32, #tpu.memory_space<hbm>> -> memref<2x128xi32, #tpu.memory_space<hbm>>
      %dma_wait3A_116 = arith.constant 0 : i32
      %dma_wait3A_117 = arith.constant 0 : i32
      %dma_wait3A_118 = tpu.memref_slice %arg2[%add3A_111, %dma_wait3A_116, %dma_wait3A_117] : memref<2562x2x128xi32, #tpu.memory_space<hbm>> -> memref<1x2x128xi32, #tpu.memory_space<hbm>>
      %dma_wait3A_119 = tpu.memref_squeeze %dma_wait3A_118 : memref<1x2x128xi32, #tpu.memory_space<hbm>> -> memref<2x128xi32, #tpu.memory_space<hbm>>
      tpu.wait_dma2 semaphore(%arg13 : memref<!tpu.dma_semaphore, #tpu.memory_space<semaphore_mem>>) src(%dma_wait3A_119 : memref<2x128xi32, #tpu.memory_space<hbm>>) dst(%arg9 : memref<2x128xi32, #tpu.memory_space<vmem>>)
      %dma_wait3A_120 = arith.constant 1 : i32
      %dma_wait3A_121 = arith.constant 0 : i32
      %dma_wait3A_122 = tpu.memref_slice %arg7[%dma_wait3A_120, %dma_wait3A_121] : memref<2x128xi32, #tpu.memory_space<vmem>> -> memref<1x128xi32, #tpu.memory_space<vmem>>
      %dma_wait3A_123 = tpu.memref_squeeze %dma_wait3A_122 : memref<1x128xi32, #tpu.memory_space<vmem>> -> memref<128xi32, #tpu.memory_space<vmem>>
      %dma_wait3A_124 = arith.constant 0 : i32
      %dma_wait3A_125 = arith.constant 0 : i32
      %dma_wait3A_126 = tpu.memref_slice %arg21[%dma_wait3A_124, %dma_wait3A_125] : memref<10240x128xf32, #tpu.memory_space<vmem_shared>> -> memref<10240x128xf32, #tpu.memory_space<vmem_shared>>
      tpu.wait_indirect_dma semaphore(%arg19 : memref<!tpu.dma_semaphore, #tpu.memory_space<semaphore_mem>>) src(%arg15 : memref<128x128xf32, #tpu.memory_space<vmem>>) dst(%dma_wait3A_126 : memref<10240x128xf32, #tpu.memory_space<vmem_shared>>)
      %add3A_127 = arith.constant 4 : i32
      %add3A_128 = arith.addi %mul3A_2, %add3A_127 : i32
      %dma_start3A_129 = arith.constant 0 : i32
      %dma_start3A_130 = arith.constant 0 : i32
      %dma_start3A_131 = tpu.memref_slice %arg2[%add3A_128, %dma_start3A_129, %dma_start3A_130] : memref<2562x2x128xi32, #tpu.memory_space<hbm>> -> memref<1x2x128xi32, #tpu.memory_space<hbm>>
      %dma_start3A_132 = tpu.memref_squeeze %dma_start3A_131 : memref<1x2x128xi32, #tpu.memory_space<hbm>> -> memref<2x128xi32, #tpu.memory_space<hbm>>
      %dma_start3A_133 = arith.constant 0 : i32
      %dma_start3A_134 = arith.constant 0 : i32
      %dma_start3A_135 = tpu.memref_slice %arg2[%add3A_128, %dma_start3A_133, %dma_start3A_134] : memref<2562x2x128xi32, #tpu.memory_space<hbm>> -> memref<1x2x128xi32, #tpu.memory_space<hbm>>
      %dma_start3A_136 = tpu.memref_squeeze %dma_start3A_135 : memref<1x2x128xi32, #tpu.memory_space<hbm>> -> memref<2x128xi32, #tpu.memory_space<hbm>>
      tpu.enqueue_dma source(%dma_start3A_136 : memref<2x128xi32, #tpu.memory_space<hbm>>) target(%arg7 : memref<2x128xi32, #tpu.memory_space<vmem>>) target_semaphore(%arg11 : memref<!tpu.dma_semaphore, #tpu.memory_space<semaphore_mem>>)
      %dma_start3A_137 = arith.constant 0 : i32
      %dma_start3A_138 = arith.constant 0 : i32
      %dma_start3A_139 = tpu.memref_slice %arg9[%dma_start3A_137, %dma_start3A_138] : memref<2x128xi32, #tpu.memory_space<vmem>> -> memref<1x128xi32, #tpu.memory_space<vmem>>
      %dma_start3A_140 = tpu.memref_squeeze %dma_start3A_139 : memref<1x128xi32, #tpu.memory_space<vmem>> -> memref<128xi32, #tpu.memory_space<vmem>>
      %dma_start3A_141 = arith.constant 0 : i32
      %dma_start3A_142 = arith.constant 0 : i32
      %dma_start3A_143 = tpu.memref_slice %arg4[%dma_start3A_141, %dma_start3A_142] : memref<10240x128xf32, #tpu.memory_space<hbm>> -> memref<10240x128xf32, #tpu.memory_space<hbm>>
      tpu.enqueue_indirect_dma source(%dma_start3A_143 : memref<10240x128xf32, #tpu.memory_space<hbm>>) target(%arg15 : memref<128x128xf32, #tpu.memory_space<vmem>>) offsets(%dma_start3A_140 : memref<128xi32, #tpu.memory_space<vmem>>) semaphore(%arg17 : memref<!tpu.dma_semaphore, #tpu.memory_space<semaphore_mem>>)
      %dma_wait3A_144 = arith.constant 0 : i32
      %dma_wait3A_145 = arith.constant 0 : i32
      %dma_wait3A_146 = tpu.memref_slice %arg9[%dma_wait3A_144, %dma_wait3A_145] : memref<2x128xi32, #tpu.memory_space<vmem>> -> memref<1x128xi32, #tpu.memory_space<vmem>>
      %dma_wait3A_147 = tpu.memref_squeeze %dma_wait3A_146 : memref<1x128xi32, #tpu.memory_space<vmem>> -> memref<128xi32, #tpu.memory_space<vmem>>
      %dma_wait3A_148 = arith.constant 0 : i32
      %dma_wait3A_149 = arith.constant 0 : i32
      %dma_wait3A_150 = tpu.memref_slice %arg4[%dma_wait3A_148, %dma_wait3A_149] : memref<10240x128xf32, #tpu.memory_space<hbm>> -> memref<10240x128xf32, #tpu.memory_space<hbm>>
      tpu.wait_indirect_dma semaphore(%arg17 : memref<!tpu.dma_semaphore, #tpu.memory_space<semaphore_mem>>) src(%dma_wait3A_150 : memref<10240x128xf32, #tpu.memory_space<hbm>>) dst(%arg15 : memref<128x128xf32, #tpu.memory_space<vmem>>)
      %dma_start3A_151 = arith.constant 1 : i32
      %dma_start3A_152 = arith.constant 0 : i32
      %dma_start3A_153 = tpu.memref_slice %arg9[%dma_start3A_151, %dma_start3A_152] : memref<2x128xi32, #tpu.memory_space<vmem>> -> memref<1x128xi32, #tpu.memory_space<vmem>>
      %dma_start3A_154 = tpu.memref_squeeze %dma_start3A_153 : memref<1x128xi32, #tpu.memory_space<vmem>> -> memref<128xi32, #tpu.memory_space<vmem>>
      %dma_start3A_155 = arith.constant 0 : i32
      %dma_start3A_156 = arith.constant 0 : i32
      %dma_start3A_157 = tpu.memref_slice %arg21[%dma_start3A_155, %dma_start3A_156] : memref<10240x128xf32, #tpu.memory_space<vmem_shared>> -> memref<10240x128xf32, #tpu.memory_space<vmem_shared>>
      tpu.enqueue_indirect_dma source(%arg15 : memref<128x128xf32, #tpu.memory_space<vmem>>) target(%dma_start3A_157 : memref<10240x128xf32, #tpu.memory_space<vmem_shared>>) offsets(%dma_start3A_154 : memref<128xi32, #tpu.memory_space<vmem>>) semaphore(%arg19 : memref<!tpu.dma_semaphore, #tpu.memory_space<semaphore_mem>>) {add = true}
      %add3A_158 = arith.constant 3 : i32
      %add3A_159 = arith.addi %mul3A_2, %add3A_158 : i32
      %dma_wait3A_160 = arith.constant 0 : i32
      %dma_wait3A_161 = arith.constant 0 : i32
      %dma_wait3A_162 = tpu.memref_slice %arg2[%add3A_159, %dma_wait3A_160, %dma_wait3A_161] : memref<2562x2x128xi32, #tpu.memory_space<hbm>> -> memref<1x2x128xi32, #tpu.memory_space<hbm>>
      %dma_wait3A_163 = tpu.memref_squeeze %dma_wait3A_162 : memref<1x2x128xi32, #tpu.memory_space<hbm>> -> memref<2x128xi32, #tpu.memory_space<hbm>>
      %dma_wait3A_164 = arith.constant 0 : i32
      %dma_wait3A_165 = arith.constant 0 : i32
      %dma_wait3A_166 = tpu.memref_slice %arg2[%add3A_159, %dma_wait3A_164, %dma_wait3A_165] : memref<2562x2x128xi32, #tpu.memory_space<hbm>> -> memref<1x2x128xi32, #tpu.memory_space<hbm>>
      %dma_wait3A_167 = tpu.memref_squeeze %dma_wait3A_166 : memref<1x2x128xi32, #tpu.memory_space<hbm>> -> memref<2x128xi32, #tpu.memory_space<hbm>>
      tpu.wait_dma2 semaphore(%arg14 : memref<!tpu.dma_semaphore, #tpu.memory_space<semaphore_mem>>) src(%dma_wait3A_167 : memref<2x128xi32, #tpu.memory_space<hbm>>) dst(%arg10 : memref<2x128xi32, #tpu.memory_space<vmem>>)
      %dma_wait3A_168 = arith.constant 1 : i32
      %dma_wait3A_169 = arith.constant 0 : i32
      %dma_wait3A_170 = tpu.memref_slice %arg8[%dma_wait3A_168, %dma_wait3A_169] : memref<2x128xi32, #tpu.memory_space<vmem>> -> memref<1x128xi32, #tpu.memory_space<vmem>>
      %dma_wait3A_171 = tpu.memref_squeeze %dma_wait3A_170 : memref<1x128xi32, #tpu.memory_space<vmem>> -> memref<128xi32, #tpu.memory_space<vmem>>
      %dma_wait3A_172 = arith.constant 0 : i32
      %dma_wait3A_173 = arith.constant 0 : i32
      %dma_wait3A_174 = tpu.memref_slice %arg21[%dma_wait3A_172, %dma_wait3A_173] : memref<10240x128xf32, #tpu.memory_space<vmem_shared>> -> memref<10240x128xf32, #tpu.memory_space<vmem_shared>>
      tpu.wait_indirect_dma semaphore(%arg20 : memref<!tpu.dma_semaphore, #tpu.memory_space<semaphore_mem>>) src(%arg16 : memref<128x128xf32, #tpu.memory_space<vmem>>) dst(%dma_wait3A_174 : memref<10240x128xf32, #tpu.memory_space<vmem_shared>>)
      %add3A_175 = arith.constant 5 : i32
      %add3A_176 = arith.addi %mul3A_2, %add3A_175 : i32
      %dma_start3A_177 = arith.constant 0 : i32
      %dma_start3A_178 = arith.constant 0 : i32
      %dma_start3A_179 = tpu.memref_slice %arg2[%add3A_176, %dma_start3A_177, %dma_start3A_178] : memref<2562x2x128xi32, #tpu.memory_space<hbm>> -> memref<1x2x128xi32, #tpu.memory_space<hbm>>
      %dma_start3A_180 = tpu.memref_squeeze %dma_start3A_179 : memref<1x2x128xi32, #tpu.memory_space<hbm>> -> memref<2x128xi32, #tpu.memory_space<hbm>>
      %dma_start3A_181 = arith.constant 0 : i32
      %dma_start3A_182 = arith.constant 0 : i32
      %dma_start3A_183 = tpu.memref_slice %arg2[%add3A_176, %dma_start3A_181, %dma_start3A_182] : memref<2562x2x128xi32, #tpu.memory_space<hbm>> -> memref<1x2x128xi32, #tpu.memory_space<hbm>>
      %dma_start3A_184 = tpu.memref_squeeze %dma_start3A_183 : memref<1x2x128xi32, #tpu.memory_space<hbm>> -> memref<2x128xi32, #tpu.memory_space<hbm>>
      tpu.enqueue_dma source(%dma_start3A_184 : memref<2x128xi32, #tpu.memory_space<hbm>>) target(%arg8 : memref<2x128xi32, #tpu.memory_space<vmem>>) target_semaphore(%arg12 : memref<!tpu.dma_semaphore, #tpu.memory_space<semaphore_mem>>)
      %dma_start3A_185 = arith.constant 0 : i32
      %dma_start3A_186 = arith.constant 0 : i32
      %dma_start3A_187 = tpu.memref_slice %arg10[%dma_start3A_185, %dma_start3A_186] : memref<2x128xi32, #tpu.memory_space<vmem>> -> memref<1x128xi32, #tpu.memory_space<vmem>>
      %dma_start3A_188 = tpu.memref_squeeze %dma_start3A_187 : memref<1x128xi32, #tpu.memory_space<vmem>> -> memref<128xi32, #tpu.memory_space<vmem>>
      %dma_start3A_189 = arith.constant 0 : i32
      %dma_start3A_190 = arith.constant 0 : i32
      %dma_start3A_191 = tpu.memref_slice %arg4[%dma_start3A_189, %dma_start3A_190] : memref<10240x128xf32, #tpu.memory_space<hbm>> -> memref<10240x128xf32, #tpu.memory_space<hbm>>
      tpu.enqueue_indirect_dma source(%dma_start3A_191 : memref<10240x128xf32, #tpu.memory_space<hbm>>) target(%arg16 : memref<128x128xf32, #tpu.memory_space<vmem>>) offsets(%dma_start3A_188 : memref<128xi32, #tpu.memory_space<vmem>>) semaphore(%arg18 : memref<!tpu.dma_semaphore, #tpu.memory_space<semaphore_mem>>)
      %dma_wait3A_192 = arith.constant 0 : i32
      %dma_wait3A_193 = arith.constant 0 : i32
      %dma_wait3A_194 = tpu.memref_slice %arg10[%dma_wait3A_192, %dma_wait3A_193] : memref<2x128xi32, #tpu.memory_space<vmem>> -> memref<1x128xi32, #tpu.memory_space<vmem>>
      %dma_wait3A_195 = tpu.memref_squeeze %dma_wait3A_194 : memref<1x128xi32, #tpu.memory_space<vmem>> -> memref<128xi32, #tpu.memory_space<vmem>>
      %dma_wait3A_196 = arith.constant 0 : i32
      %dma_wait3A_197 = arith.constant 0 : i32
      %dma_wait3A_198 = tpu.memref_slice %arg4[%dma_wait3A_196, %dma_wait3A_197] : memref<10240x128xf32, #tpu.memory_space<hbm>> -> memref<10240x128xf32, #tpu.memory_space<hbm>>
      tpu.wait_indirect_dma semaphore(%arg18 : memref<!tpu.dma_semaphore, #tpu.memory_space<semaphore_mem>>) src(%dma_wait3A_198 : memref<10240x128xf32, #tpu.memory_space<hbm>>) dst(%arg16 : memref<128x128xf32, #tpu.memory_space<vmem>>)
      %dma_start3A_199 = arith.constant 1 : i32
      %dma_start3A_200 = arith.constant 0 : i32
      %dma_start3A_201 = tpu.memref_slice %arg10[%dma_start3A_199, %dma_start3A_200] : memref<2x128xi32, #tpu.memory_space<vmem>> -> memref<1x128xi32, #tpu.memory_space<vmem>>
      %dma_start3A_202 = tpu.memref_squeeze %dma_start3A_201 : memref<1x128xi32, #tpu.memory_space<vmem>> -> memref<128xi32, #tpu.memory_space<vmem>>
      %dma_start3A_203 = arith.constant 0 : i32
      %dma_start3A_204 = arith.constant 0 : i32
      %dma_start3A_205 = tpu.memref_slice %arg21[%dma_start3A_203, %dma_start3A_204] : memref<10240x128xf32, #tpu.memory_space<vmem_shared>> -> memref<10240x128xf32, #tpu.memory_space<vmem_shared>>
      tpu.enqueue_indirect_dma source(%arg16 : memref<128x128xf32, #tpu.memory_space<vmem>>) target(%dma_start3A_205 : memref<10240x128xf32, #tpu.memory_space<vmem_shared>>) offsets(%dma_start3A_202 : memref<128xi32, #tpu.memory_space<vmem>>) semaphore(%arg20 : memref<!tpu.dma_semaphore, #tpu.memory_space<semaphore_mem>>) {add = true}
      %scan3A = arith.constant 0 : i32
      %scan3A_206 = arith.constant 1 : i32
      %scan3A_207 = arith.constant 39 : i32
      %scan3A_208 = arith.addi %scan3A_206, %scan3A_207 : i32
      %scan3A_209 = arith.constant 1 : i32
      scf.for %scan3A_245 = %scan3A_206 to %scan3A_208 step %scan3A_209  : i32 {
        %mul3A_246 = arith.constant 4 : i32
        %mul3A_247 = arith.muli %mul3A_246, %scan3A_245 : i32
        %add3A_248 = arith.constant 0 : i32
        %add3A_249 = arith.addi %mul3A_247, %add3A_248 : i32
        %add3A_250 = arith.addi %mul3A_2, %add3A_249 : i32
        %dma_wait3A_251 = arith.constant 0 : i32
        %dma_wait3A_252 = arith.constant 0 : i32
        %dma_wait3A_253 = tpu.memref_slice %arg2[%add3A_250, %dma_wait3A_251, %dma_wait3A_252] : memref<2562x2x128xi32, #tpu.memory_space<hbm>> -> memref<1x2x128xi32, #tpu.memory_space<hbm>>
        %dma_wait3A_254 = tpu.memref_squeeze %dma_wait3A_253 : memref<1x2x128xi32, #tpu.memory_space<hbm>> -> memref<2x128xi32, #tpu.memory_space<hbm>>
        %dma_wait3A_255 = arith.constant 0 : i32
        %dma_wait3A_256 = arith.constant 0 : i32
        %dma_wait3A_257 = tpu.memref_slice %arg2[%add3A_250, %dma_wait3A_255, %dma_wait3A_256] : memref<2562x2x128xi32, #tpu.memory_space<hbm>> -> memref<1x2x128xi32, #tpu.memory_space<hbm>>
        %dma_wait3A_258 = tpu.memref_squeeze %dma_wait3A_257 : memref<1x2x128xi32, #tpu.memory_space<hbm>> -> memref<2x128xi32, #tpu.memory_space<hbm>>
        tpu.wait_dma2 semaphore(%arg11 : memref<!tpu.dma_semaphore, #tpu.memory_space<semaphore_mem>>) src(%dma_wait3A_258 : memref<2x128xi32, #tpu.memory_space<hbm>>) dst(%arg7 : memref<2x128xi32, #tpu.memory_space<vmem>>)
        %dma_wait3A_259 = arith.constant 1 : i32
        %dma_wait3A_260 = arith.constant 0 : i32
        %dma_wait3A_261 = tpu.memref_slice %arg9[%dma_wait3A_259, %dma_wait3A_260] : memref<2x128xi32, #tpu.memory_space<vmem>> -> memref<1x128xi32, #tpu.memory_space<vmem>>
        %dma_wait3A_262 = tpu.memref_squeeze %dma_wait3A_261 : memref<1x128xi32, #tpu.memory_space<vmem>> -> memref<128xi32, #tpu.memory_space<vmem>>
        %dma_wait3A_263 = arith.constant 0 : i32
        %dma_wait3A_264 = arith.constant 0 : i32
        %dma_wait3A_265 = tpu.memref_slice %arg21[%dma_wait3A_263, %dma_wait3A_264] : memref<10240x128xf32, #tpu.memory_space<vmem_shared>> -> memref<10240x128xf32, #tpu.memory_space<vmem_shared>>
        tpu.wait_indirect_dma semaphore(%arg19 : memref<!tpu.dma_semaphore, #tpu.memory_space<semaphore_mem>>) src(%arg15 : memref<128x128xf32, #tpu.memory_space<vmem>>) dst(%dma_wait3A_265 : memref<10240x128xf32, #tpu.memory_space<vmem_shared>>)
        %add3A_266 = arith.constant 2 : i32
        %add3A_267 = arith.addi %add3A_249, %add3A_266 : i32
        %add3A_268 = arith.addi %mul3A_2, %add3A_267 : i32
        %dma_start3A_269 = arith.constant 0 : i32
        %dma_start3A_270 = arith.constant 0 : i32
        %dma_start3A_271 = tpu.memref_slice %arg2[%add3A_268, %dma_start3A_269, %dma_start3A_270] : memref<2562x2x128xi32, #tpu.memory_space<hbm>> -> memref<1x2x128xi32, #tpu.memory_space<hbm>>
        %dma_start3A_272 = tpu.memref_squeeze %dma_start3A_271 : memref<1x2x128xi32, #tpu.memory_space<hbm>> -> memref<2x128xi32, #tpu.memory_space<hbm>>
        %dma_start3A_273 = arith.constant 0 : i32
        %dma_start3A_274 = arith.constant 0 : i32
        %dma_start3A_275 = tpu.memref_slice %arg2[%add3A_268, %dma_start3A_273, %dma_start3A_274] : memref<2562x2x128xi32, #tpu.memory_space<hbm>> -> memref<1x2x128xi32, #tpu.memory_space<hbm>>
        %dma_start3A_276 = tpu.memref_squeeze %dma_start3A_275 : memref<1x2x128xi32, #tpu.memory_space<hbm>> -> memref<2x128xi32, #tpu.memory_space<hbm>>
        tpu.enqueue_dma source(%dma_start3A_276 : memref<2x128xi32, #tpu.memory_space<hbm>>) target(%arg9 : memref<2x128xi32, #tpu.memory_space<vmem>>) target_semaphore(%arg13 : memref<!tpu.dma_semaphore, #tpu.memory_space<semaphore_mem>>)
        %dma_start3A_277 = arith.constant 0 : i32
        %dma_start3A_278 = arith.constant 0 : i32
        %dma_start3A_279 = tpu.memref_slice %arg7[%dma_start3A_277, %dma_start3A_278] : memref<2x128xi32, #tpu.memory_space<vmem>> -> memref<1x128xi32, #tpu.memory_space<vmem>>
        %dma_start3A_280 = tpu.memref_squeeze %dma_start3A_279 : memref<1x128xi32, #tpu.memory_space<vmem>> -> memref<128xi32, #tpu.memory_space<vmem>>
        %dma_start3A_281 = arith.constant 0 : i32
        %dma_start3A_282 = arith.constant 0 : i32
        %dma_start3A_283 = tpu.memref_slice %arg4[%dma_start3A_281, %dma_start3A_282] : memref<10240x128xf32, #tpu.memory_space<hbm>> -> memref<10240x128xf32, #tpu.memory_space<hbm>>
        tpu.enqueue_indirect_dma source(%dma_start3A_283 : memref<10240x128xf32, #tpu.memory_space<hbm>>) target(%arg15 : memref<128x128xf32, #tpu.memory_space<vmem>>) offsets(%dma_start3A_280 : memref<128xi32, #tpu.memory_space<vmem>>) semaphore(%arg17 : memref<!tpu.dma_semaphore, #tpu.memory_space<semaphore_mem>>)
        %dma_wait3A_284 = arith.constant 0 : i32
        %dma_wait3A_285 = arith.constant 0 : i32
        %dma_wait3A_286 = tpu.memref_slice %arg7[%dma_wait3A_284, %dma_wait3A_285] : memref<2x128xi32, #tpu.memory_space<vmem>> -> memref<1x128xi32, #tpu.memory_space<vmem>>
        %dma_wait3A_287 = tpu.memref_squeeze %dma_wait3A_286 : memref<1x128xi32, #tpu.memory_space<vmem>> -> memref<128xi32, #tpu.memory_space<vmem>>
        %dma_wait3A_288 = arith.constant 0 : i32
        %dma_wait3A_289 = arith.constant 0 : i32
        %dma_wait3A_290 = tpu.memref_slice %arg4[%dma_wait3A_288, %dma_wait3A_289] : memref<10240x128xf32, #tpu.memory_space<hbm>> -> memref<10240x128xf32, #tpu.memory_space<hbm>>
        tpu.wait_indirect_dma semaphore(%arg17 : memref<!tpu.dma_semaphore, #tpu.memory_space<semaphore_mem>>) src(%dma_wait3A_290 : memref<10240x128xf32, #tpu.memory_space<hbm>>) dst(%arg15 : memref<128x128xf32, #tpu.memory_space<vmem>>)
        %dma_start3A_291 = arith.constant 1 : i32
        %dma_start3A_292 = arith.constant 0 : i32
        %dma_start3A_293 = tpu.memref_slice %arg7[%dma_start3A_291, %dma_start3A_292] : memref<2x128xi32, #tpu.memory_space<vmem>> -> memref<1x128xi32, #tpu.memory_space<vmem>>
        %dma_start3A_294 = tpu.memref_squeeze %dma_start3A_293 : memref<1x128xi32, #tpu.memory_space<vmem>> -> memref<128xi32, #tpu.memory_space<vmem>>
        %dma_start3A_295 = arith.constant 0 : i32
        %dma_start3A_296 = arith.constant 0 : i32
        %dma_start3A_297 = tpu.memref_slice %arg21[%dma_start3A_295, %dma_start3A_296] : memref<10240x128xf32, #tpu.memory_space<vmem_shared>> -> memref<10240x128xf32, #tpu.memory_space<vmem_shared>>
        tpu.enqueue_indirect_dma source(%arg15 : memref<128x128xf32, #tpu.memory_space<vmem>>) target(%dma_start3A_297 : memref<10240x128xf32, #tpu.memory_space<vmem_shared>>) offsets(%dma_start3A_294 : memref<128xi32, #tpu.memory_space<vmem>>) semaphore(%arg19 : memref<!tpu.dma_semaphore, #tpu.memory_space<semaphore_mem>>) {add = true}
        %add3A_298 = arith.constant 1 : i32
        %add3A_299 = arith.addi %mul3A_247, %add3A_298 : i32
        %add3A_300 = arith.addi %mul3A_2, %add3A_299 : i32
        %dma_wait3A_301 = arith.constant 0 : i32
        %dma_wait3A_302 = arith.constant 0 : i32
        %dma_wait3A_303 = tpu.memref_slice %arg2[%add3A_300, %dma_wait3A_301, %dma_wait3A_302] : memref<2562x2x128xi32, #tpu.memory_space<hbm>> -> memref<1x2x128xi32, #tpu.memory_space<hbm>>
        %dma_wait3A_304 = tpu.memref_squeeze %dma_wait3A_303 : memref<1x2x128xi32, #tpu.memory_space<hbm>> -> memref<2x128xi32, #tpu.memory_space<hbm>>
        %dma_wait3A_305 = arith.constant 0 : i32
        %dma_wait3A_306 = arith.constant 0 : i32
        %dma_wait3A_307 = tpu.memref_slice %arg2[%add3A_300, %dma_wait3A_305, %dma_wait3A_306] : memref<2562x2x128xi32, #tpu.memory_space<hbm>> -> memref<1x2x128xi32, #tpu.memory_space<hbm>>
        %dma_wait3A_308 = tpu.memref_squeeze %dma_wait3A_307 : memref<1x2x128xi32, #tpu.memory_space<hbm>> -> memref<2x128xi32, #tpu.memory_space<hbm>>
        tpu.wait_dma2 semaphore(%arg12 : memref<!tpu.dma_semaphore, #tpu.memory_space<semaphore_mem>>) src(%dma_wait3A_308 : memref<2x128xi32, #tpu.memory_space<hbm>>) dst(%arg8 : memref<2x128xi32, #tpu.memory_space<vmem>>)
        %dma_wait3A_309 = arith.constant 1 : i32
        %dma_wait3A_310 = arith.constant 0 : i32
        %dma_wait3A_311 = tpu.memref_slice %arg10[%dma_wait3A_309, %dma_wait3A_310] : memref<2x128xi32, #tpu.memory_space<vmem>> -> memref<1x128xi32, #tpu.memory_space<vmem>>
        %dma_wait3A_312 = tpu.memref_squeeze %dma_wait3A_311 : memref<1x128xi32, #tpu.memory_space<vmem>> -> memref<128xi32, #tpu.memory_space<vmem>>
        %dma_wait3A_313 = arith.constant 0 : i32
        %dma_wait3A_314 = arith.constant 0 : i32
        %dma_wait3A_315 = tpu.memref_slice %arg21[%dma_wait3A_313, %dma_wait3A_314] : memref<10240x128xf32, #tpu.memory_space<vmem_shared>> -> memref<10240x128xf32, #tpu.memory_space<vmem_shared>>
        tpu.wait_indirect_dma semaphore(%arg20 : memref<!tpu.dma_semaphore, #tpu.memory_space<semaphore_mem>>) src(%arg16 : memref<128x128xf32, #tpu.memory_space<vmem>>) dst(%dma_wait3A_315 : memref<10240x128xf32, #tpu.memory_space<vmem_shared>>)
        %add3A_316 = arith.constant 2 : i32
        %add3A_317 = arith.addi %add3A_299, %add3A_316 : i32
        %add3A_318 = arith.addi %mul3A_2, %add3A_317 : i32
        %dma_start3A_319 = arith.constant 0 : i32
        %dma_start3A_320 = arith.constant 0 : i32
        %dma_start3A_321 = tpu.memref_slice %arg2[%add3A_318, %dma_start3A_319, %dma_start3A_320] : memref<2562x2x128xi32, #tpu.memory_space<hbm>> -> memref<1x2x128xi32, #tpu.memory_space<hbm>>
        %dma_start3A_322 = tpu.memref_squeeze %dma_start3A_321 : memref<1x2x128xi32, #tpu.memory_space<hbm>> -> memref<2x128xi32, #tpu.memory_space<hbm>>
        %dma_start3A_323 = arith.constant 0 : i32
        %dma_start3A_324 = arith.constant 0 : i32
        %dma_start3A_325 = tpu.memref_slice %arg2[%add3A_318, %dma_start3A_323, %dma_start3A_324] : memref<2562x2x128xi32, #tpu.memory_space<hbm>> -> memref<1x2x128xi32, #tpu.memory_space<hbm>>
        %dma_start3A_326 = tpu.memref_squeeze %dma_start3A_325 : memref<1x2x128xi32, #tpu.memory_space<hbm>> -> memref<2x128xi32, #tpu.memory_space<hbm>>
        tpu.enqueue_dma source(%dma_start3A_326 : memref<2x128xi32, #tpu.memory_space<hbm>>) target(%arg10 : memref<2x128xi32, #tpu.memory_space<vmem>>) target_semaphore(%arg14 : memref<!tpu.dma_semaphore, #tpu.memory_space<semaphore_mem>>)
        %dma_start3A_327 = arith.constant 0 : i32
        %dma_start3A_328 = arith.constant 0 : i32
        %dma_start3A_329 = tpu.memref_slice %arg8[%dma_start3A_327, %dma_start3A_328] : memref<2x128xi32, #tpu.memory_space<vmem>> -> memref<1x128xi32, #tpu.memory_space<vmem>>
        %dma_start3A_330 = tpu.memref_squeeze %dma_start3A_329 : memref<1x128xi32, #tpu.memory_space<vmem>> -> memref<128xi32, #tpu.memory_space<vmem>>
        %dma_start3A_331 = arith.constant 0 : i32
        %dma_start3A_332 = arith.constant 0 : i32
        %dma_start3A_333 = tpu.memref_slice %arg4[%dma_start3A_331, %dma_start3A_332] : memref<10240x128xf32, #tpu.memory_space<hbm>> -> memref<10240x128xf32, #tpu.memory_space<hbm>>
        tpu.enqueue_indirect_dma source(%dma_start3A_333 : memref<10240x128xf32, #tpu.memory_space<hbm>>) target(%arg16 : memref<128x128xf32, #tpu.memory_space<vmem>>) offsets(%dma_start3A_330 : memref<128xi32, #tpu.memory_space<vmem>>) semaphore(%arg18 : memref<!tpu.dma_semaphore, #tpu.memory_space<semaphore_mem>>)
        %dma_wait3A_334 = arith.constant 0 : i32
        %dma_wait3A_335 = arith.constant 0 : i32
        %dma_wait3A_336 = tpu.memref_slice %arg8[%dma_wait3A_334, %dma_wait3A_335] : memref<2x128xi32, #tpu.memory_space<vmem>> -> memref<1x128xi32, #tpu.memory_space<vmem>>
        %dma_wait3A_337 = tpu.memref_squeeze %dma_wait3A_336 : memref<1x128xi32, #tpu.memory_space<vmem>> -> memref<128xi32, #tpu.memory_space<vmem>>
        %dma_wait3A_338 = arith.constant 0 : i32
        %dma_wait3A_339 = arith.constant 0 : i32
        %dma_wait3A_340 = tpu.memref_slice %arg4[%dma_wait3A_338, %dma_wait3A_339] : memref<10240x128xf32, #tpu.memory_space<hbm>> -> memref<10240x128xf32, #tpu.memory_space<hbm>>
        tpu.wait_indirect_dma semaphore(%arg18 : memref<!tpu.dma_semaphore, #tpu.memory_space<semaphore_mem>>) src(%dma_wait3A_340 : memref<10240x128xf32, #tpu.memory_space<hbm>>) dst(%arg16 : memref<128x128xf32, #tpu.memory_space<vmem>>)
        %dma_start3A_341 = arith.constant 1 : i32
        %dma_start3A_342 = arith.constant 0 : i32
        %dma_start3A_343 = tpu.memref_slice %arg8[%dma_start3A_341, %dma_start3A_342] : memref<2x128xi32, #tpu.memory_space<vmem>> -> memref<1x128xi32, #tpu.memory_space<vmem>>
        %dma_start3A_344 = tpu.memref_squeeze %dma_start3A_343 : memref<1x128xi32, #tpu.memory_space<vmem>> -> memref<128xi32, #tpu.memory_space<vmem>>
        %dma_start3A_345 = arith.constant 0 : i32
        %dma_start3A_346 = arith.constant 0 : i32
        %dma_start3A_347 = tpu.memref_slice %arg21[%dma_start3A_345, %dma_start3A_346] : memref<10240x128xf32, #tpu.memory_space<vmem_shared>> -> memref<10240x128xf32, #tpu.memory_space<vmem_shared>>
        tpu.enqueue_indirect_dma source(%arg16 : memref<128x128xf32, #tpu.memory_space<vmem>>) target(%dma_start3A_347 : memref<10240x128xf32, #tpu.memory_space<vmem_shared>>) offsets(%dma_start3A_344 : memref<128xi32, #tpu.memory_space<vmem>>) semaphore(%arg20 : memref<!tpu.dma_semaphore, #tpu.memory_space<semaphore_mem>>) {add = true}
        %add3A_348 = arith.constant 2 : i32
        %add3A_349 = arith.addi %mul3A_247, %add3A_348 : i32
        %add3A_350 = arith.addi %mul3A_2, %add3A_349 : i32
        %dma_wait3A_351 = arith.constant 0 : i32
        %dma_wait3A_352 = arith.constant 0 : i32
        %dma_wait3A_353 = tpu.memref_slice %arg2[%add3A_350, %dma_wait3A_351, %dma_wait3A_352] : memref<2562x2x128xi32, #tpu.memory_space<hbm>> -> memref<1x2x128xi32, #tpu.memory_space<hbm>>
        %dma_wait3A_354 = tpu.memref_squeeze %dma_wait3A_353 : memref<1x2x128xi32, #tpu.memory_space<hbm>> -> memref<2x128xi32, #tpu.memory_space<hbm>>
        %dma_wait3A_355 = arith.constant 0 : i32
        %dma_wait3A_356 = arith.constant 0 : i32
        %dma_wait3A_357 = tpu.memref_slice %arg2[%add3A_350, %dma_wait3A_355, %dma_wait3A_356] : memref<2562x2x128xi32, #tpu.memory_space<hbm>> -> memref<1x2x128xi32, #tpu.memory_space<hbm>>
        %dma_wait3A_358 = tpu.memref_squeeze %dma_wait3A_357 : memref<1x2x128xi32, #tpu.memory_space<hbm>> -> memref<2x128xi32, #tpu.memory_space<hbm>>
        tpu.wait_dma2 semaphore(%arg13 : memref<!tpu.dma_semaphore, #tpu.memory_space<semaphore_mem>>) src(%dma_wait3A_358 : memref<2x128xi32, #tpu.memory_space<hbm>>) dst(%arg9 : memref<2x128xi32, #tpu.memory_space<vmem>>)
        %dma_wait3A_359 = arith.constant 1 : i32
        %dma_wait3A_360 = arith.constant 0 : i32
        %dma_wait3A_361 = tpu.memref_slice %arg7[%dma_wait3A_359, %dma_wait3A_360] : memref<2x128xi32, #tpu.memory_space<vmem>> -> memref<1x128xi32, #tpu.memory_space<vmem>>
        %dma_wait3A_362 = tpu.memref_squeeze %dma_wait3A_361 : memref<1x128xi32, #tpu.memory_space<vmem>> -> memref<128xi32, #tpu.memory_space<vmem>>
        %dma_wait3A_363 = arith.constant 0 : i32
        %dma_wait3A_364 = arith.constant 0 : i32
        %dma_wait3A_365 = tpu.memref_slice %arg21[%dma_wait3A_363, %dma_wait3A_364] : memref<10240x128xf32, #tpu.memory_space<vmem_shared>> -> memref<10240x128xf32, #tpu.memory_space<vmem_shared>>
        tpu.wait_indirect_dma semaphore(%arg19 : memref<!tpu.dma_semaphore, #tpu.memory_space<semaphore_mem>>) src(%arg15 : memref<128x128xf32, #tpu.memory_space<vmem>>) dst(%dma_wait3A_365 : memref<10240x128xf32, #tpu.memory_space<vmem_shared>>)
        %add3A_366 = arith.constant 2 : i32
        %add3A_367 = arith.addi %add3A_349, %add3A_366 : i32
        %add3A_368 = arith.addi %mul3A_2, %add3A_367 : i32
        %dma_start3A_369 = arith.constant 0 : i32
        %dma_start3A_370 = arith.constant 0 : i32
        %dma_start3A_371 = tpu.memref_slice %arg2[%add3A_368, %dma_start3A_369, %dma_start3A_370] : memref<2562x2x128xi32, #tpu.memory_space<hbm>> -> memref<1x2x128xi32, #tpu.memory_space<hbm>>
        %dma_start3A_372 = tpu.memref_squeeze %dma_start3A_371 : memref<1x2x128xi32, #tpu.memory_space<hbm>> -> memref<2x128xi32, #tpu.memory_space<hbm>>
        %dma_start3A_373 = arith.constant 0 : i32
        %dma_start3A_374 = arith.constant 0 : i32
        %dma_start3A_375 = tpu.memref_slice %arg2[%add3A_368, %dma_start3A_373, %dma_start3A_374] : memref<2562x2x128xi32, #tpu.memory_space<hbm>> -> memref<1x2x128xi32, #tpu.memory_space<hbm>>
        %dma_start3A_376 = tpu.memref_squeeze %dma_start3A_375 : memref<1x2x128xi32, #tpu.memory_space<hbm>> -> memref<2x128xi32, #tpu.memory_space<hbm>>
        tpu.enqueue_dma source(%dma_start3A_376 : memref<2x128xi32, #tpu.memory_space<hbm>>) target(%arg7 : memref<2x128xi32, #tpu.memory_space<vmem>>) target_semaphore(%arg11 : memref<!tpu.dma_semaphore, #tpu.memory_space<semaphore_mem>>)
        %dma_start3A_377 = arith.constant 0 : i32
        %dma_start3A_378 = arith.constant 0 : i32
        %dma_start3A_379 = tpu.memref_slice %arg9[%dma_start3A_377, %dma_start3A_378] : memref<2x128xi32, #tpu.memory_space<vmem>> -> memref<1x128xi32, #tpu.memory_space<vmem>>
        %dma_start3A_380 = tpu.memref_squeeze %dma_start3A_379 : memref<1x128xi32, #tpu.memory_space<vmem>> -> memref<128xi32, #tpu.memory_space<vmem>>
        %dma_start3A_381 = arith.constant 0 : i32
        %dma_start3A_382 = arith.constant 0 : i32
        %dma_start3A_383 = tpu.memref_slice %arg4[%dma_start3A_381, %dma_start3A_382] : memref<10240x128xf32, #tpu.memory_space<hbm>> -> memref<10240x128xf32, #tpu.memory_space<hbm>>
        tpu.enqueue_indirect_dma source(%dma_start3A_383 : memref<10240x128xf32, #tpu.memory_space<hbm>>) target(%arg15 : memref<128x128xf32, #tpu.memory_space<vmem>>) offsets(%dma_start3A_380 : memref<128xi32, #tpu.memory_space<vmem>>) semaphore(%arg17 : memref<!tpu.dma_semaphore, #tpu.memory_space<semaphore_mem>>)
        %dma_wait3A_384 = arith.constant 0 : i32
        %dma_wait3A_385 = arith.constant 0 : i32
        %dma_wait3A_386 = tpu.memref_slice %arg9[%dma_wait3A_384, %dma_wait3A_385] : memref<2x128xi32, #tpu.memory_space<vmem>> -> memref<1x128xi32, #tpu.memory_space<vmem>>
        %dma_wait3A_387 = tpu.memref_squeeze %dma_wait3A_386 : memref<1x128xi32, #tpu.memory_space<vmem>> -> memref<128xi32, #tpu.memory_space<vmem>>
        %dma_wait3A_388 = arith.constant 0 : i32
        %dma_wait3A_389 = arith.constant 0 : i32
        %dma_wait3A_390 = tpu.memref_slice %arg4[%dma_wait3A_388, %dma_wait3A_389] : memref<10240x128xf32, #tpu.memory_space<hbm>> -> memref<10240x128xf32, #tpu.memory_space<hbm>>
        tpu.wait_indirect_dma semaphore(%arg17 : memref<!tpu.dma_semaphore, #tpu.memory_space<semaphore_mem>>) src(%dma_wait3A_390 : memref<10240x128xf32, #tpu.memory_space<hbm>>) dst(%arg15 : memref<128x128xf32, #tpu.memory_space<vmem>>)
        %dma_start3A_391 = arith.constant 1 : i32
        %dma_start3A_392 = arith.constant 0 : i32
        %dma_start3A_393 = tpu.memref_slice %arg9[%dma_start3A_391, %dma_start3A_392] : memref<2x128xi32, #tpu.memory_space<vmem>> -> memref<1x128xi32, #tpu.memory_space<vmem>>
        %dma_start3A_394 = tpu.memref_squeeze %dma_start3A_393 : memref<1x128xi32, #tpu.memory_space<vmem>> -> memref<128xi32, #tpu.memory_space<vmem>>
        %dma_start3A_395 = arith.constant 0 : i32
        %dma_start3A_396 = arith.constant 0 : i32
        %dma_start3A_397 = tpu.memref_slice %arg21[%dma_start3A_395, %dma_start3A_396] : memref<10240x128xf32, #tpu.memory_space<vmem_shared>> -> memref<10240x128xf32, #tpu.memory_space<vmem_shared>>
        tpu.enqueue_indirect_dma source(%arg15 : memref<128x128xf32, #tpu.memory_space<vmem>>) target(%dma_start3A_397 : memref<10240x128xf32, #tpu.memory_space<vmem_shared>>) offsets(%dma_start3A_394 : memref<128xi32, #tpu.memory_space<vmem>>) semaphore(%arg19 : memref<!tpu.dma_semaphore, #tpu.memory_space<semaphore_mem>>) {add = true}
        %add3A_398 = arith.constant 3 : i32
        %add3A_399 = arith.addi %mul3A_247, %add3A_398 : i32
        %add3A_400 = arith.addi %mul3A_2, %add3A_399 : i32
        %dma_wait3A_401 = arith.constant 0 : i32
        %dma_wait3A_402 = arith.constant 0 : i32
        %dma_wait3A_403 = tpu.memref_slice %arg2[%add3A_400, %dma_wait3A_401, %dma_wait3A_402] : memref<2562x2x128xi32, #tpu.memory_space<hbm>> -> memref<1x2x128xi32, #tpu.memory_space<hbm>>
        %dma_wait3A_404 = tpu.memref_squeeze %dma_wait3A_403 : memref<1x2x128xi32, #tpu.memory_space<hbm>> -> memref<2x128xi32, #tpu.memory_space<hbm>>
        %dma_wait3A_405 = arith.constant 0 : i32
        %dma_wait3A_406 = arith.constant 0 : i32
        %dma_wait3A_407 = tpu.memref_slice %arg2[%add3A_400, %dma_wait3A_405, %dma_wait3A_406] : memref<2562x2x128xi32, #tpu.memory_space<hbm>> -> memref<1x2x128xi32, #tpu.memory_space<hbm>>
        %dma_wait3A_408 = tpu.memref_squeeze %dma_wait3A_407 : memref<1x2x128xi32, #tpu.memory_space<hbm>> -> memref<2x128xi32, #tpu.memory_space<hbm>>
        tpu.wait_dma2 semaphore(%arg14 : memref<!tpu.dma_semaphore, #tpu.memory_space<semaphore_mem>>) src(%dma_wait3A_408 : memref<2x128xi32, #tpu.memory_space<hbm>>) dst(%arg10 : memref<2x128xi32, #tpu.memory_space<vmem>>)
        %dma_wait3A_409 = arith.constant 1 : i32
        %dma_wait3A_410 = arith.constant 0 : i32
        %dma_wait3A_411 = tpu.memref_slice %arg8[%dma_wait3A_409, %dma_wait3A_410] : memref<2x128xi32, #tpu.memory_space<vmem>> -> memref<1x128xi32, #tpu.memory_space<vmem>>
        %dma_wait3A_412 = tpu.memref_squeeze %dma_wait3A_411 : memref<1x128xi32, #tpu.memory_space<vmem>> -> memref<128xi32, #tpu.memory_space<vmem>>
        %dma_wait3A_413 = arith.constant 0 : i32
        %dma_wait3A_414 = arith.constant 0 : i32
        %dma_wait3A_415 = tpu.memref_slice %arg21[%dma_wait3A_413, %dma_wait3A_414] : memref<10240x128xf32, #tpu.memory_space<vmem_shared>> -> memref<10240x128xf32, #tpu.memory_space<vmem_shared>>
        tpu.wait_indirect_dma semaphore(%arg20 : memref<!tpu.dma_semaphore, #tpu.memory_space<semaphore_mem>>) src(%arg16 : memref<128x128xf32, #tpu.memory_space<vmem>>) dst(%dma_wait3A_415 : memref<10240x128xf32, #tpu.memory_space<vmem_shared>>)
        %add3A_416 = arith.constant 2 : i32
        %add3A_417 = arith.addi %add3A_399, %add3A_416 : i32
        %add3A_418 = arith.addi %mul3A_2, %add3A_417 : i32
        %dma_start3A_419 = arith.constant 0 : i32
        %dma_start3A_420 = arith.constant 0 : i32
        %dma_start3A_421 = tpu.memref_slice %arg2[%add3A_418, %dma_start3A_419, %dma_start3A_420] : memref<2562x2x128xi32, #tpu.memory_space<hbm>> -> memref<1x2x128xi32, #tpu.memory_space<hbm>>
        %dma_start3A_422 = tpu.memref_squeeze %dma_start3A_421 : memref<1x2x128xi32, #tpu.memory_space<hbm>> -> memref<2x128xi32, #tpu.memory_space<hbm>>
        %dma_start3A_423 = arith.constant 0 : i32
        %dma_start3A_424 = arith.constant 0 : i32
        %dma_start3A_425 = tpu.memref_slice %arg2[%add3A_418, %dma_start3A_423, %dma_start3A_424] : memref<2562x2x128xi32, #tpu.memory_space<hbm>> -> memref<1x2x128xi32, #tpu.memory_space<hbm>>
        %dma_start3A_426 = tpu.memref_squeeze %dma_start3A_425 : memref<1x2x128xi32, #tpu.memory_space<hbm>> -> memref<2x128xi32, #tpu.memory_space<hbm>>
        tpu.enqueue_dma source(%dma_start3A_426 : memref<2x128xi32, #tpu.memory_space<hbm>>) target(%arg8 : memref<2x128xi32, #tpu.memory_space<vmem>>) target_semaphore(%arg12 : memref<!tpu.dma_semaphore, #tpu.memory_space<semaphore_mem>>)
        %dma_start3A_427 = arith.constant 0 : i32
        %dma_start3A_428 = arith.constant 0 : i32
        %dma_start3A_429 = tpu.memref_slice %arg10[%dma_start3A_427, %dma_start3A_428] : memref<2x128xi32, #tpu.memory_space<vmem>> -> memref<1x128xi32, #tpu.memory_space<vmem>>
        %dma_start3A_430 = tpu.memref_squeeze %dma_start3A_429 : memref<1x128xi32, #tpu.memory_space<vmem>> -> memref<128xi32, #tpu.memory_space<vmem>>
        %dma_start3A_431 = arith.constant 0 : i32
        %dma_start3A_432 = arith.constant 0 : i32
        %dma_start3A_433 = tpu.memref_slice %arg4[%dma_start3A_431, %dma_start3A_432] : memref<10240x128xf32, #tpu.memory_space<hbm>> -> memref<10240x128xf32, #tpu.memory_space<hbm>>
        tpu.enqueue_indirect_dma source(%dma_start3A_433 : memref<10240x128xf32, #tpu.memory_space<hbm>>) target(%arg16 : memref<128x128xf32, #tpu.memory_space<vmem>>) offsets(%dma_start3A_430 : memref<128xi32, #tpu.memory_space<vmem>>) semaphore(%arg18 : memref<!tpu.dma_semaphore, #tpu.memory_space<semaphore_mem>>)
        %dma_wait3A_434 = arith.constant 0 : i32
        %dma_wait3A_435 = arith.constant 0 : i32
        %dma_wait3A_436 = tpu.memref_slice %arg10[%dma_wait3A_434, %dma_wait3A_435] : memref<2x128xi32, #tpu.memory_space<vmem>> -> memref<1x128xi32, #tpu.memory_space<vmem>>
        %dma_wait3A_437 = tpu.memref_squeeze %dma_wait3A_436 : memref<1x128xi32, #tpu.memory_space<vmem>> -> memref<128xi32, #tpu.memory_space<vmem>>
        %dma_wait3A_438 = arith.constant 0 : i32
        %dma_wait3A_439 = arith.constant 0 : i32
        %dma_wait3A_440 = tpu.memref_slice %arg4[%dma_wait3A_438, %dma_wait3A_439] : memref<10240x128xf32, #tpu.memory_space<hbm>> -> memref<10240x128xf32, #tpu.memory_space<hbm>>
        tpu.wait_indirect_dma semaphore(%arg18 : memref<!tpu.dma_semaphore, #tpu.memory_space<semaphore_mem>>) src(%dma_wait3A_440 : memref<10240x128xf32, #tpu.memory_space<hbm>>) dst(%arg16 : memref<128x128xf32, #tpu.memory_space<vmem>>)
        %dma_start3A_441 = arith.constant 1 : i32
        %dma_start3A_442 = arith.constant 0 : i32
        %dma_start3A_443 = tpu.memref_slice %arg10[%dma_start3A_441, %dma_start3A_442] : memref<2x128xi32, #tpu.memory_space<vmem>> -> memref<1x128xi32, #tpu.memory_space<vmem>>
        %dma_start3A_444 = tpu.memref_squeeze %dma_start3A_443 : memref<1x128xi32, #tpu.memory_space<vmem>> -> memref<128xi32, #tpu.memory_space<vmem>>
        %dma_start3A_445 = arith.constant 0 : i32
        %dma_start3A_446 = arith.constant 0 : i32
        %dma_start3A_447 = tpu.memref_slice %arg21[%dma_start3A_445, %dma_start3A_446] : memref<10240x128xf32, #tpu.memory_space<vmem_shared>> -> memref<10240x128xf32, #tpu.memory_space<vmem_shared>>
        tpu.enqueue_indirect_dma source(%arg16 : memref<128x128xf32, #tpu.memory_space<vmem>>) target(%dma_start3A_447 : memref<10240x128xf32, #tpu.memory_space<vmem_shared>>) offsets(%dma_start3A_444 : memref<128xi32, #tpu.memory_space<vmem>>) semaphore(%arg20 : memref<!tpu.dma_semaphore, #tpu.memory_space<semaphore_mem>>) {add = true}
      }
      %scan3A_210 = arith.constant 39 : i32
      %dma_wait3A_211 = arith.constant 1 : i32
      %dma_wait3A_212 = arith.constant 0 : i32
      %dma_wait3A_213 = tpu.memref_slice %arg9[%dma_wait3A_211, %dma_wait3A_212] : memref<2x128xi32, #tpu.memory_space<vmem>> -> memref<1x128xi32, #tpu.memory_space<vmem>>
      %dma_wait3A_214 = tpu.memref_squeeze %dma_wait3A_213 : memref<1x128xi32, #tpu.memory_space<vmem>> -> memref<128xi32, #tpu.memory_space<vmem>>
      %dma_wait3A_215 = arith.constant 0 : i32
      %dma_wait3A_216 = arith.constant 0 : i32
      %dma_wait3A_217 = tpu.memref_slice %arg21[%dma_wait3A_215, %dma_wait3A_216] : memref<10240x128xf32, #tpu.memory_space<vmem_shared>> -> memref<10240x128xf32, #tpu.memory_space<vmem_shared>>
      tpu.wait_indirect_dma semaphore(%arg19 : memref<!tpu.dma_semaphore, #tpu.memory_space<semaphore_mem>>) src(%arg15 : memref<128x128xf32, #tpu.memory_space<vmem>>) dst(%dma_wait3A_217 : memref<10240x128xf32, #tpu.memory_space<vmem_shared>>)
      %dma_wait3A_218 = arith.constant 1 : i32
      %dma_wait3A_219 = arith.constant 0 : i32
      %dma_wait3A_220 = tpu.memref_slice %arg10[%dma_wait3A_218, %dma_wait3A_219] : memref<2x128xi32, #tpu.memory_space<vmem>> -> memref<1x128xi32, #tpu.memory_space<vmem>>
      %dma_wait3A_221 = tpu.memref_squeeze %dma_wait3A_220 : memref<1x128xi32, #tpu.memory_space<vmem>> -> memref<128xi32, #tpu.memory_space<vmem>>
      %dma_wait3A_222 = arith.constant 0 : i32
      %dma_wait3A_223 = arith.constant 0 : i32
      %dma_wait3A_224 = tpu.memref_slice %arg21[%dma_wait3A_222, %dma_wait3A_223] : memref<10240x128xf32, #tpu.memory_space<vmem_shared>> -> memref<10240x128xf32, #tpu.memory_space<vmem_shared>>
      tpu.wait_indirect_dma semaphore(%arg20 : memref<!tpu.dma_semaphore, #tpu.memory_space<semaphore_mem>>) src(%arg16 : memref<128x128xf32, #tpu.memory_space<vmem>>) dst(%dma_wait3A_224 : memref<10240x128xf32, #tpu.memory_space<vmem_shared>>)
      %add3A_225 = arith.constant 160 : i32
      %add3A_226 = arith.addi %mul3A_2, %add3A_225 : i32
      %dma_wait3A_227 = arith.constant 0 : i32
      %dma_wait3A_228 = arith.constant 0 : i32
      %dma_wait3A_229 = tpu.memref_slice %arg2[%add3A_226, %dma_wait3A_227, %dma_wait3A_228] : memref<2562x2x128xi32, #tpu.memory_space<hbm>> -> memref<1x2x128xi32, #tpu.memory_space<hbm>>
      %dma_wait3A_230 = tpu.memref_squeeze %dma_wait3A_229 : memref<1x2x128xi32, #tpu.memory_space<hbm>> -> memref<2x128xi32, #tpu.memory_space<hbm>>
      %dma_wait3A_231 = arith.constant 0 : i32
      %dma_wait3A_232 = arith.constant 0 : i32
      %dma_wait3A_233 = tpu.memref_slice %arg2[%add3A_226, %dma_wait3A_231, %dma_wait3A_232] : memref<2562x2x128xi32, #tpu.memory_space<hbm>> -> memref<1x2x128xi32, #tpu.memory_space<hbm>>
      %dma_wait3A_234 = tpu.memref_squeeze %dma_wait3A_233 : memref<1x2x128xi32, #tpu.memory_space<hbm>> -> memref<2x128xi32, #tpu.memory_space<hbm>>
      tpu.wait_dma2 semaphore(%arg11 : memref<!tpu.dma_semaphore, #tpu.memory_space<semaphore_mem>>) src(%dma_wait3A_234 : memref<2x128xi32, #tpu.memory_space<hbm>>) dst(%arg7 : memref<2x128xi32, #tpu.memory_space<vmem>>)
      %add3A_235 = arith.constant 161 : i32
      %add3A_236 = arith.addi %mul3A_2, %add3A_235 : i32
      %dma_wait3A_237 = arith.constant 0 : i32
      %dma_wait3A_238 = arith.constant 0 : i32
      %dma_wait3A_239 = tpu.memref_slice %arg2[%add3A_236, %dma_wait3A_237, %dma_wait3A_238] : memref<2562x2x128xi32, #tpu.memory_space<hbm>> -> memref<1x2x128xi32, #tpu.memory_space<hbm>>
      %dma_wait3A_240 = tpu.memref_squeeze %dma_wait3A_239 : memref<1x2x128xi32, #tpu.memory_space<hbm>> -> memref<2x128xi32, #tpu.memory_space<hbm>>
      %dma_wait3A_241 = arith.constant 0 : i32
      %dma_wait3A_242 = arith.constant 0 : i32
      %dma_wait3A_243 = tpu.memref_slice %arg2[%add3A_236, %dma_wait3A_241, %dma_wait3A_242] : memref<2562x2x128xi32, #tpu.memory_space<hbm>> -> memref<1x2x128xi32, #tpu.memory_space<hbm>>
      %dma_wait3A_244 = tpu.memref_squeeze %dma_wait3A_243 : memref<1x2x128xi32, #tpu.memory_space<hbm>> -> memref<2x128xi32, #tpu.memory_space<hbm>>
      tpu.wait_dma2 semaphore(%arg12 : memref<!tpu.dma_semaphore, #tpu.memory_space<semaphore_mem>>) src(%dma_wait3A_244 : memref<2x128xi32, #tpu.memory_space<hbm>>) dst(%arg8 : memref<2x128xi32, #tpu.memory_space<vmem>>)
    } else {
    }
    %barrier3A_10 = arith.constant 0 : index
    tpu.barrier barrier_id(%barrier3A_10)
    "tpu.region"() ({
      %run_scoped3A = tpu.sem_alloc : memref<!tpu.dma_semaphore, #tpu.memory_space<semaphore_mem>>
      %dma_start3A = arith.constant 0 : i32
      %dma_start3A_11 = tpu.memref_slice %arg6[%arg0, %mul3A_0, %dma_start3A] : memref<2x10240x128xf32, #tpu.memory_space<hbm>> -> memref<1x640x128xf32, #tpu.memory_space<hbm>>
      %dma_start3A_12 = tpu.memref_squeeze %dma_start3A_11 : memref<1x640x128xf32, #tpu.memory_space<hbm>> -> memref<640x128xf32, #tpu.memory_space<hbm>>
      %dma_start3A_13 = arith.constant 0 : i32
      %dma_start3A_14 = tpu.memref_slice %arg21[%mul3A_0, %dma_start3A_13] : memref<10240x128xf32, #tpu.memory_space<vmem_shared>> -> memref<640x128xf32, #tpu.memory_space<vmem_shared>>
      tpu.enqueue_dma source(%dma_start3A_14 : memref<640x128xf32, #tpu.memory_space<vmem_shared>>) target(%dma_start3A_12 : memref<640x128xf32, #tpu.memory_space<hbm>>) target_semaphore(%run_scoped3A : memref<!tpu.dma_semaphore, #tpu.memory_space<semaphore_mem>>)
      %dma_wait3A = arith.constant 0 : i32
      %dma_wait3A_15 = tpu.memref_slice %arg6[%arg0, %mul3A_0, %dma_wait3A] : memref<2x10240x128xf32, #tpu.memory_space<hbm>> -> memref<1x640x128xf32, #tpu.memory_space<hbm>>
      %dma_wait3A_16 = tpu.memref_squeeze %dma_wait3A_15 : memref<1x640x128xf32, #tpu.memory_space<hbm>> -> memref<640x128xf32, #tpu.memory_space<hbm>>
      %dma_wait3A_17 = arith.constant 0 : i32
      %dma_wait3A_18 = tpu.memref_slice %arg21[%mul3A_0, %dma_wait3A_17] : memref<10240x128xf32, #tpu.memory_space<vmem_shared>> -> memref<640x128xf32, #tpu.memory_space<vmem_shared>>
      tpu.wait_dma2 semaphore(%run_scoped3A : memref<!tpu.dma_semaphore, #tpu.memory_space<semaphore_mem>>) src(%dma_wait3A_18 : memref<640x128xf32, #tpu.memory_space<vmem_shared>>) dst(%dma_wait3A_16 : memref<640x128xf32, #tpu.memory_space<hbm>>)
      tpu.yield
    }) : () -> ()
    return
  }
}

module attributes {stable_mosaic.version = 14 : i64} {
  func.func @_tc_b_body(%arg0: i32, %arg1: memref<2x1280x128xf32, #tpu.memory_space<vmem>>, %arg2: memref<1280x128xf32, #tpu.memory_space<vmem>>, %arg3: memref<1280x1xf32, #tpu.memory_space<vmem>>, %arg4: memref<1280x128xf32, #tpu.memory_space<vmem>>) attributes {dimension_semantics = [#tpu.dimension_semantics<arbitrary>], iteration_bounds = array<i64: 8>, scalar_prefetch = 0 : i64, scratch_operands = 0 : i64, tpu.core_type = #tpu.core_type<tc>, window_params = [{transform_indices = @transform_0, window_bounds = array<i64: 2, 1280, 128>}, {transform_indices = @transform_1, window_bounds = array<i64: 1280, 128>}, {transform_indices = @transform_2, window_bounds = array<i64: 1280, 1>}, {transform_indices = @transform_3, window_bounds = array<i64: 1280, 128>}]} {
    %get3A = arith.constant 0 : index
    %get3A_0 = arith.constant 0 : index
    %get3A_1 = arith.constant 0 : index
    %get3A_2 = vector.load %arg1[%get3A, %get3A_0, %get3A_1] : memref<2x1280x128xf32, #tpu.memory_space<vmem>>, vector<1x1280x1xf32>
    %get3A_3 = vector.shape_cast %get3A_2 : vector<1x1280x1xf32> to vector<1280x1xf32>
    %add3A = arith.constant 1.000000e+00 : f32
    %add3A_4 = vector.broadcast %add3A : f32 to vector<1280x1xf32>
    %add3A_5 = arith.addf %add3A_4, %get3A_3 : vector<1280x1xf32>
    %get3A_6 = arith.constant 1 : index
    %get3A_7 = arith.constant 0 : index
    %get3A_8 = arith.constant 0 : index
    %get3A_9 = vector.load %arg1[%get3A_6, %get3A_7, %get3A_8] : memref<2x1280x128xf32, #tpu.memory_space<vmem>>, vector<1x1280x1xf32>
    %get3A_10 = vector.shape_cast %get3A_9 : vector<1x1280x1xf32> to vector<1280x1xf32>
    %add3A_11 = arith.addf %add3A_5, %get3A_10 : vector<1280x1xf32>
    %rsqrt3A = math.rsqrt %add3A_11 : vector<1280x1xf32>
    %swap3A = arith.constant 0 : index
    %swap3A_12 = arith.constant 0 : index
    %swap3A_13 = vector.load %arg3[%swap3A, %swap3A_12] : memref<1280x1xf32, #tpu.memory_space<vmem>>, vector<1280x1xf32>
    tpu.vector_store %arg3[%swap3A, %swap3A_12], %rsqrt3A {strides = array<i32>} : memref<1280x1xf32, #tpu.memory_space<vmem>>, vector<1280x1xf32>,
    %get3A_14 = arith.constant 0 : index
    %get3A_15 = arith.constant 0 : index
    %get3A_16 = vector.load %arg2[%get3A_14, %get3A_15] : memref<1280x128xf32, #tpu.memory_space<vmem>>, vector<1280x128xf32>
    %mul3A = vector.broadcast %rsqrt3A : vector<1280x1xf32> to vector<1280x128xf32>
    %mul3A_17 = arith.mulf %get3A_16, %mul3A : vector<1280x128xf32>
    %swap3A_18 = arith.constant 0 : index
    %swap3A_19 = arith.constant 0 : index
    %swap3A_20 = vector.load %arg4[%swap3A_18, %swap3A_19] : memref<1280x128xf32, #tpu.memory_space<vmem>>, vector<1280x128xf32>
    tpu.vector_store %arg4[%swap3A_18, %swap3A_19], %mul3A_17 {strides = array<i32>} : memref<1280x128xf32, #tpu.memory_space<vmem>>, vector<1280x128xf32>,
    return
  }
  func.func @transform_0(%arg0: i32) -> (i32, i32, i32) {
    %c0_i32 = arith.constant 0 : i32
    %c0_i32_0 = arith.constant 0 : i32
    %c0_i32_1 = arith.constant 0 : i32
    return %c0_i32, %arg0, %c0_i32_0 : i32, i32, i32
  }
  func.func @transform_1(%arg0: i32) -> (i32, i32) {
    %c0_i32 = arith.constant 0 : i32
    %c0_i32_0 = arith.constant 0 : i32
    return %arg0, %c0_i32 : i32, i32
  }
  func.func @transform_2(%arg0: i32) -> (i32, i32) {
    %c0_i32 = arith.constant 0 : i32
    %c0_i32_0 = arith.constant 0 : i32
    return %arg0, %c0_i32 : i32, i32
  }
  func.func @transform_3(%arg0: i32) -> (i32, i32) {
    %c0_i32 = arith.constant 0 : i32
    %c0_i32_0 = arith.constant 0 : i32
    return %arg0, %c0_i32 : i32, i32
  }
}

module attributes {stable_mosaic.version = 14 : i64} {
  func.func @_tc_d_body(%arg0: i32, %arg1: memref<2x1280x128xf32, #tpu.memory_space<vmem>>, %arg2: memref<1280x128xf32, #tpu.memory_space<vmem>>, %arg3: memref<1280x1xf32, #tpu.memory_space<vmem>>, %arg4: memref<128x256xf32, #tpu.memory_space<vmem>>, %arg5: memref<1x256xf32, #tpu.memory_space<vmem>>, %arg6: memref<1280x128xf32, #tpu.memory_space<vmem>>, %arg7: memref<1280x128xf32, #tpu.memory_space<vmem>>) attributes {dimension_semantics = [#tpu.dimension_semantics<arbitrary>], iteration_bounds = array<i64: 8>, scalar_prefetch = 0 : i64, scratch_operands = 0 : i64, tpu.core_type = #tpu.core_type<tc>, window_params = [{transform_indices = @transform_0, window_bounds = array<i64: 2, 1280, 128>}, {transform_indices = @transform_1, window_bounds = array<i64: 1280, 128>}, {transform_indices = @transform_2, window_bounds = array<i64: 1280, 1>}, {pipeline_mode = #tpu.pipeline_mode<synchronous>, transform_indices = @transform_3, window_bounds = array<i64: 128, 256>}, {pipeline_mode = #tpu.pipeline_mode<synchronous>, transform_indices = @transform_4, window_bounds = array<i64: 1, 256>}, {transform_indices = @transform_5, window_bounds = array<i64: 1280, 128>}, {transform_indices = @transform_6, window_bounds = array<i64: 1280, 128>}]} {
    %get3A = arith.constant 0 : index
    %get3A_0 = arith.constant 0 : index
    %get3A_1 = vector.load %arg3[%get3A, %get3A_0] : memref<1280x1xf32, #tpu.memory_space<vmem>>, vector<1280x1xf32>
    %get3A_2 = arith.constant 0 : index
    %get3A_3 = arith.constant 0 : index
    %get3A_4 = arith.constant 0 : index
    %get3A_5 = vector.load %arg1[%get3A_2, %get3A_3, %get3A_4] : memref<2x1280x128xf32, #tpu.memory_space<vmem>>, vector<1x1280x128xf32>
    %get3A_6 = vector.shape_cast %get3A_5 : vector<1x1280x128xf32> to vector<1280x128xf32>
    %get3A_7 = arith.constant 1 : index
    %get3A_8 = arith.constant 0 : index
    %get3A_9 = arith.constant 0 : index
    %get3A_10 = vector.load %arg1[%get3A_7, %get3A_8, %get3A_9] : memref<2x1280x128xf32, #tpu.memory_space<vmem>>, vector<1x1280x128xf32>
    %get3A_11 = vector.shape_cast %get3A_10 : vector<1x1280x128xf32> to vector<1280x128xf32>
    %add3A = arith.addf %get3A_6, %get3A_11 : vector<1280x128xf32>
    %get3A_12 = arith.constant 0 : index
    %get3A_13 = arith.constant 0 : index
    %get3A_14 = vector.load %arg2[%get3A_12, %get3A_13] : memref<1280x128xf32, #tpu.memory_space<vmem>>, vector<1280x128xf32>
    %add3A_15 = arith.addf %add3A, %get3A_14 : vector<1280x128xf32>
    %mul3A = vector.broadcast %get3A_1 : vector<1280x1xf32> to vector<1280x128xf32>
    %mul3A_16 = arith.mulf %mul3A, %add3A_15 : vector<1280x128xf32>
    %get3A_17 = arith.constant 0 : index
    %get3A_18 = arith.constant 0 : index
    %get3A_19 = vector.load %arg4[%get3A_17, %get3A_18] : memref<128x256xf32, #tpu.memory_space<vmem>>, vector<128x256xf32>
    %dot_general3A = arith.constant dense<0.000000e+00> : vector<1280x256xf32>
    %dot_general3A_20 = tpu.matmul %mul3A_16, %get3A_19, %dot_general3A {dimension_numbers = #tpu.dot_dimension_numbers<[1], [0], [0], [1], [0, 0, 1, 1], [], []>, transpose_lhs_hint = false} : vector<1280x128xf32>, vector<128x256xf32>, vector<1280x256xf32> -> vector<1280x256xf32>
    %get3A_21 = arith.constant 0 : index
    %get3A_22 = arith.constant 0 : index
    %get3A_23 = vector.load %arg5[%get3A_21, %get3A_22] : memref<1x256xf32, #tpu.memory_space<vmem>>, vector<1x256xf32>
    %add3A_24 = vector.broadcast %get3A_23 : vector<1x256xf32> to vector<1280x256xf32>
    %add3A_25 = arith.addf %dot_general3A_20, %add3A_24 : vector<1280x256xf32>
    %max3A = arith.constant 0.000000e+00 : f32
    %max3A_26 = vector.broadcast %max3A : f32 to vector<1280x256xf32>
    %max3A_27 = arith.maximumf %add3A_25, %max3A_26 : vector<1280x256xf32>
    %mul3A_28 = vector.broadcast %get3A_1 : vector<1280x1xf32> to vector<1280x256xf32>
    %mul3A_29 = arith.mulf %mul3A_28, %max3A_27 : vector<1280x256xf32>
    %mul3A_30 = arith.constant 1280 : i32
    %mul3A_31 = arith.muli %arg0, %mul3A_30 : i32
    %iota3A = tpu.iota {dimensions = array<i32: 0>} : vector<1280x1xi32>
    %add3A_32 = vector.broadcast %mul3A_31 : i32 to vector<1280x1xi32>
    %add3A_33 = arith.addi %add3A_32, %iota3A : vector<1280x1xi32>
    %lt3A = arith.constant 10000 : i32
    %lt3A_34 = vector.broadcast %lt3A : i32 to vector<1280x1xi32>
    %lt3A_35 = arith.cmpi slt, %add3A_33, %lt3A_34 : vector<1280x1xi32>
    %jit3A = arith.constant 0.000000e+00 : f32
    %broadcast_in_dim3A = vector.shape_cast %lt3A_35 : vector<1280x1xi1> to vector<1280x1xi1>
    %broadcast_in_dim3A_36 = vector.broadcast %broadcast_in_dim3A : vector<1280x1xi1> to vector<1280x256xi1>
    %broadcast_in_dim3A_37 = vector.broadcast %jit3A : f32 to vector<1280x256xf32>
    %select_n3A = arith.select %broadcast_in_dim3A_36, %mul3A_29, %broadcast_in_dim3A_37 : vector<1280x256xi1>, vector<1280x256xf32>
    %slice3A = vector.extract_strided_slice %select_n3A {offsets = [0, 0], sizes = [1280, 128], strides = [1, 1]} : vector<1280x256xf32> to vector<1280x128xf32>
    %swap3A = arith.constant 0 : index
    %swap3A_38 = arith.constant 0 : index
    %swap3A_39 = vector.load %arg6[%swap3A, %swap3A_38] : memref<1280x128xf32, #tpu.memory_space<vmem>>, vector<1280x128xf32>
    tpu.vector_store %arg6[%swap3A, %swap3A_38], %slice3A {strides = array<i32>} : memref<1280x128xf32, #tpu.memory_space<vmem>>, vector<1280x128xf32>,
    %slice3A_40 = vector.extract_strided_slice %select_n3A {offsets = [0, 128], sizes = [1280, 128], strides = [1, 1]} : vector<1280x256xf32> to vector<1280x128xf32>
    %swap3A_41 = arith.constant 0 : index
    %swap3A_42 = arith.constant 0 : index
    %swap3A_43 = vector.load %arg7[%swap3A_41, %swap3A_42] : memref<1280x128xf32, #tpu.memory_space<vmem>>, vector<1280x128xf32>
    tpu.vector_store %arg7[%swap3A_41, %swap3A_42], %slice3A_40 {strides = array<i32>} : memref<1280x128xf32, #tpu.memory_space<vmem>>, vector<1280x128xf32>,
    return
  }
  func.func @transform_0(%arg0: i32) -> (i32, i32, i32) {
    %c0_i32 = arith.constant 0 : i32
    %c0_i32_0 = arith.constant 0 : i32
    %c0_i32_1 = arith.constant 0 : i32
    return %c0_i32, %arg0, %c0_i32_0 : i32, i32, i32
  }
  func.func @transform_1(%arg0: i32) -> (i32, i32) {
    %c0_i32 = arith.constant 0 : i32
    %c0_i32_0 = arith.constant 0 : i32
    return %arg0, %c0_i32 : i32, i32
  }
  func.func @transform_2(%arg0: i32) -> (i32, i32) {
    %c0_i32 = arith.constant 0 : i32
    %c0_i32_0 = arith.constant 0 : i32
    return %arg0, %c0_i32 : i32, i32
  }
  func.func @transform_3(%arg0: i32) -> (i32, i32) {
    %c0_i32 = arith.constant 0 : i32
    %c0_i32_0 = arith.constant 0 : i32
    %c0_i32_1 = arith.constant 0 : i32
    return %c0_i32, %c0_i32_0 : i32, i32
  }
  func.func @transform_4(%arg0: i32) -> (i32, i32) {
    %c0_i32 = arith.constant 0 : i32
    %c0_i32_0 = arith.constant 0 : i32
    %c0_i32_1 = arith.constant 0 : i32
    return %c0_i32, %c0_i32_0 : i32, i32
  }
  func.func @transform_5(%arg0: i32) -> (i32, i32) {
    %c0_i32 = arith.constant 0 : i32
    %c0_i32_0 = arith.constant 0 : i32
    return %arg0, %c0_i32 : i32, i32
  }
  func.func @transform_6(%arg0: i32) -> (i32, i32) {
    %c0_i32 = arith.constant 0 : i32
    %c0_i32_0 = arith.constant 0 : i32
    return %arg0, %c0_i32 : i32, i32
  }
}

module attributes {stable_mosaic.version = 14 : i64} {
  func.func @_tc_f_body(%arg0: i32, %arg1: memref<2x1000x128xf32, #tpu.memory_space<vmem>>, %arg2: memref<1000x128xf32, #tpu.memory_space<vmem>>, %arg3: memref<1000x128xf32, #tpu.memory_space<vmem>>, %arg4: memref<1000x1xf32, #tpu.memory_space<vmem>>, %arg5: memref<256x128xf32, #tpu.memory_space<vmem>>, %arg6: memref<1x128xf32, #tpu.memory_space<vmem>>, %arg7: memref<256x128xf32, #tpu.memory_space<vmem>>, %arg8: memref<1x128xf32, #tpu.memory_space<vmem>>, %arg9: memref<1000x128xf32, #tpu.memory_space<vmem>>, %arg10: memref<1000x128xf32, #tpu.memory_space<vmem>>) attributes {dimension_semantics = [#tpu.dimension_semantics<arbitrary>], iteration_bounds = array<i64: 10>, scalar_prefetch = 0 : i64, scratch_operands = 0 : i64, tpu.core_type = #tpu.core_type<tc>, window_params = [{transform_indices = @transform_0, window_bounds = array<i64: 2, 1000, 128>}, {transform_indices = @transform_1, window_bounds = array<i64: 1000, 128>}, {transform_indices = @transform_2, window_bounds = array<i64: 1000, 128>}, {transform_indices = @transform_3, window_bounds = array<i64: 1000, 1>}, {pipeline_mode = #tpu.pipeline_mode<synchronous>, transform_indices = @transform_4, window_bounds = array<i64: 256, 128>}, {pipeline_mode = #tpu.pipeline_mode<synchronous>, transform_indices = @transform_5, window_bounds = array<i64: 1, 128>}, {pipeline_mode = #tpu.pipeline_mode<synchronous>, transform_indices = @transform_6, window_bounds = array<i64: 256, 128>}, {pipeline_mode = #tpu.pipeline_mode<synchronous>, transform_indices = @transform_7, window_bounds = array<i64: 1, 128>}, {transform_indices = @transform_8, window_bounds = array<i64: 1000, 128>}, {transform_indices = @transform_9, window_bounds = array<i64: 1000, 128>}]} {
    %get3A = arith.constant 0 : index
    %get3A_0 = arith.constant 0 : index
    %get3A_1 = vector.load %arg4[%get3A, %get3A_0] : memref<1000x1xf32, #tpu.memory_space<vmem>>, vector<1000x1xf32>
    %get3A_2 = arith.constant 0 : index
    %get3A_3 = arith.constant 0 : index
    %get3A_4 = arith.constant 0 : index
    %get3A_5 = vector.load %arg1[%get3A_2, %get3A_3, %get3A_4] : memref<2x1000x128xf32, #tpu.memory_space<vmem>>, vector<1x1000x128xf32>
    %get3A_6 = vector.shape_cast %get3A_5 : vector<1x1000x128xf32> to vector<1000x128xf32>
    %get3A_7 = arith.constant 0 : index
    %get3A_8 = arith.constant 0 : index
    %get3A_9 = vector.load %arg2[%get3A_7, %get3A_8] : memref<1000x128xf32, #tpu.memory_space<vmem>>, vector<1000x128xf32>
    %add3A = arith.addf %get3A_6, %get3A_9 : vector<1000x128xf32>
    %mul3A = vector.broadcast %get3A_1 : vector<1000x1xf32> to vector<1000x128xf32>
    %mul3A_10 = arith.mulf %mul3A, %add3A : vector<1000x128xf32>
    %get3A_11 = arith.constant 1 : index
    %get3A_12 = arith.constant 0 : index
    %get3A_13 = arith.constant 0 : index
    %get3A_14 = vector.load %arg1[%get3A_11, %get3A_12, %get3A_13] : memref<2x1000x128xf32, #tpu.memory_space<vmem>>, vector<1x1000x128xf32>
    %get3A_15 = vector.shape_cast %get3A_14 : vector<1x1000x128xf32> to vector<1000x128xf32>
    %get3A_16 = arith.constant 0 : index
    %get3A_17 = arith.constant 0 : index
    %get3A_18 = vector.load %arg3[%get3A_16, %get3A_17] : memref<1000x128xf32, #tpu.memory_space<vmem>>, vector<1000x128xf32>
    %add3A_19 = arith.addf %get3A_15, %get3A_18 : vector<1000x128xf32>
    %mul3A_20 = vector.broadcast %get3A_1 : vector<1000x1xf32> to vector<1000x128xf32>
    %mul3A_21 = arith.mulf %mul3A_20, %add3A_19 : vector<1000x128xf32>
    %get3A_22 = arith.constant 0 : index
    %get3A_23 = arith.constant 0 : index
    %get3A_24 = vector.load %arg5[%get3A_22, %get3A_23] : memref<256x128xf32, #tpu.memory_space<vmem>>, vector<128x128xf32>
    %dot_general3A = arith.constant dense<0.000000e+00> : vector<1000x128xf32>
    %dot_general3A_25 = tpu.matmul %mul3A_10, %get3A_24, %dot_general3A {dimension_numbers = #tpu.dot_dimension_numbers<[1], [0], [0], [1], [0, 0, 1, 1], [], []>, transpose_lhs_hint = false} : vector<1000x128xf32>, vector<128x128xf32>, vector<1000x128xf32> -> vector<1000x128xf32>
    %get3A_26 = arith.constant 128 : index
    %get3A_27 = arith.constant 0 : index
    %get3A_28 = vector.load %arg5[%get3A_26, %get3A_27] : memref<256x128xf32, #tpu.memory_space<vmem>>, vector<128x128xf32>
    %dot_general3A_29 = arith.constant dense<0.000000e+00> : vector<1000x128xf32>
    %dot_general3A_30 = tpu.matmul %mul3A_21, %get3A_28, %dot_general3A_29 {dimension_numbers = #tpu.dot_dimension_numbers<[1], [0], [0], [1], [0, 0, 1, 1], [], []>, transpose_lhs_hint = false} : vector<1000x128xf32>, vector<128x128xf32>, vector<1000x128xf32> -> vector<1000x128xf32>
    %add3A_31 = arith.addf %dot_general3A_25, %dot_general3A_30 : vector<1000x128xf32>
    %get3A_32 = arith.constant 0 : index
    %get3A_33 = arith.constant 0 : index
    %get3A_34 = vector.load %arg6[%get3A_32, %get3A_33] : memref<1x128xf32, #tpu.memory_space<vmem>>, vector<1x128xf32>
    %add3A_35 = vector.broadcast %get3A_34 : vector<1x128xf32> to vector<1000x128xf32>
    %add3A_36 = arith.addf %add3A_31, %add3A_35 : vector<1000x128xf32>
    %swap3A = arith.constant 0 : index
    %swap3A_37 = arith.constant 0 : index
    %swap3A_38 = vector.load %arg9[%swap3A, %swap3A_37] : memref<1000x128xf32, #tpu.memory_space<vmem>>, vector<1000x128xf32>
    tpu.vector_store %arg9[%swap3A, %swap3A_37], %add3A_36 {strides = array<i32>} : memref<1000x128xf32, #tpu.memory_space<vmem>>, vector<1000x128xf32>,
    %get3A_39 = arith.constant 0 : index
    %get3A_40 = arith.constant 0 : index
    %get3A_41 = vector.load %arg7[%get3A_39, %get3A_40] : memref<256x128xf32, #tpu.memory_space<vmem>>, vector<128x128xf32>
    %dot_general3A_42 = arith.constant dense<0.000000e+00> : vector<1000x128xf32>
    %dot_general3A_43 = tpu.matmul %mul3A_10, %get3A_41, %dot_general3A_42 {dimension_numbers = #tpu.dot_dimension_numbers<[1], [0], [0], [1], [0, 0, 1, 1], [], []>, transpose_lhs_hint = false} : vector<1000x128xf32>, vector<128x128xf32>, vector<1000x128xf32> -> vector<1000x128xf32>
    %get3A_44 = arith.constant 128 : index
    %get3A_45 = arith.constant 0 : index
    %get3A_46 = vector.load %arg7[%get3A_44, %get3A_45] : memref<256x128xf32, #tpu.memory_space<vmem>>, vector<128x128xf32>
    %dot_general3A_47 = arith.constant dense<0.000000e+00> : vector<1000x128xf32>
    %dot_general3A_48 = tpu.matmul %mul3A_21, %get3A_46, %dot_general3A_47 {dimension_numbers = #tpu.dot_dimension_numbers<[1], [0], [0], [1], [0, 0, 1, 1], [], []>, transpose_lhs_hint = false} : vector<1000x128xf32>, vector<128x128xf32>, vector<1000x128xf32> -> vector<1000x128xf32>
    %add3A_49 = arith.addf %dot_general3A_43, %dot_general3A_48 : vector<1000x128xf32>
    %get3A_50 = arith.constant 0 : index
    %get3A_51 = arith.constant 0 : index
    %get3A_52 = vector.load %arg8[%get3A_50, %get3A_51] : memref<1x128xf32, #tpu.memory_space<vmem>>, vector<1x128xf32>
    %add3A_53 = vector.broadcast %get3A_52 : vector<1x128xf32> to vector<1000x128xf32>
    %add3A_54 = arith.addf %add3A_49, %add3A_53 : vector<1000x128xf32>
    %swap3A_55 = arith.constant 0 : index
    %swap3A_56 = arith.constant 0 : index
    %swap3A_57 = vector.load %arg10[%swap3A_55, %swap3A_56] : memref<1000x128xf32, #tpu.memory_space<vmem>>, vector<1000x128xf32>
    tpu.vector_store %arg10[%swap3A_55, %swap3A_56], %add3A_54 {strides = array<i32>} : memref<1000x128xf32, #tpu.memory_space<vmem>>, vector<1000x128xf32>,
    return
  }
  func.func @transform_0(%arg0: i32) -> (i32, i32, i32) {
    %c0_i32 = arith.constant 0 : i32
    %c0_i32_0 = arith.constant 0 : i32
    %c0_i32_1 = arith.constant 0 : i32
    return %c0_i32, %arg0, %c0_i32_0 : i32, i32, i32
  }
  func.func @transform_1(%arg0: i32) -> (i32, i32) {
    %c0_i32 = arith.constant 0 : i32
    %c0_i32_0 = arith.constant 0 : i32
    return %arg0, %c0_i32 : i32, i32
  }
  func.func @transform_2(%arg0: i32) -> (i32, i32) {
    %c0_i32 = arith.constant 0 : i32
    %c0_i32_0 = arith.constant 0 : i32
    return %arg0, %c0_i32 : i32, i32
  }
  func.func @transform_3(%arg0: i32) -> (i32, i32) {
    %c0_i32 = arith.constant 0 : i32
    %c0_i32_0 = arith.constant 0 : i32
    return %arg0, %c0_i32 : i32, i32
  }
  func.func @transform_4(%arg0: i32) -> (i32, i32) {
    %c0_i32 = arith.constant 0 : i32
    %c0_i32_0 = arith.constant 0 : i32
    %c0_i32_1 = arith.constant 0 : i32
    return %c0_i32, %c0_i32_0 : i32, i32
  }
  func.func @transform_5(%arg0: i32) -> (i32, i32) {
    %c0_i32 = arith.constant 0 : i32
    %c0_i32_0 = arith.constant 0 : i32
    %c0_i32_1 = arith.constant 0 : i32
    return %c0_i32, %c0_i32_0 : i32, i32
  }
  func.func @transform_6(%arg0: i32) -> (i32, i32) {
    %c0_i32 = arith.constant 0 : i32
    %c0_i32_0 = arith.constant 0 : i32
    %c0_i32_1 = arith.constant 0 : i32
    return %c0_i32, %c0_i32_0 : i32, i32
  }
  func.func @transform_7(%arg0: i32) -> (i32, i32) {
    %c0_i32 = arith.constant 0 : i32
    %c0_i32_0 = arith.constant 0 : i32
    %c0_i32_1 = arith.constant 0 : i32
    return %c0_i32, %c0_i32_0 : i32, i32
  }
  func.func @transform_8(%arg0: i32) -> (i32, i32) {
    %c0_i32 = arith.constant 0 : i32
    %c0_i32_0 = arith.constant 0 : i32
    return %arg0, %c0_i32 : i32, i32
  }
  func.func @transform_9(%arg0: i32) -> (i32, i32) {
    %c0_i32 = arith.constant 0 : i32
    %c0_i32_0 = arith.constant 0 : i32
    return %arg0, %c0_i32 : i32, i32
  }
}

</mosaic_0001>

<sc_bundles>
// kernel: kernel.11.cloned.1.call-start
scs
__scs_entry_jumppad:
0x0: {  	(pc) =	sbr.rel $0x88, $3  }
0x1: {  	(tag) =	ssettag $0x0;
	lr =	simm.s32 $0x1  }
0x2: {  	[smem:$0x3F99] =	sst lr;
	_ =	strace $0xD0000000  }
0x3: {  	_ = 	snop  }
0x4: {  	_ = 	snop  }
0x5: {  	_ = 	snop  }
0x6: {  	_ = 	snop  }
0x7: {  	_ = 	snop  }
__scs_overlays_trampoline_lowered:
0x8: {  	[smem:$0x3FA8] =	sst s0  }
0x9: {  	[smem:$0x3FA9] =	sst s1  }
0xa: {  	[smem:$0x3FAA] =	sst s2  }
0xb: {  	[smem:$0x3FAB] =	sst s3  }
0xc: {  	[smem:$0x3FAC] =	sst s4  }
0xd: {  	[smem:$0x3FAD] =	sst s5  }
0xe: {  	[smem:$0x3FAE] =	sst s6  }
0xf: {  	[smem:$0x3FAF] =	sst s7  }
0x10: {  	[smem:$0x3FB0] =	sst s8  }
0x11: {  	[smem:$0x3FB1] =	sst s9;
	s0 =	simm.s32 @!p0 $0x0  }
0x12: {  	s1 =	sld [smem:$0x3F97];
	s0 =	simm.s32 @p0 $0x1  }
0x13: {  	[smem:$0x3FB2] =	sst s0;
	s0 =	simm.s32 @!p1 $0x0  }
0x14: {  	s2 =	sld [smem:$0x3F96];
	s0 =	simm.s32 @p1 $0x1  }
0x15: {  	[smem:$0x3FB3] =	sst s0;
	s0 =	simm.s32 @!p2 $0x0  }
0x16: {  	s3 =	sld [smem:$0x3FDB];
	s0 =	simm.s32 @p2 $0x1  }
0x17: {  	s4 =	simm.s32 $0x1BF5;
	[smem:$0x3FB5] =	sst s0  }
0x18: {  	s0 =	sld [smem:$0x3F98];
	_ =	swait.ge [sflag:s4], $0x0  }
0x19: {  	s7 =	sld [smem:$0x3F99]  }
0x1a: {  	s8 =	sadd.s32 $0xFFFFE003, lr  }
0x1b: {  	s9 =	sadd.s32 $0xFFFFFEF7, lr;
	s5 =	simm.s32 $0xFFFFFFFF;
	p2 =	slt.u32 s8, $0xFFFFF086  }
0x1c: {  	p1 =	slt.u32 s9, $0xF7A;
	s5 =	simm.s32 @!p2 $0x0  }
0x1d: {  	s5 =	simm.s32 @p1 $0x1;
	p0 =	seq.s32 s7, s2  }
0x1e: {  	s7 =	smul.u32 @!p0 $0xF7A, s2;
	p2 =	seq.s32 @!p0 s5, $0x0  }
0x1f: {  	s9 =	smul.u32 $0xF7A, s1;
	s8 =	simm.s32 @!p0 $0x1BF5;
	p2 =	por !p2, p0  }
0x20: {  	[sflag:s8] =	ssyncset.s32 @!p0 $0xFFFFF086;
	s6 =	sadd.s32 @!p0 s3, s7;
	s7 =	simm.s32 @!p0 $0x108  }
0x21: {  	s3 =	sadd.s32 s3, s9;
	s6 =	sadd.s32 @!p0 $0x88, s6;
	s7 =	simm.s32 @p2 $0x1082  }
0x22: {  	[simem:s7], [sflag:s8] =	dma.local @!p0 [hbm:s6], $0xF7A  }
0x23: {  	s9 =	sor.u32 $0xD0000000, s2;
	s6 =	simm.s32 $0x108;
	_ =	swait.ge @!p0 [sflag:s8], $0x0  }
0x24: {  	s3 =	sadd.s32 $0x88, s3;
	s6 =	simm.s32 @!p1 $0x1082;
	[sflag:s4] =	ssyncset.s32 $0xFFFFF086  }
0x25: {  	[simem:s6], [sflag:s4] =	dma.local [hbm:s3], $0xF7A  }
0x26: {  	[smem:$0x3F99] =	sst s1;
	(tag) =	ssettag s2;
	_ =	strace s9  }
0x27: {  	s1 =	sld [smem:$0x3FA9]  }
0x28: {  	s2 =	sld [smem:$0x3FAA]  }
0x29: {  	s4 =	sld [smem:$0x3FAC]  }
0x2a: {  	p0 =	seq.s32 s5, $0x0;
	s5 =	sld [smem:$0x3FAD]  }
0x2b: {  	s6 =	sld [smem:$0x3FAE]  }
0x2c: {  	s7 =	sld [smem:$0x3FAF]  }
0x2d: {  	s3 =	simm.s32 $0x108;
	s8 =	sld [smem:$0x3FB0]  }
0x2e: {  	s3 =	simm.s32 @!p0 $0x1082;
	s9 =	sld [smem:$0x3FB1]  }
0x2f: {  	lr =	sadd.s32 s0, s3;
	s0 =	sld [smem:$0x3FA8]  }
0x30: {  	s3 =	sld [smem:$0x3FAB]  }
0x31: {  	[smem:$0x3FB4] =	sst s10  }
0x32: {  	s10 =	sld [smem:$0x3FB2];
	_ =	sdelay $0x3  }
0x33: {  	p0 =	seq.s32 s10, $0x1;
	s10 =	sld [smem:$0x3FB4];
	_ =	sdelay $0x3  }
0x34: {  	[smem:$0x3FB4] =	sst s10  }
0x35: {  	s10 =	sld [smem:$0x3FB3];
	_ =	sdelay $0x3  }
0x36: {  	p1 =	seq.s32 s10, $0x1;
	s10 =	sld [smem:$0x3FB4];
	_ =	sdelay $0x3  }
0x37: {  	[smem:$0x3FB4] =	sst s10  }
0x38: {  	s10 =	sld [smem:$0x3FB5]  }
0x39: {  	_ = 	snop;
	(pc) =	sbr.ind lr, $3  }
0x3a: {  	_ = 	snop  }
0x3b: {  	_ = 	snop  }
0x3c: {  	p2 =	seq.s32 s10, $0x1;
	s10 =	sld [smem:$0x3FB4]  }
0x3d: {  	_ =	shalt  }
0x3e: {  	_ =	shalt  }
0x3f: {  	_ =	shalt  }
0x40: {  	_ =	shalt  }
0x41: {  	_ =	shalt  }
0x42: {  	_ =	shalt  }
0x43: {  	_ =	shalt  }
0x44: {  	_ =	shalt  }
0x45: {  	_ =	shalt  }
0x46: {  	_ =	shalt  }
0x47: {  	_ =	shalt  }
0x48: {  	_ =	shalt  }
0x49: {  	_ =	shalt  }
0x4a: {  	_ =	shalt  }
0x4b: {  	_ =	shalt  }
0x4c: {  	_ =	shalt  }
0x4d: {  	_ =	shalt  }
0x4e: {  	_ =	shalt  }
0x4f: {  	_ =	shalt  }
0x50: {  	_ =	shalt  }
0x51: {  	_ =	shalt  }
0x52: {  	_ =	shalt  }
0x53: {  	_ =	shalt  }
0x54: {  	_ =	shalt  }
0x55: {  	_ =	shalt  }
0x56: {  	_ =	shalt  }
0x57: {  	_ =	shalt  }
0x58: {  	_ =	shalt  }
0x59: {  	_ =	shalt  }
0x5a: {  	_ =	shalt  }
0x5b: {  	_ =	shalt  }
0x5c: {  	_ =	shalt  }
0x5d: {  	_ =	shalt  }
0x5e: {  	_ =	shalt  }
0x5f: {  	_ =	shalt  }
0x60: {  	_ =	shalt  }
0x61: {  	_ =	shalt  }
0x62: {  	_ =	shalt  }
0x63: {  	_ =	shalt  }
0x64: {  	_ =	shalt  }
0x65: {  	_ =	shalt  }
0x66: {  	_ =	shalt  }
0x67: {  	_ =	shalt  }
0x68: {  	_ =	shalt  }
0x69: {  	_ =	shalt  }
0x6a: {  	_ =	shalt  }
0x6b: {  	_ =	shalt  }
0x6c: {  	_ =	shalt  }
0x6d: {  	_ =	shalt  }
0x6e: {  	_ =	shalt  }
0x6f: {  	_ =	shalt  }
0x70: {  	_ =	shalt  }
0x71: {  	_ =	shalt  }
0x72: {  	_ =	shalt  }
0x73: {  	_ =	shalt  }
0x74: {  	_ =	shalt  }
0x75: {  	_ =	shalt  }
0x76: {  	_ =	shalt  }
0x77: {  	_ =	shalt  }
0x78: {  	_ =	shalt  }
0x79: {  	_ =	shalt  }
0x7a: {  	_ =	shalt  }
0x7b: {  	_ =	shalt  }
0x7c: {  	_ =	shalt  }
0x7d: {  	_ =	shalt  }
0x7e: {  	_ =	shalt  }
0x7f: {  	_ =	shalt  }
0x80: {  	_ =	shalt  }
0x81: {  	_ =	shalt  }
0x82: {  	_ =	shalt  }
0x83: {  	_ =	shalt  }
0x84: {  	_ =	shalt  }
0x85: {  	_ =	shalt  }
0x86: {  	_ =	shalt  }
0x87: {  	_ =	shalt  }
.Lfunc_end0:
.L_simem_size_0:
called_computation.1_lowered:
.L_overlay_start_0:
0x88: {  	s2 =	sld [smem:$0x3FD9]  }
0x89: {  	s3 =	sld [smem:$0x3FFE];
	_ =	sdelay $0x1  }
0x8a: {  	s1 =	srdreg.scid  }
0x8b: {  	s0 =	sand.u32 $0x1, s1  }
0x8c: {  	s14 =	sshll.u32 s0, $0xA;
	s2 =	sadd.s32 s3, s2  }
0x8d: {  	s2 =	sadd.s32 s2, s14  }
0x8e: {  	[smem:$0x3FC0] =	sst s2  }
0x8f: {  	_ = 	snop  }
0x90: {  	s2 =	sld [smem:$0x3FD0];
	_ =	sdelay $0x2  }
0x91: {  	s15 =	simm.s32 $0xA;
	s4 =	simm.s32 $0x10  }
0x92: {  	[smem:s4], [sflag:s15] =	dma.local [hbm:s2], $0x1  }
0x93: {  	_ =	swait.eq [sflag:s15], $0x1  }
0x94: {  	[sflag:s15] =	ssyncset.done $0x0  }
0x95: {  	[sflag:s15] =	ssyncadd.s32 $0xFFFFFFFF  }
0x96: {  	s16 =	sld [smem:$0x11];
	(tm) =	ssettm $0x1  }
0x97: {  	s17 =	sld [smem:$0x3FFB];
	_ =	sdelay $0x3  }
0x98: {  	_ =	strace s17  }
0x99: {  	s3 =	sld [smem:$0x3FFC];
	_ =	sdelay $0x3  }
0x9a: {  	_ =	strace s3  }
0x9b: {  	s3 =	sld [smem:$0x3FFD];
	_ =	sdelay $0x3  }
0x9c: {  	_ =	strace s3  }
0x9d: {  	_ =	strace $0x8FFFFFFF  }
0x9e: {  	s18 =	sld [smem:$0x3FDB];
	_ =	sdelay $0x1  }
0x9f: {  	s19 =	simm.s32 $_scs_section_size  }
0xa0: {  	s5 =	simm.s32 $_size__tile_overlayer_lowered;
	s6 =	simm.s32 $_tile_overlayer_lowered  }
0xa1: {  	s22 =	simm.s32 $0x1BFF;
	s21 =	sshll.u32 s6, $0x1;
	s3 =	sadd.s32 s19, s18  }
0xa2: {  	s7 =	simm.s32 $0x0;
	s20 =	sshll.u32 s5, $0x1;
	s5 =	sadd.s32 s21, s3  }
0xa3: {  	[timem:s7], [sflag:s22] =	dma.local [hbm:s5], s20  }
0xa4: {  	_ =	swait.ge [sflag:s22], s20  }
0xa5: {  	s4 =	ssub.s32 $0x0, s20;
	[sflag:s22] =	ssyncset.done $0x0  }
0xa6: {  	[sflag:s22] =	ssyncadd.s32 s4;
	_ =	sdelay $0x1  }
0xa7: {  	s23 =	simm.s32 $0x1B8B  }
0xa8: {  	_ =	swait.ge [sflag:s23], $0x1  }
0xa9: {  	[sflag:s23] =	ssyncset.done $0x0  }
0xaa: {  	s25 =	simm.s32 $0x1B8E;
	s24 =	sld [smem:$0x3FFE];
	[sflag:s23] =	ssyncadd.s32 $0xFFFFFFFF  }
0xab: {  	s26 =	simm.s32 $execute0_lowered;
	[smem:$0x3FD2] =	sst s25  }
0xac: {  	s5 =	sshll.u32 s26, $0x1;
	_ =	strace $0x80000049;
	[dreg:$0x1] =	wrdreg $0xFFFFFFFF  }
0xad: {  	s28 =	simm.s32 $_size_execute0_lowered;
	s3 =	sadd.s32 s3, s5;
	[dreg:$0x0] =	wrdreg $0x0  }
0xae: {  	s5 =	sshll.u32 s28, $0x1;
	[dreg:$0x2] =	wrdreg s3  }
0xaf: {  	[dreg:$0x3] =	wrdreg s5  }
0xb0: {  	[dreg:$0x4] =	wrdreg $0xC0  }
0xb1: {  	_ =	task [dreg:s7], $0x5FFFF  }
0xb2: {  	[dreg:$0x1] =	wrdreg $0xFFFFFFFF  }
0xb3: {  	[dreg:$0x0] =	wrdreg $0x60  }
0xb4: {  	[dreg:$0x2] =	wrdreg s16  }
0xb5: {  	[dreg:$0x3] =	wrdreg s24  }
0xb6: {  	[dreg:$0x4] =	wrdreg $0x84000  }
0xb7: {  	[dreg:$0x5] =	wrdreg $0x9  }
0xb8: {  	_ =	task.clear_ibuf [dreg:s7], $0x6FFFF;
	_ =	strace $0x90000049  }
0xb9: {  	s29 =	simm.s32 $0x9;
	_ =	strace $0x8000004B  }
0xba: {  	_ =	swait.ge [sflag:s29], $0x1  }
0xbb: {  	[sflag:s29] =	ssyncadd.s32 $0xFFFFFFFF  }
0xbc: {  	_ =	strace $0x9000004B  }
0xbd: {  	_ =	sfence  }
0xbe: {  	s30 =	sld [smem:$0x0];
	_ =	sdelay $0x2  }
0xbf: {  	s31 =	sshll.u32 s1, $0xD;
	s1 =	sshrl.u32 s1, $0x2  }
0xc0: {  	s3 =	sand.u32 $0x4000, s31;
	s1 =	sadd.s32 s1, s30  }
0xc1: {  	s0 =	sor.u32 s3, s0;
	s1 =	sshll.u32 s1, $0x11  }
0xc2: {  	s0 =	sor.u32 s1, s0  }
0xc3: {  	s0 =	sadd.s32 $0x8F2B, s0  }
0xc4: {  	[sflag:s0] =	ssyncadd.remote.s32 $0x1  }
0xc5: {  	_ =	sfence.sel $0xFFFF  }
0xc6: {  	[dreg:$0x0] =	wrdreg $0xFFFFFFFF;
	(pc) =	sbr.abs _section_cstart, $3  }
0xc7: {  	[dreg:$0x1] =	wrdreg $0xFFFFFFFF  }
0xc8: {  	_ =	task.clear_ibuf [dreg:s7], $0x2FFFF;
	_ =	strace $0x9FFFFFFF  }
0xc9: {  	(tm) =	ssettm $0x7FFFFFFF  }
tec
execute0_lowered:
.L_overlay_start_1:
0x0: {  	(tag) =	ssettag $0x1  }
0x1: {  	s0 =	rddreg [dreg:$0x0]  }
0x2: {  	s1 =	rddreg [dreg:$0x1]  }
0x3: {  	s2 =	rddreg [dreg:$0x2];
	s12 =	stileid.u32  }
0x4: {  	s4 =	srdreg.scid;
	s3 =	simm.s32 $0x0;
	s28 =	simm.s32 $0x300  }
0x5: {  	s29 =	simm.s32 $0x4400;
	s30 =	simm.s32 $0x6;
	s5 =	smul.u32 $0x14000, s12  }
0x6: {  	s31 =	simm.s32 $0x180;
	s6 =	sand.u32 $0x1, s4;
	s9 =	smul.u32 $0x50000, s12  }
0x7: {  	[smem:$0x7FF] =	sst s3;
	s4 =	sadd.s32 $0x2C600, s1;
	s16 =	smul.u32 $0x50, s12  }
0x8: {  	s18 =	sshll.u32 s12, $0x6;
	s7 =	smul.u32 $0x140000, s6;
	_ =	strace $0x8000004A  }
0x9: {  	s14 =	sshll.u32 s6, $0x4;
	s15 =	ssub.s32 $0x2, s6;
	s11 =	smul.u32 $0x500, s6  }
0xa: {  	s8 =	sshrl.u32 s5, $0x3;
	s10 =	sshrl.u32 s15, $0x1;
	s9 =	sshrl.u32 s9, $0x2  }
0xb: {  	s8 =	sadd.s32 s8, s1;
	s5 =	sadd.s32 s5, s7;
	s7 =	sor.u32 s12, s14  }
0xc: {  	s9 =	sadd.s32 s9, s2;
	s21 =	sadd.s32 s16, s11;
	s11 =	simm.s32 $0x0  }
0xd: {  	s5 =	sshrl.u32 s5, $0x3;
	s7 =	smul.u32 $0xA00, s7;
	s17 =	sadd.s32 $0x4600, s8  }
0xe: {  	s8 =	sshll.u32 s21, $0x5;
	s21 =	simm.s32 $0x1;
	s1 =	sadd.s32 s5, s1  }
0xf: {  	s5 =	ssub.s32 s15, s10;
	[dreg:$0x4] =	wrdreg s17;
	s13 =	sadd.s32 s8, s0  }
0x10: {  	s8 =	simm.s32 $0x4;
	s10 =	simm.s32 $0x380;
	s19 =	sadd.s32 s0, s7  }
0x11: {  	s7 =	sor.u32 $0x1C09, s18;
	s25 =	sadd.s32 $0x54600, s1;
	s26 =	smax.u32 s5, $0x1  }
0x12: {  	s16 =	sadd.s32 $0x100, s13;
	s17 =	sadd.s32 $0xC0, s13;
	[dreg:$0x5] =	wrdreg s19  }
0x13: {  	s18 =	sshrl.u32 s9, $0x3;
	s0 =	simm.s32 $0x3;
	[dreg:$0xb] =	wrdreg s25  }
0x14: {  	s1 =	simm.s32 $0x7;
	s20 =	sadd.s32 $0x20, s19;
	[dreg:$0xc] =	wrdreg s26  }
0x15: {  	s5 =	simm.s32 $0x280;
	s22 =	sadd.s32 $0x40, s19;
	[dreg:$0x6] =	wrdreg s20  }
0x16: {  	s9 =	simm.s32 $0x8;
	s23 =	sadd.s32 $0x60, s19;
	[dreg:$0x7] =	wrdreg s22  }
0x17: {  	s24 =	sadd.s32 $0x80, s19;
	s6 =	sadd.s32 $0xA0, s19;
	[dreg:$0x8] =	wrdreg s23  }
0x18: {  	s19 =	simm.s32 $0x9;
	s25 =	simm.s32 $0x5;
	[dreg:$0x9] =	wrdreg s24  }
0x19: {  	s26 =	simm.s32 $0x2;
	[dreg:$0xa] =	wrdreg s6;
	s20 =	simm.s32 $0x100  }
0x1a: {  	s22 =	simm.s32 $0x200;
	s23 =	simm.s32 $0x80;
	s24 =	simm.s32 $0x400  }
.LBB2_1:
0x1b: {  	s6 =	rddreg [dreg:$0x4]  }
0x1c: {  	[spmem:s18], [sflag:s7] =	dma.local [hbm:s6], $0x2800  }
0x1d: {  	_ =	swait.ge [sflag:s19], $0x2800  }
0x1e: {  	[sflag:s19] =	ssyncset.done $0x0  }
0x1f: {  	[sflag:s19] =	ssyncadd.s32 $0xFFFFD800  }
0x20: {  	[bflag:$0x0] =	sbarrier.arrive $0xFFFF  }
0x21: {  	s12 =	rddreg [dreg:$0x5]  }
0x22: {  	[tilespmem:s3], [sflag:$0x1] =	stream.linear.gather [hbm4b:s12+s3], $0x100, $0x38;
	[tilespmem:$0x1C400] =	vst v63  }
0x23: {  	s14 =	rddreg [dreg:$0x6]  }
0x24: {  	[tilespmem:s20], [sflag:$0x2] =	stream.linear.gather [hbm4b:s14+s3], $0x100, $0x38;
	[tilespmem:$0x1C400] =	vst v63  }
0x25: {  	_ =	swait.ge [sflag:s21], $0x100  }
0x26: {  	[sflag:s21] =	ssyncset.done $0x0  }
0x27: {  	s15 =	rddreg [dreg:$0x7];
	[sflag:s21] =	ssyncadd.s32 $0xFFFFFF00  }
0x28: {  	[tilespmem:s22], [sflag:$0x3] =	stream.linear.gather [hbm4b:s15+s3], $0x100, $0x38;
	[tilespmem:$0x1C400] =	vst v63  }
0x29: {  	_ = 	snop  }
0x2a: {  	[tilespmem:s24], [sflag:$0x5] =	stream.indirect.gather [hbm4b:s4+s23], $0x80, s3, s23, $0xb8;
	[tilespmem:$0x1C400] =	vst v63  }
0x2b: {  	_ =	swait.ge [sflag:s25], $0x4000  }
0x2c: {  	[sflag:s25] =	ssyncset.done $0x0  }
0x2d: {  	[sflag:s25] =	ssyncadd.s32 $0xFFFFC000  }
0x2e: {  	[spmem:s2] =	stream.indirect.scatter.add.f32 [tilespmem:s24], [sflag:$0x7], $0x80, s23, s23, $0xb8;
	[tilespmem:$0x1C400] =	vst v63  }
0x2f: {  	_ =	swait.ge [sflag:s26], $0x100  }
0x30: {  	[sflag:s26] =	ssyncset.done $0x0  }
0x31: {  	s12 =	rddreg [dreg:$0x8];
	[sflag:s26] =	ssyncadd.s32 $0xFFFFFF00  }
0x32: {  	[tilespmem:s28], [sflag:$0x4] =	stream.linear.gather [hbm4b:s12+s3], $0x100, $0x38;
	[tilespmem:$0x1C400] =	vst v63  }
0x33: {  	_ = 	snop  }
0x34: {  	[tilespmem:s29], [sflag:$0x6] =	stream.indirect.gather [hbm4b:s4+s23], $0x80, s20, s23, $0xb8;
	[tilespmem:$0x1C400] =	vst v63  }
0x35: {  	_ =	swait.ge [sflag:s30], $0x4000  }
0x36: {  	[sflag:s30] =	ssyncset.done $0x0  }
0x37: {  	[sflag:s30] =	ssyncadd.s32 $0xFFFFC000  }
0x38: {  	[spmem:s2] =	stream.indirect.scatter.add.f32 [tilespmem:s29], [sflag:$0x8], $0x80, s31, s23, $0xb8;
	[tilespmem:$0x1C400] =	vst v63  }
0x39: {  	_ =	swait.ge [sflag:s0], $0x100  }
0x3a: {  	[sflag:s0] =	ssyncset.done $0x0  }
0x3b: {  	[sflag:s0] =	ssyncadd.s32 $0xFFFFFF00  }
0x3c: {  	_ =	swait.ge [sflag:s1], $0x4000  }
0x3d: {  	[sflag:s1] =	ssyncset.done $0x0  }
0x3e: {  	s14 =	rddreg [dreg:$0x9];
	[sflag:s1] =	ssyncadd.s32 $0xFFFFC000  }
0x3f: {  	[tilespmem:s3], [sflag:$0x1] =	stream.linear.gather [hbm4b:s14+s3], $0x100, $0x38;
	[tilespmem:$0x1C400] =	vst v63  }
0x40: {  	_ = 	snop  }
0x41: {  	[tilespmem:s24], [sflag:$0x5] =	stream.indirect.gather [hbm4b:s4+s23], $0x80, s22, s23, $0xb8;
	[tilespmem:$0x1C400] =	vst v63  }
0x42: {  	_ =	swait.ge [sflag:s25], $0x4000  }
0x43: {  	[sflag:s25] =	ssyncset.done $0x0  }
0x44: {  	[sflag:s25] =	ssyncadd.s32 $0xFFFFC000  }
0x45: {  	[spmem:s2] =	stream.indirect.scatter.add.f32 [tilespmem:s24], [sflag:$0x7], $0x80, s5, s23, $0xb8;
	[tilespmem:$0x1C400] =	vst v63  }
0x46: {  	_ =	swait.ge [sflag:s8], $0x100  }
0x47: {  	[sflag:s8] =	ssyncset.done $0x0  }
0x48: {  	[sflag:s8] =	ssyncadd.s32 $0xFFFFFF00  }
0x49: {  	_ =	swait.ge [sflag:s9], $0x4000  }
0x4a: {  	[sflag:s9] =	ssyncset.done $0x0  }
0x4b: {  	s15 =	rddreg [dreg:$0xa];
	[sflag:s9] =	ssyncadd.s32 $0xFFFFC000  }
0x4c: {  	[tilespmem:s20], [sflag:$0x2] =	stream.linear.gather [hbm4b:s15+s3], $0x100, $0x38;
	[tilespmem:$0x1C400] =	vst v63  }
0x4d: {  	_ = 	snop  }
0x4e: {  	[tilespmem:s29], [sflag:$0x6] =	stream.indirect.gather [hbm4b:s4+s23], $0x80, s28, s23, $0xb8;
	[tilespmem:$0x1C400] =	vst v63  }
0x4f: {  	_ =	swait.ge [sflag:s30], $0x4000  }
0x50: {  	[sflag:s30] =	ssyncset.done $0x0  }
0x51: {  	[sflag:s30] =	ssyncadd.s32 $0xFFFFC000  }
0x52: {  	[spmem:s2] =	stream.indirect.scatter.add.f32 [tilespmem:s29], [sflag:$0x8], $0x80, s10, s23, $0xb8;
	[tilespmem:$0x1C400] =	vst v63  }
0x53: {  	_ =	swait.ge [sflag:s21], $0x100  }
0x54: {  	[sflag:s21] =	ssyncset.done $0x0  }
0x55: {  	[sflag:s21] =	ssyncadd.s32 $0xFFFFFF00  }
0x56: {  	_ =	swait.ge [sflag:s1], $0x4000  }
0x57: {  	[sflag:s1] =	ssyncset.done $0x0  }
0x58: {  	s12 =	sadd.s32 $0x0, s17;
	[sflag:s1] =	ssyncadd.s32 $0xFFFFC000  }
0x59: {  	[tilespmem:s22], [sflag:$0x3] =	stream.linear.gather [hbm4b:s12+s3], $0x100, $0x38;
	[tilespmem:$0x1C400] =	vst v63  }
0x5a: {  	_ = 	snop  }
0x5b: {  	[tilespmem:s24], [sflag:$0x5] =	stream.indirect.gather [hbm4b:s4+s23], $0x80, s3, s23, $0xb8;
	[tilespmem:$0x1C400] =	vst v63  }
0x5c: {  	_ =	swait.ge [sflag:s25], $0x4000  }
0x5d: {  	[sflag:s25] =	ssyncset.done $0x0  }
0x5e: {  	[sflag:s25] =	ssyncadd.s32 $0xFFFFC000  }
0x5f: {  	[spmem:s2] =	stream.indirect.scatter.add.f32 [tilespmem:s24], [sflag:$0x7], $0x80, s23, s23, $0xb8;
	[tilespmem:$0x1C400] =	vst v63  }
0x60: {  	_ =	swait.ge [sflag:s26], $0x100  }
0x61: {  	[sflag:s26] =	ssyncset.done $0x0  }
0x62: {  	[sflag:s26] =	ssyncadd.s32 $0xFFFFFF00  }
0x63: {  	_ =	swait.ge [sflag:s9], $0x4000  }
0x64: {  	s6 =	sadd.s32 $0x0, s13;
	[sflag:s9] =	ssyncset.done $0x0  }
0x65: {  	s14 =	sadd.s32 $0xE0, s6;
	[sflag:s9] =	ssyncadd.s32 $0xFFFFC000  }
0x66: {  	[tilespmem:s28], [sflag:$0x4] =	stream.linear.gather [hbm4b:s14+s3], $0x100, $0x38;
	[tilespmem:$0x1C400] =	vst v63  }
0x67: {  	_ = 	snop  }
0x68: {  	[tilespmem:s29], [sflag:$0x6] =	stream.indirect.gather [hbm4b:s4+s23], $0x80, s20, s23, $0xb8;
	[tilespmem:$0x1C400] =	vst v63  }
0x69: {  	_ =	swait.ge [sflag:s30], $0x4000  }
0x6a: {  	[sflag:s30] =	ssyncset.done $0x0  }
0x6b: {  	[sflag:s30] =	ssyncadd.s32 $0xFFFFC000  }
0x6c: {  	[spmem:s2] =	stream.indirect.scatter.add.f32 [tilespmem:s29], [sflag:$0x8], $0x80, s31, s23, $0xb8;
	[tilespmem:$0x1C400] =	vst v63  }
0x6d: {  	_ =	swait.ge [sflag:s0], $0x100  }
0x6e: {  	[sflag:s0] =	ssyncset.done $0x0  }
0x6f: {  	[sflag:s0] =	ssyncadd.s32 $0xFFFFFF00  }
0x70: {  	_ =	swait.ge [sflag:s1], $0x4000  }
0x71: {  	[sflag:s1] =	ssyncset.done $0x0  }
0x72: {  	s15 =	sadd.s32 $0x0, s16;
	[sflag:s1] =	ssyncadd.s32 $0xFFFFC000  }
0x73: {  	[tilespmem:s3], [sflag:$0x1] =	stream.linear.gather [hbm4b:s15+s3], $0x100, $0x38;
	[tilespmem:$0x1C400] =	vst v63  }
0x74: {  	_ = 	snop  }
0x75: {  	[tilespmem:s24], [sflag:$0x5] =	stream.indirect.gather [hbm4b:s4+s23], $0x80, s22, s23, $0xb8;
	[tilespmem:$0x1C400] =	vst v63  }
0x76: {  	_ =	swait.ge [sflag:s25], $0x4000  }
0x77: {  	[sflag:s25] =	ssyncset.done $0x0  }
0x78: {  	[sflag:s25] =	ssyncadd.s32 $0xFFFFC000  }
0x79: {  	[spmem:s2] =	stream.indirect.scatter.add.f32 [tilespmem:s24], [sflag:$0x7], $0x80, s5, s23, $0xb8;
	[tilespmem:$0x1C400] =	vst v63  }
0x7a: {  	_ =	swait.ge [sflag:s8], $0x100  }
0x7b: {  	[sflag:s8] =	ssyncset.done $0x0  }
0x7c: {  	[sflag:s8] =	ssyncadd.s32 $0xFFFFFF00  }
0x7d: {  	_ =	swait.ge [sflag:s9], $0x4000  }
0x7e: {  	[sflag:s9] =	ssyncset.done $0x0  }
0x7f: {  	s12 =	sadd.s32 $0x120, s6;
	[sflag:s9] =	ssyncadd.s32 $0xFFFFC000  }
0x80: {  	[tilespmem:s20], [sflag:$0x2] =	stream.linear.gather [hbm4b:s12+s3], $0x100, $0x38;
	[tilespmem:$0x1C400] =	vst v63  }
0x81: {  	_ = 	snop  }
0x82: {  	[tilespmem:s29], [sflag:$0x6] =	stream.indirect.gather [hbm4b:s4+s23], $0x80, s28, s23, $0xb8;
	[tilespmem:$0x1C400] =	vst v63  }
0x83: {  	_ =	swait.ge [sflag:s30], $0x4000  }
0x84: {  	[sflag:s30] =	ssyncset.done $0x0  }
0x85: {  	s12 =	simm.s32 $0x80;
	[sflag:s30] =	ssyncadd.s32 $0xFFFFC000  }
.LBB2_2:
0x86: {  	[spmem:s2] =	stream.indirect.scatter.add.f32 [tilespmem:s29], [sflag:$0x8], $0x80, s10, s23, $0xb8;
	[tilespmem:$0x1C400] =	vst v63  }
0x87: {  	s14 =	smov.u32 s12  }
0x88: {  	p0 =	sne.s32 s12, $0x900;
	s12 =	sadd.s32 $0x80, s12;
	_ =	swait.ge [sflag:s21], $0x100  }
0x89: {  	[sflag:s21] =	ssyncset.done $0x0  }
0x8a: {  	[sflag:s21] =	ssyncadd.s32 $0xFFFFFF00  }
0x8b: {  	_ =	swait.ge [sflag:s1], $0x4000  }
0x8c: {  	[sflag:s1] =	ssyncset.done $0x0  }
0x8d: {  	s15 =	sadd.s32 s14, s17;
	[sflag:s1] =	ssyncadd.s32 $0xFFFFC000  }
0x8e: {  	[tilespmem:s22], [sflag:$0x3] =	stream.linear.gather [hbm4b:s15+s3], $0x100, $0x38;
	[tilespmem:$0x1C400] =	vst v63  }
0x8f: {  	_ = 	snop  }
0x90: {  	[tilespmem:s24], [sflag:$0x5] =	stream.indirect.gather [hbm4b:s4+s23], $0x80, s3, s23, $0xb8;
	[tilespmem:$0x1C400] =	vst v63  }
0x91: {  	_ =	swait.ge [sflag:s25], $0x4000  }
0x92: {  	[sflag:s25] =	ssyncset.done $0x0  }
0x93: {  	[sflag:s25] =	ssyncadd.s32 $0xFFFFC000  }
0x94: {  	[spmem:s2] =	stream.indirect.scatter.add.f32 [tilespmem:s24], [sflag:$0x7], $0x80, s23, s23, $0xb8;
	[tilespmem:$0x1C400] =	vst v63  }
0x95: {  	_ =	swait.ge [sflag:s26], $0x100  }
0x96: {  	[sflag:s26] =	ssyncset.done $0x0  }
0x97: {  	[sflag:s26] =	ssyncadd.s32 $0xFFFFFF00  }
0x98: {  	_ =	swait.ge [sflag:s9], $0x4000  }
0x99: {  	s15 =	sadd.s32 s14, s13;
	[sflag:s9] =	ssyncset.done $0x0  }
0x9a: {  	s6 =	sadd.s32 $0xE0, s15;
	[sflag:s9] =	ssyncadd.s32 $0xFFFFC000  }
0x9b: {  	[tilespmem:s28], [sflag:$0x4] =	stream.linear.gather [hbm4b:s6+s3], $0x100, $0x38;
	[tilespmem:$0x1C400] =	vst v63  }
0x9c: {  	_ = 	snop  }
0x9d: {  	[tilespmem:s29], [sflag:$0x6] =	stream.indirect.gather [hbm4b:s4+s23], $0x80, s20, s23, $0xb8;
	[tilespmem:$0x1C400] =	vst v63  }
0x9e: {  	_ =	swait.ge [sflag:s30], $0x4000  }
0x9f: {  	[sflag:s30] =	ssyncset.done $0x0  }
0xa0: {  	[sflag:s30] =	ssyncadd.s32 $0xFFFFC000  }
0xa1: {  	[spmem:s2] =	stream.indirect.scatter.add.f32 [tilespmem:s29], [sflag:$0x8], $0x80, s31, s23, $0xb8;
	[tilespmem:$0x1C400] =	vst v63  }
0xa2: {  	_ =	swait.ge [sflag:s0], $0x100  }
0xa3: {  	[sflag:s0] =	ssyncset.done $0x0  }
0xa4: {  	[sflag:s0] =	ssyncadd.s32 $0xFFFFFF00  }
0xa5: {  	_ =	swait.ge [sflag:s1], $0x4000  }
0xa6: {  	[sflag:s1] =	ssyncset.done $0x0  }
0xa7: {  	s6 =	sadd.s32 s14, s16;
	[sflag:s1] =	ssyncadd.s32 $0xFFFFC000  }
0xa8: {  	[tilespmem:s3], [sflag:$0x1] =	stream.linear.gather [hbm4b:s6+s3], $0x100, $0x38;
	[tilespmem:$0x1C400] =	vst v63  }
0xa9: {  	_ = 	snop  }
0xaa: {  	[tilespmem:s24], [sflag:$0x5] =	stream.indirect.gather [hbm4b:s4+s23], $0x80, s22, s23, $0xb8;
	[tilespmem:$0x1C400] =	vst v63  }
0xab: {  	_ =	swait.ge [sflag:s25], $0x4000  }
0xac: {  	[sflag:s25] =	ssyncset.done $0x0  }
0xad: {  	[sflag:s25] =	ssyncadd.s32 $0xFFFFC000  }
0xae: {  	[spmem:s2] =	stream.indirect.scatter.add.f32 [tilespmem:s24], [sflag:$0x7], $0x80, s5, s23, $0xb8;
	[tilespmem:$0x1C400] =	vst v63  }
0xaf: {  	_ =	swait.ge [sflag:s8], $0x100  }
0xb0: {  	[sflag:s8] =	ssyncset.done $0x0  }
0xb1: {  	[sflag:s8] =	ssyncadd.s32 $0xFFFFFF00  }
0xb2: {  	_ =	swait.ge [sflag:s9], $0x4000  }
0xb3: {  	[sflag:s9] =	ssyncset.done $0x0  }
0xb4: {  	s6 =	sadd.s32 $0x120, s15;
	[sflag:s9] =	ssyncadd.s32 $0xFFFFC000  }
0xb5: {  	[tilespmem:s20], [sflag:$0x2] =	stream.linear.gather [hbm4b:s6+s3], $0x100, $0x38;
	[tilespmem:$0x1C400] =	vst v63  }
.Ltmp0:
0xb6: {  	(pc) =	sbr.rel @p0 .LBB2_2-.Ltmp0, $4  }
0xb7: {  	[tilespmem:s29], [sflag:$0x6] =	stream.indirect.gather [hbm4b:s4+s23], $0x80, s28, s23, $0xb8;
	[tilespmem:$0x1C400] =	vst v63  }
0xb8: {  	_ =	swait.ge [sflag:s30], $0x4000  }
0xb9: {  	[sflag:s30] =	ssyncset.done $0x0  }
0xba: {  	[sflag:s30] =	ssyncadd.s32 $0xFFFFC000  }
0xbb: {  	[spmem:s2] =	stream.indirect.scatter.add.f32 [tilespmem:s29], [sflag:$0x8], $0x80, s10, s23, $0xb8;
	[tilespmem:$0x1C400] =	vst v63  }
0xbc: {  	_ =	swait.ge [sflag:s1], $0x4000  }
0xbd: {  	[sflag:s1] =	ssyncset.done $0x0  }
0xbe: {  	[sflag:s1] =	ssyncadd.s32 $0xFFFFC000  }
0xbf: {  	_ =	swait.ge [sflag:s9], $0x4000  }
0xc0: {  	[sflag:s9] =	ssyncset.done $0x0  }
0xc1: {  	[sflag:s9] =	ssyncadd.s32 $0xFFFFC000  }
0xc2: {  	_ =	swait.ge [sflag:s21], $0x100  }
0xc3: {  	[sflag:s21] =	ssyncset.done $0x0  }
0xc4: {  	[sflag:s21] =	ssyncadd.s32 $0xFFFFFF00  }
0xc5: {  	_ =	swait.ge [sflag:s26], $0x100  }
0xc6: {  	[sflag:s26] =	ssyncset.done $0x0  }
0xc7: {  	[sflag:s26] =	ssyncadd.s32 $0xFFFFFF00  }
0xc8: {  	[bflag:$0x0] =	sbarrier.arrive $0xFFFF  }
0xc9: {  	s6 =	rddreg [dreg:$0xb]  }
0xca: {  	[hbm:s6], [sflag:s7] =	dma.local [spmem:s18], $0x2800  }
0xcb: {  	_ =	swait.ge [sflag:s19], $0x2800  }
0xcc: {  	s11 =	sadd.s32 $0x1, s11;
	s15 =	rddreg [dreg:$0xc]  }
0xcd: {  	p0 =	sne.s32 s11, s15  }
.Ltmp1:
0xce: {  	_ = 	snop;
	(pc) =	sbr.rel @p0 .LBB2_1-.Ltmp1, $3  }
0xcf: {  	_ =	sdelay $0x1  }
0xd0: {  	[sflag:s19] =	ssyncset.done $0x0  }
0xd1: {  	[sflag:s19] =	ssyncadd.s32 $0xFFFFD800  }
0xd2: {  	_ =	sfence.sel $0x180000  }
0xd3: {  	[bflag:$0x0] =	sbarrier.arrive $0xFFFF  }
0xd4: {  	_ =	strace $0x9000004A  }
0xd5: {  	s0 =	stileid.u32;
	[bflag:$0x2] =	sbarrier.arrive $0xFFFF  }
0xd6: {  	p0 =	sne.s32 s0, $0x0;
	s0 =	rddreg [dreg:$0x3]  }
0xd7: {  	s0 =	sadd.s32 @!p0 $0x100000, s0  }
0xd8: {  	[sflag:s0] =	ssyncadd.tile.s32 @!p0 $0x1;
	_ =	shalt  }
.Lfunc_end2:
_tile_overlayer_lowered:
.L_overlay_start_2:
0xd9: {  	(tag) =	ssettag $0x2  }
0xda: {  	s0 =	rddreg [dreg:$0x0];
	s2 =	stileid.u32  }
0xdb: {  	s1 =	rddreg [dreg:$0x1];
	p0 =	sne.s32 s2, $0x0  }
0xdc: {  	s3 =	rddreg [dreg:$0x2];
	[bflag:$0x3] =	sbarrier.arrive $0xFFFF;
	s2 =	simm.s32 @!p0 $0x1C09  }
0xdd: {  	[timem:s3], [sflag:s2] =	dma.local @!p0 [hbm:s0], s1  }
0xde: {  	s0 =	simm.s32 @!p0 $0x9  }
0xdf: {  	_ =	swait.ge @!p0 [sflag:s0], s1  }
0xe0: {  	s1 =	ssub.s32 @!p0 $0x0, s1;
	[sflag:s0] =	ssyncset.done @!p0 $0x0  }
0xe1: {  	[sflag:s0] =	ssyncadd.s32 @!p0 s1  }
0xe2: {  	[bflag:$0x3] =	sbarrier.arrive $0xFFFF  }
0xe3: {  	_ =	shalt  }

// kernel: kernel.14.cloned.1.call-start
scs
__scs_entry_jumppad:
0x0: {  	(pc) =	sbr.rel $0x88, $3  }
0x1: {  	(tag) =	ssettag $0x0;
	lr =	simm.s32 $0x1  }
0x2: {  	[smem:$0x3F99] =	sst lr;
	_ =	strace $0xD0000000  }
0x3: {  	_ = 	snop  }
0x4: {  	_ = 	snop  }
0x5: {  	_ = 	snop  }
0x6: {  	_ = 	snop  }
0x7: {  	_ = 	snop  }
__scs_overlays_trampoline_lowered:
0x8: {  	[smem:$0x3FA8] =	sst s0  }
0x9: {  	[smem:$0x3FA9] =	sst s1  }
0xa: {  	[smem:$0x3FAA] =	sst s2  }
0xb: {  	[smem:$0x3FAB] =	sst s3  }
0xc: {  	[smem:$0x3FAC] =	sst s4  }
0xd: {  	[smem:$0x3FAD] =	sst s5  }
0xe: {  	[smem:$0x3FAE] =	sst s6  }
0xf: {  	[smem:$0x3FAF] =	sst s7  }
0x10: {  	[smem:$0x3FB0] =	sst s8  }
0x11: {  	[smem:$0x3FB1] =	sst s9;
	s0 =	simm.s32 @!p0 $0x0  }
0x12: {  	s1 =	sld [smem:$0x3F97];
	s0 =	simm.s32 @p0 $0x1  }
0x13: {  	[smem:$0x3FB2] =	sst s0;
	s0 =	simm.s32 @!p1 $0x0  }
0x14: {  	s2 =	sld [smem:$0x3F96];
	s0 =	simm.s32 @p1 $0x1  }
0x15: {  	[smem:$0x3FB3] =	sst s0;
	s0 =	simm.s32 @!p2 $0x0  }
0x16: {  	s3 =	sld [smem:$0x3FDB];
	s0 =	simm.s32 @p2 $0x1  }
0x17: {  	s4 =	simm.s32 $0x1BF5;
	[smem:$0x3FB5] =	sst s0  }
0x18: {  	s0 =	sld [smem:$0x3F98];
	_ =	swait.ge [sflag:s4], $0x0  }
0x19: {  	s7 =	sld [smem:$0x3F99]  }
0x1a: {  	s8 =	sadd.s32 $0xFFFFE003, lr  }
0x1b: {  	s9 =	sadd.s32 $0xFFFFFEF7, lr;
	s5 =	simm.s32 $0xFFFFFFFF;
	p2 =	slt.u32 s8, $0xFFFFF086  }
0x1c: {  	p1 =	slt.u32 s9, $0xF7A;
	s5 =	simm.s32 @!p2 $0x0  }
0x1d: {  	s5 =	simm.s32 @p1 $0x1;
	p0 =	seq.s32 s7, s2  }
0x1e: {  	s7 =	smul.u32 @!p0 $0xF7A, s2;
	p2 =	seq.s32 @!p0 s5, $0x0  }
0x1f: {  	s9 =	smul.u32 $0xF7A, s1;
	s8 =	simm.s32 @!p0 $0x1BF5;
	p2 =	por !p2, p0  }
0x20: {  	[sflag:s8] =	ssyncset.s32 @!p0 $0xFFFFF086;
	s6 =	sadd.s32 @!p0 s3, s7;
	s7 =	simm.s32 @!p0 $0x108  }
0x21: {  	s3 =	sadd.s32 s3, s9;
	s6 =	sadd.s32 @!p0 $0x88, s6;
	s7 =	simm.s32 @p2 $0x1082  }
0x22: {  	[simem:s7], [sflag:s8] =	dma.local @!p0 [hbm:s6], $0xF7A  }
0x23: {  	s9 =	sor.u32 $0xD0000000, s2;
	s6 =	simm.s32 $0x108;
	_ =	swait.ge @!p0 [sflag:s8], $0x0  }
0x24: {  	s3 =	sadd.s32 $0x88, s3;
	s6 =	simm.s32 @!p1 $0x1082;
	[sflag:s4] =	ssyncset.s32 $0xFFFFF086  }
0x25: {  	[simem:s6], [sflag:s4] =	dma.local [hbm:s3], $0xF7A  }
0x26: {  	[smem:$0x3F99] =	sst s1;
	(tag) =	ssettag s2;
	_ =	strace s9  }
0x27: {  	s1 =	sld [smem:$0x3FA9]  }
0x28: {  	s2 =	sld [smem:$0x3FAA]  }
0x29: {  	s4 =	sld [smem:$0x3FAC]  }
0x2a: {  	p0 =	seq.s32 s5, $0x0;
	s5 =	sld [smem:$0x3FAD]  }
0x2b: {  	s6 =	sld [smem:$0x3FAE]  }
0x2c: {  	s7 =	sld [smem:$0x3FAF]  }
0x2d: {  	s3 =	simm.s32 $0x108;
	s8 =	sld [smem:$0x3FB0]  }
0x2e: {  	s3 =	simm.s32 @!p0 $0x1082;
	s9 =	sld [smem:$0x3FB1]  }
0x2f: {  	lr =	sadd.s32 s0, s3;
	s0 =	sld [smem:$0x3FA8]  }
0x30: {  	s3 =	sld [smem:$0x3FAB]  }
0x31: {  	[smem:$0x3FB4] =	sst s10  }
0x32: {  	s10 =	sld [smem:$0x3FB2];
	_ =	sdelay $0x3  }
0x33: {  	p0 =	seq.s32 s10, $0x1;
	s10 =	sld [smem:$0x3FB4];
	_ =	sdelay $0x3  }
0x34: {  	[smem:$0x3FB4] =	sst s10  }
0x35: {  	s10 =	sld [smem:$0x3FB3];
	_ =	sdelay $0x3  }
0x36: {  	p1 =	seq.s32 s10, $0x1;
	s10 =	sld [smem:$0x3FB4];
	_ =	sdelay $0x3  }
0x37: {  	[smem:$0x3FB4] =	sst s10  }
0x38: {  	s10 =	sld [smem:$0x3FB5]  }
0x39: {  	_ = 	snop;
	(pc) =	sbr.ind lr, $3  }
0x3a: {  	_ = 	snop  }
0x3b: {  	_ = 	snop  }
0x3c: {  	p2 =	seq.s32 s10, $0x1;
	s10 =	sld [smem:$0x3FB4]  }
0x3d: {  	_ =	shalt  }
0x3e: {  	_ =	shalt  }
0x3f: {  	_ =	shalt  }
0x40: {  	_ =	shalt  }
0x41: {  	_ =	shalt  }
0x42: {  	_ =	shalt  }
0x43: {  	_ =	shalt  }
0x44: {  	_ =	shalt  }
0x45: {  	_ =	shalt  }
0x46: {  	_ =	shalt  }
0x47: {  	_ =	shalt  }
0x48: {  	_ =	shalt  }
0x49: {  	_ =	shalt  }
0x4a: {  	_ =	shalt  }
0x4b: {  	_ =	shalt  }
0x4c: {  	_ =	shalt  }
0x4d: {  	_ =	shalt  }
0x4e: {  	_ =	shalt  }
0x4f: {  	_ =	shalt  }
0x50: {  	_ =	shalt  }
0x51: {  	_ =	shalt  }
0x52: {  	_ =	shalt  }
0x53: {  	_ =	shalt  }
0x54: {  	_ =	shalt  }
0x55: {  	_ =	shalt  }
0x56: {  	_ =	shalt  }
0x57: {  	_ =	shalt  }
0x58: {  	_ =	shalt  }
0x59: {  	_ =	shalt  }
0x5a: {  	_ =	shalt  }
0x5b: {  	_ =	shalt  }
0x5c: {  	_ =	shalt  }
0x5d: {  	_ =	shalt  }
0x5e: {  	_ =	shalt  }
0x5f: {  	_ =	shalt  }
0x60: {  	_ =	shalt  }
0x61: {  	_ =	shalt  }
0x62: {  	_ =	shalt  }
0x63: {  	_ =	shalt  }
0x64: {  	_ =	shalt  }
0x65: {  	_ =	shalt  }
0x66: {  	_ =	shalt  }
0x67: {  	_ =	shalt  }
0x68: {  	_ =	shalt  }
0x69: {  	_ =	shalt  }
0x6a: {  	_ =	shalt  }
0x6b: {  	_ =	shalt  }
0x6c: {  	_ =	shalt  }
0x6d: {  	_ =	shalt  }
0x6e: {  	_ =	shalt  }
0x6f: {  	_ =	shalt  }
0x70: {  	_ =	shalt  }
0x71: {  	_ =	shalt  }
0x72: {  	_ =	shalt  }
0x73: {  	_ =	shalt  }
0x74: {  	_ =	shalt  }
0x75: {  	_ =	shalt  }
0x76: {  	_ =	shalt  }
0x77: {  	_ =	shalt  }
0x78: {  	_ =	shalt  }
0x79: {  	_ =	shalt  }
0x7a: {  	_ =	shalt  }
0x7b: {  	_ =	shalt  }
0x7c: {  	_ =	shalt  }
0x7d: {  	_ =	shalt  }
0x7e: {  	_ =	shalt  }
0x7f: {  	_ =	shalt  }
0x80: {  	_ =	shalt  }
0x81: {  	_ =	shalt  }
0x82: {  	_ =	shalt  }
0x83: {  	_ =	shalt  }
0x84: {  	_ =	shalt  }
0x85: {  	_ =	shalt  }
0x86: {  	_ =	shalt  }
0x87: {  	_ =	shalt  }
.Lfunc_end0:
.L_simem_size_0:
called_computation.2_lowered:
.L_overlay_start_0:
0x88: {  	s2 =	sld [smem:$0x3FD9]  }
0x89: {  	s3 =	sld [smem:$0x3FFE];
	_ =	sdelay $0x1  }
0x8a: {  	s1 =	srdreg.scid  }
0x8b: {  	s0 =	sand.u32 $0x1, s1  }
0x8c: {  	s14 =	sshll.u32 s0, $0xA;
	s2 =	sadd.s32 s3, s2  }
0x8d: {  	s2 =	sadd.s32 s2, s14  }
0x8e: {  	[smem:$0x3FC0] =	sst s2  }
0x8f: {  	_ = 	snop  }
0x90: {  	s2 =	sld [smem:$0x3FD0];
	_ =	sdelay $0x2  }
0x91: {  	s15 =	simm.s32 $0xA;
	s4 =	simm.s32 $0x10  }
0x92: {  	[smem:s4], [sflag:s15] =	dma.local [hbm:s2], $0x1  }
0x93: {  	_ =	swait.eq [sflag:s15], $0x1  }
0x94: {  	[sflag:s15] =	ssyncset.done $0x0  }
0x95: {  	[sflag:s15] =	ssyncadd.s32 $0xFFFFFFFF  }
0x96: {  	s16 =	sld [smem:$0x11];
	(tm) =	ssettm $0x1  }
0x97: {  	s17 =	sld [smem:$0x3FFB];
	_ =	sdelay $0x3  }
0x98: {  	_ =	strace s17  }
0x99: {  	s3 =	sld [smem:$0x3FFC];
	_ =	sdelay $0x3  }
0x9a: {  	_ =	strace s3  }
0x9b: {  	s3 =	sld [smem:$0x3FFD];
	_ =	sdelay $0x3  }
0x9c: {  	_ =	strace s3  }
0x9d: {  	_ =	strace $0x8FFFFFFF  }
0x9e: {  	s18 =	sld [smem:$0x3FDB];
	_ =	sdelay $0x1  }
0x9f: {  	s19 =	simm.s32 $_scs_section_size  }
0xa0: {  	s5 =	simm.s32 $_size__tile_overlayer_lowered;
	s6 =	simm.s32 $_tile_overlayer_lowered  }
0xa1: {  	s22 =	simm.s32 $0x1BFF;
	s21 =	sshll.u32 s6, $0x1;
	s3 =	sadd.s32 s19, s18  }
0xa2: {  	s7 =	simm.s32 $0x0;
	s20 =	sshll.u32 s5, $0x1;
	s5 =	sadd.s32 s21, s3  }
0xa3: {  	[timem:s7], [sflag:s22] =	dma.local [hbm:s5], s20  }
0xa4: {  	_ =	swait.ge [sflag:s22], s20  }
0xa5: {  	s4 =	ssub.s32 $0x0, s20;
	[sflag:s22] =	ssyncset.done $0x0  }
0xa6: {  	[sflag:s22] =	ssyncadd.s32 s4;
	_ =	sdelay $0x1  }
0xa7: {  	s23 =	simm.s32 $0x1B8B  }
0xa8: {  	_ =	swait.ge [sflag:s23], $0x1  }
0xa9: {  	[sflag:s23] =	ssyncset.done $0x0  }
0xaa: {  	s25 =	simm.s32 $0x1B8E;
	s24 =	sld [smem:$0x3FFE];
	[sflag:s23] =	ssyncadd.s32 $0xFFFFFFFF  }
0xab: {  	s26 =	simm.s32 $execute0_lowered;
	[smem:$0x3FD2] =	sst s25  }
0xac: {  	s5 =	sshll.u32 s26, $0x1;
	_ =	strace $0x8000004C;
	[dreg:$0x1] =	wrdreg $0xFFFFFFFF  }
0xad: {  	s28 =	simm.s32 $_size_execute0_lowered;
	s3 =	sadd.s32 s3, s5;
	[dreg:$0x0] =	wrdreg $0x0  }
0xae: {  	s5 =	sshll.u32 s28, $0x1;
	[dreg:$0x2] =	wrdreg s3  }
0xaf: {  	[dreg:$0x3] =	wrdreg s5  }
0xb0: {  	[dreg:$0x4] =	wrdreg $0xC0  }
0xb1: {  	_ =	task [dreg:s7], $0x5FFFF  }
0xb2: {  	[dreg:$0x1] =	wrdreg $0xFFFFFFFF  }
0xb3: {  	[dreg:$0x0] =	wrdreg $0x60  }
0xb4: {  	[dreg:$0x2] =	wrdreg s16  }
0xb5: {  	[dreg:$0x3] =	wrdreg s24  }
0xb6: {  	[dreg:$0x4] =	wrdreg $0x84000  }
0xb7: {  	[dreg:$0x5] =	wrdreg $0x9  }
0xb8: {  	_ =	task.clear_ibuf [dreg:s7], $0x6FFFF;
	_ =	strace $0x9000004C  }
0xb9: {  	s29 =	simm.s32 $0x9;
	_ =	strace $0x8000004E  }
0xba: {  	_ =	swait.ge [sflag:s29], $0x1  }
0xbb: {  	[sflag:s29] =	ssyncadd.s32 $0xFFFFFFFF  }
0xbc: {  	_ =	strace $0x9000004E  }
0xbd: {  	_ =	sfence  }
0xbe: {  	s30 =	sld [smem:$0x0];
	_ =	sdelay $0x2  }
0xbf: {  	s31 =	sshll.u32 s1, $0xD;
	s1 =	sshrl.u32 s1, $0x2  }
0xc0: {  	s3 =	sand.u32 $0x4000, s31;
	s1 =	sadd.s32 s1, s30  }
0xc1: {  	s0 =	sor.u32 s3, s0;
	s1 =	sshll.u32 s1, $0x11  }
0xc2: {  	s0 =	sor.u32 s1, s0  }
0xc3: {  	s0 =	sadd.s32 $0x8F2B, s0  }
0xc4: {  	[sflag:s0] =	ssyncadd.remote.s32 $0x1  }
0xc5: {  	_ =	sfence.sel $0xFFFF  }
0xc6: {  	[dreg:$0x0] =	wrdreg $0xFFFFFFFF;
	(pc) =	sbr.abs _section_cstart, $3  }
0xc7: {  	[dreg:$0x1] =	wrdreg $0xFFFFFFFF  }
0xc8: {  	_ =	task.clear_ibuf [dreg:s7], $0x2FFFF;
	_ =	strace $0x9FFFFFFF  }
0xc9: {  	(tm) =	ssettm $0x7FFFFFFF  }
tec
execute0_lowered:
.L_overlay_start_1:
0x0: {  	(tag) =	ssettag $0x1  }
0x1: {  	s0 =	rddreg [dreg:$0x0]  }
0x2: {  	s1 =	rddreg [dreg:$0x1]  }
0x3: {  	s2 =	rddreg [dreg:$0x2];
	s12 =	stileid.u32  }
0x4: {  	s4 =	srdreg.scid;
	s3 =	simm.s32 $0x0;
	s28 =	simm.s32 $0x6  }
0x5: {  	s29 =	simm.s32 $0x180;
	s30 =	simm.s32 $0x3;
	s6 =	smul.u32 $0x14000, s12  }
0x6: {  	s31 =	simm.s32 $0x7;
	s8 =	sand.u32 $0x1, s4;
	s10 =	smul.u32 $0x50000, s12  }
0x7: {  	[smem:$0x7FF] =	sst s3;
	s4 =	sadd.s32 $0x2C600, s1;
	s20 =	smul.u32 $0x1400, s12  }
0x8: {  	s5 =	sadd.s32 $0x54600, s1;
	s22 =	sshll.u32 s12, $0x6;
	s7 =	smul.u32 $0x140000, s8  }
0x9: {  	_ =	strace $0x8000004D;
	s17 =	ssub.s32 $0x2, s8;
	p0 =	seq.s32 s8, $0x1  }
0xa: {  	s9 =	sshrl.u32 s6, $0x3;
	s18 =	sshrl.u32 s17, $0x1;
	s19 =	sshrl.u32 s10, $0x2  }
0xb: {  	s8 =	sadd.s32 s0, s20;
	s20 =	simm.s32 $0x200;
	s10 =	simm.s32 $0x0  }
0xc: {  	s6 =	sadd.s32 s6, s7;
	s9 =	sadd.s32 s9, s1;
	s0 =	sadd.s32 $0x20, s8  }
0xd: {  	s11 =	sadd.s32 s19, s2;
	s23 =	sadd.s32 $0x40, s8;
	[dreg:$0x5] =	wrdreg s0  }
0xe: {  	s7 =	sor.u32 $0x1C09, s22;
	s24 =	sadd.s32 $0x60, s8;
	[dreg:$0x6] =	wrdreg s23  }
0xf: {  	s25 =	sadd.s32 $0x80, s8;
	s26 =	sadd.s32 $0xA0, s8;
	[dreg:$0x7] =	wrdreg s24  }
0x10: {  	s19 =	simm.s32 $0x1;
	s22 =	simm.s32 $0x400;
	[dreg:$0x8] =	wrdreg s25  }
0x11: {  	s6 =	sshrl.u32 s6, $0x3;
	s21 =	sadd.s32 $0x4600, s9;
	[dreg:$0x9] =	wrdreg s26  }
0x12: {  	s16 =	sshrl.u32 s11, $0x3;
	s23 =	simm.s32 $0x5;
	s24 =	simm.s32 $0x2  }
.Ltmp0:
0x13: {  	s25 =	simm.s32 $0x300;
	s26 =	simm.s32 $0x4400;
	(pc) =	sbr.rel .LBB2_1-.Ltmp0, $4  }
0x14: {  	s0 =	simm.s32 $0x280;
	s9 =	simm.s32 $0x380;
	s1 =	sadd.s32 s6, s1  }
0x15: {  	s6 =	ssub.s32 s17, s18;
	[dreg:$0x4] =	wrdreg s21;
	s17 =	simm.s32 $0x9  }
0x16: {  	s18 =	simm.s32 $0x100;
	s21 =	simm.s32 $0x80;
	s14 =	sadd.s32 $0x7C600, s1  }
0x17: {  	s15 =	smax.u32 s6, $0x1;
	s1 =	simm.s32 $0x4;
	s6 =	simm.s32 $0x8  }
.LBB2_7:
0x18: {  	[spmem:s2] =	stream.indirect.scatter.add.f32 [tilespmem:s26], [sflag:$0x8], $0x80, s9, s21, $0xb8;
	[tilespmem:$0x1C400] =	vst v63  }
.LBB2_8:
0x19: {  	_ =	swait.ge [sflag:s31], $0x4000  }
0x1a: {  	[sflag:s31] =	ssyncset.done $0x0  }
0x1b: {  	[sflag:s31] =	ssyncadd.s32 $0xFFFFC000  }
0x1c: {  	_ =	swait.ge [sflag:s6], $0x4000  }
0x1d: {  	[sflag:s6] =	ssyncset.done $0x0  }
0x1e: {  	[sflag:s6] =	ssyncadd.s32 $0xFFFFC000  }
0x1f: {  	_ =	swait.ge [sflag:s19], $0x100  }
0x20: {  	[sflag:s19] =	ssyncset.done $0x0  }
0x21: {  	[sflag:s19] =	ssyncadd.s32 $0xFFFFFF00  }
0x22: {  	_ =	swait.ge [sflag:s24], $0x100  }
0x23: {  	s10 =	sadd.s32 $0x1, s10;
	[sflag:s24] =	ssyncset.done $0x0  }
0x24: {  	p1 =	sne.s32 s10, s15;
	[sflag:s24] =	ssyncadd.s32 $0xFFFFFF00  }
.Ltmp1:
0x25: {  	[bflag:$0x0] =	sbarrier.arrive $0xFFFF;
	(pc) =	sbr.rel @!p1 .LBB2_9-.Ltmp1, $4  }
0x26: {  	[hbm:s14], [sflag:s7] =	dma.local [spmem:s16], $0x2800  }
0x27: {  	_ =	swait.ge [sflag:s17], $0x2800  }
0x28: {  	[sflag:s17] =	ssyncset.done $0x0  }
0x29: {  	[sflag:s17] =	ssyncadd.s32 $0xFFFFD800  }
.LBB2_1:
0x2a: {  	s11 =	rddreg [dreg:$0x4]  }
0x2b: {  	[spmem:s16], [sflag:s7] =	dma.local [hbm:s11], $0x2800  }
0x2c: {  	_ =	swait.ge [sflag:s17], $0x2800  }
0x2d: {  	[sflag:s17] =	ssyncset.done $0x0  }
0x2e: {  	[sflag:s17] =	ssyncadd.s32 $0xFFFFD800  }
0x2f: {  	[bflag:$0x0] =	sbarrier.arrive $0xFFFF  }
0x30: {  	[tilespmem:s3], [sflag:$0x1] =	stream.linear.gather [hbm4b:s8+s3], $0x100, $0x38;
	[tilespmem:$0x1C400] =	vst v63  }
0x31: {  	s12 =	rddreg [dreg:$0x5]  }
0x32: {  	[tilespmem:s18], [sflag:$0x2] =	stream.linear.gather [hbm4b:s12+s3], $0x100, $0x38;
	[tilespmem:$0x1C400] =	vst v63  }
.Ltmp2:
0x33: {  	_ = 	snop;
	(pc) =	sbr.rel @!p0 .LBB2_2-.Ltmp2, $4  }
0x34: {  	_ =	swait.ge [sflag:s19], $0x100  }
0x35: {  	[sflag:s19] =	ssyncset.done $0x0  }
0x36: {  	s13 =	rddreg [dreg:$0x6];
	[sflag:s19] =	ssyncadd.s32 $0xFFFFFF00  }
0x37: {  	[tilespmem:s20], [sflag:$0x3] =	stream.linear.gather [hbm4b:s13+s3], $0x100, $0x38;
	[tilespmem:$0x1C400] =	vst v63  }
0x38: {  	[tilespmem:s22], [sflag:$0x5] =	stream.indirect.gather [hbm4b:s5+s21], $0x80, s3, s21, $0xb8;
	[tilespmem:$0x1C400] =	vst v63  }
0x39: {  	_ =	swait.ge [sflag:s23], $0x4000  }
0x3a: {  	[sflag:s23] =	ssyncset.done $0x0  }
0x3b: {  	[sflag:s23] =	ssyncadd.s32 $0xFFFFC000  }
0x3c: {  	[spmem:s2] =	stream.indirect.scatter.add.f32 [tilespmem:s22], [sflag:$0x7], $0x80, s21, s21, $0xb8;
	[tilespmem:$0x1C400] =	vst v63  }
0x3d: {  	_ =	swait.ge [sflag:s24], $0x100  }
0x3e: {  	[sflag:s24] =	ssyncset.done $0x0  }
0x3f: {  	s11 =	rddreg [dreg:$0x7];
	[sflag:s24] =	ssyncadd.s32 $0xFFFFFF00  }
0x40: {  	[tilespmem:s25], [sflag:$0x4] =	stream.linear.gather [hbm4b:s11+s3], $0x100, $0x38;
	[tilespmem:$0x1C400] =	vst v63  }
0x41: {  	_ = 	snop  }
0x42: {  	[tilespmem:s26], [sflag:$0x6] =	stream.indirect.gather [hbm4b:s5+s21], $0x80, s18, s21, $0xb8;
	[tilespmem:$0x1C400] =	vst v63  }
0x43: {  	_ =	swait.ge [sflag:s28], $0x4000  }
0x44: {  	[sflag:s28] =	ssyncset.done $0x0  }
0x45: {  	[sflag:s28] =	ssyncadd.s32 $0xFFFFC000  }
0x46: {  	[spmem:s2] =	stream.indirect.scatter.add.f32 [tilespmem:s26], [sflag:$0x8], $0x80, s29, s21, $0xb8;
	[tilespmem:$0x1C400] =	vst v63  }
0x47: {  	_ =	swait.ge [sflag:s30], $0x100  }
0x48: {  	[sflag:s30] =	ssyncset.done $0x0  }
0x49: {  	[sflag:s30] =	ssyncadd.s32 $0xFFFFFF00  }
0x4a: {  	_ =	swait.ge [sflag:s31], $0x4000  }
0x4b: {  	[sflag:s31] =	ssyncset.done $0x0  }
0x4c: {  	s13 =	rddreg [dreg:$0x8];
	[sflag:s31] =	ssyncadd.s32 $0xFFFFC000  }
0x4d: {  	[tilespmem:s3], [sflag:$0x1] =	stream.linear.gather [hbm4b:s13+s3], $0x100, $0x38;
	[tilespmem:$0x1C400] =	vst v63  }
0x4e: {  	_ = 	snop  }
0x4f: {  	[tilespmem:s22], [sflag:$0x5] =	stream.indirect.gather [hbm4b:s5+s21], $0x80, s20, s21, $0xb8;
	[tilespmem:$0x1C400] =	vst v63  }
0x50: {  	_ =	swait.ge [sflag:s23], $0x4000  }
0x51: {  	[sflag:s23] =	ssyncset.done $0x0  }
0x52: {  	[sflag:s23] =	ssyncadd.s32 $0xFFFFC000  }
0x53: {  	[spmem:s2] =	stream.indirect.scatter.add.f32 [tilespmem:s22], [sflag:$0x7], $0x80, s0, s21, $0xb8;
	[tilespmem:$0x1C400] =	vst v63  }
0x54: {  	_ =	swait.ge [sflag:s1], $0x100  }
0x55: {  	[sflag:s1] =	ssyncset.done $0x0  }
0x56: {  	[sflag:s1] =	ssyncadd.s32 $0xFFFFFF00  }
0x57: {  	_ =	swait.ge [sflag:s6], $0x4000  }
0x58: {  	[sflag:s6] =	ssyncset.done $0x0  }
0x59: {  	s12 =	rddreg [dreg:$0x9];
	[sflag:s6] =	ssyncadd.s32 $0xFFFFC000  }
0x5a: {  	[tilespmem:s18], [sflag:$0x2] =	stream.linear.gather [hbm4b:s12+s3], $0x100, $0x38;
	[tilespmem:$0x1C400] =	vst v63  }
0x5b: {  	_ = 	snop  }
0x5c: {  	[tilespmem:s26], [sflag:$0x6] =	stream.indirect.gather [hbm4b:s5+s21], $0x80, s25, s21, $0xb8;
	[tilespmem:$0x1C400] =	vst v63  }
0x5d: {  	_ =	swait.ge [sflag:s28], $0x4000  }
0x5e: {  	[sflag:s28] =	ssyncset.done $0x0  }
0x5f: {  	[sflag:s28] =	ssyncadd.s32 $0xFFFFC000  }
0x60: {  	[spmem:s2] =	stream.indirect.scatter.add.f32 [tilespmem:s26], [sflag:$0x8], $0x80, s9, s21, $0xb8;
	[tilespmem:$0x1C400] =	vst v63  }
0x61: {  	_ =	swait.ge [sflag:s19], $0x100  }
0x62: {  	[sflag:s19] =	ssyncset.done $0x0  }
0x63: {  	[sflag:s19] =	ssyncadd.s32 $0xFFFFFF00  }
0x64: {  	_ =	swait.ge [sflag:s31], $0x4000  }
0x65: {  	s11 =	sadd.s32 $0xFFFFEC80, s8;
	[sflag:s31] =	ssyncset.done $0x0  }
0x66: {  	s12 =	sadd.s32 $0x1440, s11;
	[sflag:s31] =	ssyncadd.s32 $0xFFFFC000  }
0x67: {  	[tilespmem:s20], [sflag:$0x3] =	stream.linear.gather [hbm4b:s12+s3], $0x100, $0x38;
	[tilespmem:$0x1C400] =	vst v63  }
0x68: {  	_ = 	snop  }
0x69: {  	[tilespmem:s22], [sflag:$0x5] =	stream.indirect.gather [hbm4b:s5+s21], $0x80, s3, s21, $0xb8;
	[tilespmem:$0x1C400] =	vst v63  }
0x6a: {  	_ =	swait.ge [sflag:s23], $0x4000  }
0x6b: {  	[sflag:s23] =	ssyncset.done $0x0  }
0x6c: {  	[sflag:s23] =	ssyncadd.s32 $0xFFFFC000  }
0x6d: {  	[spmem:s2] =	stream.indirect.scatter.add.f32 [tilespmem:s22], [sflag:$0x7], $0x80, s21, s21, $0xb8;
	[tilespmem:$0x1C400] =	vst v63  }
0x6e: {  	_ =	swait.ge [sflag:s24], $0x100  }
0x6f: {  	[sflag:s24] =	ssyncset.done $0x0  }
0x70: {  	[sflag:s24] =	ssyncadd.s32 $0xFFFFFF00  }
0x71: {  	_ =	swait.ge [sflag:s6], $0x4000  }
0x72: {  	[sflag:s6] =	ssyncset.done $0x0  }
0x73: {  	s13 =	sadd.s32 $0x1460, s11;
	[sflag:s6] =	ssyncadd.s32 $0xFFFFC000  }
0x74: {  	[tilespmem:s25], [sflag:$0x4] =	stream.linear.gather [hbm4b:s13+s3], $0x100, $0x38;
	[tilespmem:$0x1C400] =	vst v63  }
0x75: {  	_ = 	snop  }
0x76: {  	[tilespmem:s26], [sflag:$0x6] =	stream.indirect.gather [hbm4b:s5+s21], $0x80, s18, s21, $0xb8;
	[tilespmem:$0x1C400] =	vst v63  }
0x77: {  	_ =	swait.ge [sflag:s28], $0x4000  }
0x78: {  	[sflag:s28] =	ssyncset.done $0x0  }
0x79: {  	[sflag:s28] =	ssyncadd.s32 $0xFFFFC000  }
0x7a: {  	[spmem:s2] =	stream.indirect.scatter.add.f32 [tilespmem:s26], [sflag:$0x8], $0x80, s29, s21, $0xb8;
	[tilespmem:$0x1C400] =	vst v63  }
0x7b: {  	_ =	swait.ge [sflag:s30], $0x100  }
0x7c: {  	[sflag:s30] =	ssyncset.done $0x0  }
0x7d: {  	[sflag:s30] =	ssyncadd.s32 $0xFFFFFF00  }
0x7e: {  	_ =	swait.ge [sflag:s31], $0x4000  }
0x7f: {  	[sflag:s31] =	ssyncset.done $0x0  }
0x80: {  	s13 =	sadd.s32 $0x1480, s11;
	[sflag:s31] =	ssyncadd.s32 $0xFFFFC000  }
0x81: {  	[tilespmem:s3], [sflag:$0x1] =	stream.linear.gather [hbm4b:s13+s3], $0x100, $0x38;
	[tilespmem:$0x1C400] =	vst v63  }
0x82: {  	_ = 	snop  }
0x83: {  	[tilespmem:s22], [sflag:$0x5] =	stream.indirect.gather [hbm4b:s5+s21], $0x80, s20, s21, $0xb8;
	[tilespmem:$0x1C400] =	vst v63  }
0x84: {  	_ =	swait.ge [sflag:s23], $0x4000  }
0x85: {  	[sflag:s23] =	ssyncset.done $0x0  }
0x86: {  	[sflag:s23] =	ssyncadd.s32 $0xFFFFC000  }
0x87: {  	[spmem:s2] =	stream.indirect.scatter.add.f32 [tilespmem:s22], [sflag:$0x7], $0x80, s0, s21, $0xb8;
	[tilespmem:$0x1C400] =	vst v63  }
0x88: {  	_ =	swait.ge [sflag:s1], $0x100  }
0x89: {  	[sflag:s1] =	ssyncset.done $0x0  }
0x8a: {  	[sflag:s1] =	ssyncadd.s32 $0xFFFFFF00  }
0x8b: {  	_ =	swait.ge [sflag:s6], $0x4000  }
0x8c: {  	[sflag:s6] =	ssyncset.done $0x0  }
0x8d: {  	s11 =	sadd.s32 $0x14A0, s11;
	[sflag:s6] =	ssyncadd.s32 $0xFFFFC000  }
0x8e: {  	[tilespmem:s18], [sflag:$0x2] =	stream.linear.gather [hbm4b:s11+s3], $0x100, $0x38;
	[tilespmem:$0x1C400] =	vst v63  }
0x8f: {  	_ = 	snop  }
0x90: {  	[tilespmem:s26], [sflag:$0x6] =	stream.indirect.gather [hbm4b:s5+s21], $0x80, s25, s21, $0xb8;
	[tilespmem:$0x1C400] =	vst v63  }
0x91: {  	_ =	swait.ge [sflag:s28], $0x4000  }
0x92: {  	[sflag:s28] =	ssyncset.done $0x0  }
0x93: {  	s11 =	simm.s32 $0xFFFFED00;
	[sflag:s28] =	ssyncadd.s32 $0xFFFFC000  }
.LBB2_6:
0x94: {  	[spmem:s2] =	stream.indirect.scatter.add.f32 [tilespmem:s26], [sflag:$0x8], $0x80, s9, s21, $0xb8;
	[tilespmem:$0x1C400] =	vst v63  }
0x95: {  	s12 =	smov.u32 s11  }
0x96: {  	p1 =	sne.s32 s11, $0xFFFFFF80;
	s11 =	sadd.s32 $0x80, s11;
	_ =	swait.ge [sflag:s19], $0x100  }
0x97: {  	[sflag:s19] =	ssyncset.done $0x0  }
0x98: {  	[sflag:s19] =	ssyncadd.s32 $0xFFFFFF00  }
0x99: {  	_ =	swait.ge [sflag:s31], $0x4000  }
0x9a: {  	s12 =	sadd.s32 s12, s8;
	[sflag:s31] =	ssyncset.done $0x0  }
0x9b: {  	s13 =	sadd.s32 $0x1440, s12;
	[sflag:s31] =	ssyncadd.s32 $0xFFFFC000  }
0x9c: {  	[tilespmem:s20], [sflag:$0x3] =	stream.linear.gather [hbm4b:s13+s3], $0x100, $0x38;
	[tilespmem:$0x1C400] =	vst v63  }
0x9d: {  	_ = 	snop  }
0x9e: {  	[tilespmem:s22], [sflag:$0x5] =	stream.indirect.gather [hbm4b:s5+s21], $0x80, s3, s21, $0xb8;
	[tilespmem:$0x1C400] =	vst v63  }
0x9f: {  	_ =	swait.ge [sflag:s23], $0x4000  }
0xa0: {  	[sflag:s23] =	ssyncset.done $0x0  }
0xa1: {  	[sflag:s23] =	ssyncadd.s32 $0xFFFFC000  }
0xa2: {  	[spmem:s2] =	stream.indirect.scatter.add.f32 [tilespmem:s22], [sflag:$0x7], $0x80, s21, s21, $0xb8;
	[tilespmem:$0x1C400] =	vst v63  }
0xa3: {  	_ =	swait.ge [sflag:s24], $0x100  }
0xa4: {  	[sflag:s24] =	ssyncset.done $0x0  }
0xa5: {  	[sflag:s24] =	ssyncadd.s32 $0xFFFFFF00  }
0xa6: {  	_ =	swait.ge [sflag:s6], $0x4000  }
0xa7: {  	[sflag:s6] =	ssyncset.done $0x0  }
0xa8: {  	s13 =	sadd.s32 $0x1460, s12;
	[sflag:s6] =	ssyncadd.s32 $0xFFFFC000  }
0xa9: {  	[tilespmem:s25], [sflag:$0x4] =	stream.linear.gather [hbm4b:s13+s3], $0x100, $0x38;
	[tilespmem:$0x1C400] =	vst v63  }
0xaa: {  	_ = 	snop  }
0xab: {  	[tilespmem:s26], [sflag:$0x6] =	stream.indirect.gather [hbm4b:s5+s21], $0x80, s18, s21, $0xb8;
	[tilespmem:$0x1C400] =	vst v63  }
0xac: {  	_ =	swait.ge [sflag:s28], $0x4000  }
0xad: {  	[sflag:s28] =	ssyncset.done $0x0  }
0xae: {  	[sflag:s28] =	ssyncadd.s32 $0xFFFFC000  }
0xaf: {  	[spmem:s2] =	stream.indirect.scatter.add.f32 [tilespmem:s26], [sflag:$0x8], $0x80, s29, s21, $0xb8;
	[tilespmem:$0x1C400] =	vst v63  }
0xb0: {  	_ =	swait.ge [sflag:s30], $0x100  }
0xb1: {  	[sflag:s30] =	ssyncset.done $0x0  }
0xb2: {  	[sflag:s30] =	ssyncadd.s32 $0xFFFFFF00  }
0xb3: {  	_ =	swait.ge [sflag:s31], $0x4000  }
0xb4: {  	[sflag:s31] =	ssyncset.done $0x0  }
0xb5: {  	s13 =	sadd.s32 $0x1480, s12;
	[sflag:s31] =	ssyncadd.s32 $0xFFFFC000  }
0xb6: {  	[tilespmem:s3], [sflag:$0x1] =	stream.linear.gather [hbm4b:s13+s3], $0x100, $0x38;
	[tilespmem:$0x1C400] =	vst v63  }
0xb7: {  	_ = 	snop  }
0xb8: {  	[tilespmem:s22], [sflag:$0x5] =	stream.indirect.gather [hbm4b:s5+s21], $0x80, s20, s21, $0xb8;
	[tilespmem:$0x1C400] =	vst v63  }
0xb9: {  	_ =	swait.ge [sflag:s23], $0x4000  }
0xba: {  	[sflag:s23] =	ssyncset.done $0x0  }
0xbb: {  	[sflag:s23] =	ssyncadd.s32 $0xFFFFC000  }
0xbc: {  	[spmem:s2] =	stream.indirect.scatter.add.f32 [tilespmem:s22], [sflag:$0x7], $0x80, s0, s21, $0xb8;
	[tilespmem:$0x1C400] =	vst v63  }
0xbd: {  	_ =	swait.ge [sflag:s1], $0x100  }
0xbe: {  	[sflag:s1] =	ssyncset.done $0x0  }
0xbf: {  	[sflag:s1] =	ssyncadd.s32 $0xFFFFFF00  }
0xc0: {  	_ =	swait.ge [sflag:s6], $0x4000  }
0xc1: {  	[sflag:s6] =	ssyncset.done $0x0  }
0xc2: {  	s12 =	sadd.s32 $0x14A0, s12;
	[sflag:s6] =	ssyncadd.s32 $0xFFFFC000  }
0xc3: {  	[tilespmem:s18], [sflag:$0x2] =	stream.linear.gather [hbm4b:s12+s3], $0x100, $0x38;
	[tilespmem:$0x1C400] =	vst v63  }
.Ltmp3:
0xc4: {  	(pc) =	sbr.rel @p1 .LBB2_6-.Ltmp3, $4  }
0xc5: {  	[tilespmem:s26], [sflag:$0x6] =	stream.indirect.gather [hbm4b:s5+s21], $0x80, s25, s21, $0xb8;
	[tilespmem:$0x1C400] =	vst v63  }
0xc6: {  	_ =	swait.ge [sflag:s28], $0x4000  }
0xc7: {  	[sflag:s28] =	ssyncset.done $0x0  }
0xc8: {  	[sflag:s28] =	ssyncadd.s32 $0xFFFFC000  }
.Ltmp4:
0xc9: {  	_ = 	snop;
	(pc) =	sbr.rel .LBB2_7-.Ltmp4, $1  }
0xca: {  	_ =	sdelay $0x3  }
.LBB2_2:
0xcb: {  	[tilespmem:s22], [sflag:$0x5] =	stream.indirect.gather [hbm4b:s4+s21], $0x80, s3, s21, $0xb8;
	[tilespmem:$0x1C400] =	vst v63  }
0xcc: {  	_ =	swait.ge [sflag:s23], $0x4000  }
0xcd: {  	[sflag:s23] =	ssyncset.done $0x0  }
0xce: {  	[sflag:s23] =	ssyncadd.s32 $0xFFFFC000  }
0xcf: {  	[spmem:s2] =	stream.indirect.scatter.add.f32 [tilespmem:s22], [sflag:$0x7], $0x80, s21, s21, $0xb8;
	[tilespmem:$0x1C400] =	vst v63  }
0xd0: {  	_ =	swait.ge [sflag:s24], $0x100  }
0xd1: {  	[sflag:s24] =	ssyncset.done $0x0  }
0xd2: {  	s11 =	rddreg [dreg:$0x7];
	[sflag:s24] =	ssyncadd.s32 $0xFFFFFF00  }
0xd3: {  	[tilespmem:s25], [sflag:$0x4] =	stream.linear.gather [hbm4b:s11+s3], $0x100, $0x38;
	[tilespmem:$0x1C400] =	vst v63  }
0xd4: {  	_ = 	snop  }
0xd5: {  	[tilespmem:s26], [sflag:$0x6] =	stream.indirect.gather [hbm4b:s4+s21], $0x80, s18, s21, $0xb8;
	[tilespmem:$0x1C400] =	vst v63  }
0xd6: {  	_ =	swait.ge [sflag:s28], $0x4000  }
0xd7: {  	[sflag:s28] =	ssyncset.done $0x0  }
0xd8: {  	[sflag:s28] =	ssyncadd.s32 $0xFFFFC000  }
0xd9: {  	[spmem:s2] =	stream.indirect.scatter.add.f32 [tilespmem:s26], [sflag:$0x8], $0x80, s29, s21, $0xb8;
	[tilespmem:$0x1C400] =	vst v63  }
0xda: {  	_ =	swait.ge [sflag:s30], $0x100  }
0xdb: {  	[sflag:s30] =	ssyncset.done $0x0  }
0xdc: {  	[sflag:s30] =	ssyncadd.s32 $0xFFFFFF00  }
0xdd: {  	_ =	swait.ge [sflag:s31], $0x4000  }
0xde: {  	[sflag:s31] =	ssyncset.done $0x0  }
0xdf: {  	s13 =	rddreg [dreg:$0x8];
	[sflag:s31] =	ssyncadd.s32 $0xFFFFC000  }
0xe0: {  	[tilespmem:s3], [sflag:$0x1] =	stream.linear.gather [hbm4b:s13+s3], $0x100, $0x38;
	[tilespmem:$0x1C400] =	vst v63  }
0xe1: {  	_ = 	snop  }
0xe2: {  	[tilespmem:s22], [sflag:$0x5] =	stream.indirect.gather [hbm4b:s4+s21], $0x80, s20, s21, $0xb8;
	[tilespmem:$0x1C400] =	vst v63  }
0xe3: {  	_ =	swait.ge [sflag:s23], $0x4000  }
0xe4: {  	[sflag:s23] =	ssyncset.done $0x0  }
0xe5: {  	[sflag:s23] =	ssyncadd.s32 $0xFFFFC000  }
0xe6: {  	[spmem:s2] =	stream.indirect.scatter.add.f32 [tilespmem:s22], [sflag:$0x7], $0x80, s0, s21, $0xb8;
	[tilespmem:$0x1C400] =	vst v63  }
0xe7: {  	_ =	swait.ge [sflag:s1], $0x100  }
0xe8: {  	[sflag:s1] =	ssyncset.done $0x0  }
0xe9: {  	[sflag:s1] =	ssyncadd.s32 $0xFFFFFF00  }
0xea: {  	_ =	swait.ge [sflag:s6], $0x4000  }
0xeb: {  	[sflag:s6] =	ssyncset.done $0x0  }
0xec: {  	s12 =	rddreg [dreg:$0x9];
	[sflag:s6] =	ssyncadd.s32 $0xFFFFC000  }
0xed: {  	[tilespmem:s18], [sflag:$0x2] =	stream.linear.gather [hbm4b:s12+s3], $0x100, $0x38;
	[tilespmem:$0x1C400] =	vst v63  }
0xee: {  	_ = 	snop  }
0xef: {  	[tilespmem:s26], [sflag:$0x6] =	stream.indirect.gather [hbm4b:s4+s21], $0x80, s25, s21, $0xb8;
	[tilespmem:$0x1C400] =	vst v63  }
0xf0: {  	_ =	swait.ge [sflag:s28], $0x4000  }
0xf1: {  	[sflag:s28] =	ssyncset.done $0x0  }
0xf2: {  	[sflag:s28] =	ssyncadd.s32 $0xFFFFC000  }
0xf3: {  	[spmem:s2] =	stream.indirect.scatter.add.f32 [tilespmem:s26], [sflag:$0x8], $0x80, s9, s21, $0xb8;
	[tilespmem:$0x1C400] =	vst v63  }
0xf4: {  	_ =	swait.ge [sflag:s19], $0x100  }
0xf5: {  	[sflag:s19] =	ssyncset.done $0x0  }
0xf6: {  	[sflag:s19] =	ssyncadd.s32 $0xFFFFFF00  }
0xf7: {  	_ =	swait.ge [sflag:s31], $0x4000  }
0xf8: {  	s11 =	sadd.s32 $0xFFFFEC80, s8;
	[sflag:s31] =	ssyncset.done $0x0  }
0xf9: {  	s12 =	sadd.s32 $0x1440, s11;
	[sflag:s31] =	ssyncadd.s32 $0xFFFFC000  }
0xfa: {  	[tilespmem:s20], [sflag:$0x3] =	stream.linear.gather [hbm4b:s12+s3], $0x100, $0x38;
	[tilespmem:$0x1C400] =	vst v63  }
0xfb: {  	_ = 	snop  }
0xfc: {  	[tilespmem:s22], [sflag:$0x5] =	stream.indirect.gather [hbm4b:s4+s21], $0x80, s3, s21, $0xb8;
	[tilespmem:$0x1C400] =	vst v63  }
0xfd: {  	_ =	swait.ge [sflag:s23], $0x4000  }
0xfe: {  	[sflag:s23] =	ssyncset.done $0x0  }
0xff: {  	[sflag:s23] =	ssyncadd.s32 $0xFFFFC000  }
0x100: {  	[spmem:s2] =	stream.indirect.scatter.add.f32 [tilespmem:s22], [sflag:$0x7], $0x80, s21, s21, $0xb8;
	[tilespmem:$0x1C400] =	vst v63  }
0x101: {  	_ =	swait.ge [sflag:s24], $0x100  }
0x102: {  	[sflag:s24] =	ssyncset.done $0x0  }
0x103: {  	[sflag:s24] =	ssyncadd.s32 $0xFFFFFF00  }
0x104: {  	_ =	swait.ge [sflag:s6], $0x4000  }
0x105: {  	[sflag:s6] =	ssyncset.done $0x0  }
0x106: {  	s13 =	sadd.s32 $0x1460, s11;
	[sflag:s6] =	ssyncadd.s32 $0xFFFFC000  }
0x107: {  	[tilespmem:s25], [sflag:$0x4] =	stream.linear.gather [hbm4b:s13+s3], $0x100, $0x38;
	[tilespmem:$0x1C400] =	vst v63  }
0x108: {  	_ = 	snop  }
0x109: {  	[tilespmem:s26], [sflag:$0x6] =	stream.indirect.gather [hbm4b:s4+s21], $0x80, s18, s21, $0xb8;
	[tilespmem:$0x1C400] =	vst v63  }
0x10a: {  	_ =	swait.ge [sflag:s28], $0x4000  }
0x10b: {  	[sflag:s28] =	ssyncset.done $0x0  }
0x10c: {  	[sflag:s28] =	ssyncadd.s32 $0xFFFFC000  }
0x10d: {  	[spmem:s2] =	stream.indirect.scatter.add.f32 [tilespmem:s26], [sflag:$0x8], $0x80, s29, s21, $0xb8;
	[tilespmem:$0x1C400] =	vst v63  }
0x10e: {  	_ =	swait.ge [sflag:s30], $0x100  }
0x10f: {  	[sflag:s30] =	ssyncset.done $0x0  }
0x110: {  	[sflag:s30] =	ssyncadd.s32 $0xFFFFFF00  }
0x111: {  	_ =	swait.ge [sflag:s31], $0x4000  }
0x112: {  	[sflag:s31] =	ssyncset.done $0x0  }
0x113: {  	s13 =	sadd.s32 $0x1480, s11;
	[sflag:s31] =	ssyncadd.s32 $0xFFFFC000  }
0x114: {  	[tilespmem:s3], [sflag:$0x1] =	stream.linear.gather [hbm4b:s13+s3], $0x100, $0x38;
	[tilespmem:$0x1C400] =	vst v63  }
0x115: {  	_ = 	snop  }
0x116: {  	[tilespmem:s22], [sflag:$0x5] =	stream.indirect.gather [hbm4b:s4+s21], $0x80, s20, s21, $0xb8;
	[tilespmem:$0x1C400] =	vst v63  }
0x117: {  	_ =	swait.ge [sflag:s23], $0x4000  }
0x118: {  	[sflag:s23] =	ssyncset.done $0x0  }
0x119: {  	[sflag:s23] =	ssyncadd.s32 $0xFFFFC000  }
0x11a: {  	[spmem:s2] =	stream.indirect.scatter.add.f32 [tilespmem:s22], [sflag:$0x7], $0x80, s0, s21, $0xb8;
	[tilespmem:$0x1C400] =	vst v63  }
0x11b: {  	_ =	swait.ge [sflag:s1], $0x100  }
0x11c: {  	[sflag:s1] =	ssyncset.done $0x0  }
0x11d: {  	[sflag:s1] =	ssyncadd.s32 $0xFFFFFF00  }
0x11e: {  	_ =	swait.ge [sflag:s6], $0x4000  }
0x11f: {  	[sflag:s6] =	ssyncset.done $0x0  }
0x120: {  	s11 =	sadd.s32 $0x14A0, s11;
	[sflag:s6] =	ssyncadd.s32 $0xFFFFC000  }
0x121: {  	[tilespmem:s18], [sflag:$0x2] =	stream.linear.gather [hbm4b:s11+s3], $0x100, $0x38;
	[tilespmem:$0x1C400] =	vst v63  }
0x122: {  	_ = 	snop  }
0x123: {  	[tilespmem:s26], [sflag:$0x6] =	stream.indirect.gather [hbm4b:s4+s21], $0x80, s25, s21, $0xb8;
	[tilespmem:$0x1C400] =	vst v63  }
0x124: {  	_ =	swait.ge [sflag:s28], $0x4000  }
0x125: {  	[sflag:s28] =	ssyncset.done $0x0  }
0x126: {  	s11 =	simm.s32 $0xFFFFED00;
	[sflag:s28] =	ssyncadd.s32 $0xFFFFC000  }
.LBB2_3:
0x127: {  	[spmem:s2] =	stream.indirect.scatter.add.f32 [tilespmem:s26], [sflag:$0x8], $0x80, s9, s21, $0xb8;
	[tilespmem:$0x1C400] =	vst v63  }
0x128: {  	s12 =	smov.u32 s11  }
0x129: {  	p1 =	seq.s32 s11, $0xFFFFFF80;
	s11 =	sadd.s32 $0x80, s11;
	_ =	swait.ge [sflag:s19], $0x100  }
0x12a: {  	[sflag:s19] =	ssyncset.done $0x0  }
0x12b: {  	[sflag:s19] =	ssyncadd.s32 $0xFFFFFF00  }
0x12c: {  	_ =	swait.ge [sflag:s31], $0x4000  }
0x12d: {  	s12 =	sadd.s32 s12, s8;
	[sflag:s31] =	ssyncset.done $0x0  }
0x12e: {  	s13 =	sadd.s32 $0x1440, s12;
	[sflag:s31] =	ssyncadd.s32 $0xFFFFC000  }
0x12f: {  	[tilespmem:s20], [sflag:$0x3] =	stream.linear.gather [hbm4b:s13+s3], $0x100, $0x38;
	[tilespmem:$0x1C400] =	vst v63  }
0x130: {  	_ = 	snop  }
0x131: {  	[tilespmem:s22], [sflag:$0x5] =	stream.indirect.gather [hbm4b:s4+s21], $0x80, s3, s21, $0xb8;
	[tilespmem:$0x1C400] =	vst v63  }
0x132: {  	_ =	swait.ge [sflag:s23], $0x4000  }
0x133: {  	[sflag:s23] =	ssyncset.done $0x0  }
0x134: {  	[sflag:s23] =	ssyncadd.s32 $0xFFFFC000  }
0x135: {  	[spmem:s2] =	stream.indirect.scatter.add.f32 [tilespmem:s22], [sflag:$0x7], $0x80, s21, s21, $0xb8;
	[tilespmem:$0x1C400] =	vst v63  }
0x136: {  	_ =	swait.ge [sflag:s24], $0x100  }
0x137: {  	[sflag:s24] =	ssyncset.done $0x0  }
0x138: {  	[sflag:s24] =	ssyncadd.s32 $0xFFFFFF00  }
0x139: {  	_ =	swait.ge [sflag:s6], $0x4000  }
0x13a: {  	[sflag:s6] =	ssyncset.done $0x0  }
0x13b: {  	s13 =	sadd.s32 $0x1460, s12;
	[sflag:s6] =	ssyncadd.s32 $0xFFFFC000  }
0x13c: {  	[tilespmem:s25], [sflag:$0x4] =	stream.linear.gather [hbm4b:s13+s3], $0x100, $0x38;
	[tilespmem:$0x1C400] =	vst v63  }
0x13d: {  	_ = 	snop  }
0x13e: {  	[tilespmem:s26], [sflag:$0x6] =	stream.indirect.gather [hbm4b:s4+s21], $0x80, s18, s21, $0xb8;
	[tilespmem:$0x1C400] =	vst v63  }
0x13f: {  	_ =	swait.ge [sflag:s28], $0x4000  }
0x140: {  	[sflag:s28] =	ssyncset.done $0x0  }
0x141: {  	[sflag:s28] =	ssyncadd.s32 $0xFFFFC000  }
0x142: {  	[spmem:s2] =	stream.indirect.scatter.add.f32 [tilespmem:s26], [sflag:$0x8], $0x80, s29, s21, $0xb8;
	[tilespmem:$0x1C400] =	vst v63  }
0x143: {  	_ =	swait.ge [sflag:s30], $0x100  }
0x144: {  	[sflag:s30] =	ssyncset.done $0x0  }
0x145: {  	[sflag:s30] =	ssyncadd.s32 $0xFFFFFF00  }
0x146: {  	_ =	swait.ge [sflag:s31], $0x4000  }
0x147: {  	[sflag:s31] =	ssyncset.done $0x0  }
0x148: {  	s13 =	sadd.s32 $0x1480, s12;
	[sflag:s31] =	ssyncadd.s32 $0xFFFFC000  }
0x149: {  	[tilespmem:s3], [sflag:$0x1] =	stream.linear.gather [hbm4b:s13+s3], $0x100, $0x38;
	[tilespmem:$0x1C400] =	vst v63  }
0x14a: {  	_ = 	snop  }
0x14b: {  	[tilespmem:s22], [sflag:$0x5] =	stream.indirect.gather [hbm4b:s4+s21], $0x80, s20, s21, $0xb8;
	[tilespmem:$0x1C400] =	vst v63  }
0x14c: {  	_ =	swait.ge [sflag:s23], $0x4000  }
0x14d: {  	[sflag:s23] =	ssyncset.done $0x0  }
0x14e: {  	[sflag:s23] =	ssyncadd.s32 $0xFFFFC000  }
0x14f: {  	[spmem:s2] =	stream.indirect.scatter.add.f32 [tilespmem:s22], [sflag:$0x7], $0x80, s0, s21, $0xb8;
	[tilespmem:$0x1C400] =	vst v63  }
0x150: {  	_ =	swait.ge [sflag:s1], $0x100  }
0x151: {  	[sflag:s1] =	ssyncset.done $0x0  }
0x152: {  	[sflag:s1] =	ssyncadd.s32 $0xFFFFFF00  }
0x153: {  	_ =	swait.ge [sflag:s6], $0x4000  }
0x154: {  	[sflag:s6] =	ssyncset.done $0x0  }
0x155: {  	s12 =	sadd.s32 $0x14A0, s12;
	[sflag:s6] =	ssyncadd.s32 $0xFFFFC000  }
0x156: {  	[tilespmem:s18], [sflag:$0x2] =	stream.linear.gather [hbm4b:s12+s3], $0x100, $0x38;
	[tilespmem:$0x1C400] =	vst v63  }
.Ltmp5:
0x157: {  	(pc) =	sbr.rel @!p1 .LBB2_3-.Ltmp5, $4  }
0x158: {  	[tilespmem:s26], [sflag:$0x6] =	stream.indirect.gather [hbm4b:s4+s21], $0x80, s25, s21, $0xb8;
	[tilespmem:$0x1C400] =	vst v63  }
0x159: {  	_ =	swait.ge [sflag:s28], $0x4000  }
0x15a: {  	[sflag:s28] =	ssyncset.done $0x0  }
0x15b: {  	[sflag:s28] =	ssyncadd.s32 $0xFFFFC000  }
.Ltmp6:
0x15c: {  	(pc) =	sbr.rel .LBB2_8-.Ltmp6, $2  }
0x15d: {  	_ =	sdelay $0x2  }
0x15e: {  	[spmem:s2] =	stream.indirect.scatter.add.f32 [tilespmem:s26], [sflag:$0x8], $0x80, s9, s21, $0xb8;
	[tilespmem:$0x1C400] =	vst v63  }
.LBB2_9:
0x15f: {  	_ =	sfence.sel $0x180000  }
0x160: {  	[bflag:$0x0] =	sbarrier.arrive $0xFFFF  }
0x161: {  	_ =	strace $0x9000004D  }
0x162: {  	s0 =	stileid.u32;
	[bflag:$0x2] =	sbarrier.arrive $0xFFFF  }
0x163: {  	p0 =	sne.s32 s0, $0x0;
	s0 =	rddreg [dreg:$0x3]  }
0x164: {  	s0 =	sadd.s32 @!p0 $0x100000, s0  }
0x165: {  	[sflag:s0] =	ssyncadd.tile.s32 @!p0 $0x1;
	_ =	shalt  }
.Lfunc_end2:
_tile_overlayer_lowered:
.L_overlay_start_2:
0x166: {  	(tag) =	ssettag $0x2  }
0x167: {  	s0 =	rddreg [dreg:$0x0];
	s2 =	stileid.u32  }
0x168: {  	s1 =	rddreg [dreg:$0x1];
	p0 =	sne.s32 s2, $0x0  }
0x169: {  	s3 =	rddreg [dreg:$0x2];
	[bflag:$0x3] =	sbarrier.arrive $0xFFFF;
	s2 =	simm.s32 @!p0 $0x1C09  }
0x16a: {  	[timem:s3], [sflag:s2] =	dma.local @!p0 [hbm:s0], s1  }
0x16b: {  	s0 =	simm.s32 @!p0 $0x9  }
0x16c: {  	_ =	swait.ge @!p0 [sflag:s0], s1  }
0x16d: {  	s1 =	ssub.s32 @!p0 $0x0, s1;
	[sflag:s0] =	ssyncset.done @!p0 $0x0  }
0x16e: {  	[sflag:s0] =	ssyncadd.s32 @!p0 s1  }
0x16f: {  	[bflag:$0x3] =	sbarrier.arrive $0xFFFF  }
0x170: {  	_ =	shalt  }

// kernel: kernel.8.cloned.1.call-start
scs
__scs_entry_jumppad:
0x0: {  	(pc) =	sbr.rel $0x88, $3  }
0x1: {  	(tag) =	ssettag $0x0;
	lr =	simm.s32 $0x1  }
0x2: {  	[smem:$0x3F99] =	sst lr;
	_ =	strace $0xD0000000  }
0x3: {  	_ = 	snop  }
0x4: {  	_ = 	snop  }
0x5: {  	_ = 	snop  }
0x6: {  	_ = 	snop  }
0x7: {  	_ = 	snop  }
__scs_overlays_trampoline_lowered:
0x8: {  	[smem:$0x3FA8] =	sst s0  }
0x9: {  	[smem:$0x3FA9] =	sst s1  }
0xa: {  	[smem:$0x3FAA] =	sst s2  }
0xb: {  	[smem:$0x3FAB] =	sst s3  }
0xc: {  	[smem:$0x3FAC] =	sst s4  }
0xd: {  	[smem:$0x3FAD] =	sst s5  }
0xe: {  	[smem:$0x3FAE] =	sst s6  }
0xf: {  	[smem:$0x3FAF] =	sst s7  }
0x10: {  	[smem:$0x3FB0] =	sst s8  }
0x11: {  	[smem:$0x3FB1] =	sst s9;
	s0 =	simm.s32 @!p0 $0x0  }
0x12: {  	s1 =	sld [smem:$0x3F97];
	s0 =	simm.s32 @p0 $0x1  }
0x13: {  	[smem:$0x3FB2] =	sst s0;
	s0 =	simm.s32 @!p1 $0x0  }
0x14: {  	s2 =	sld [smem:$0x3F96];
	s0 =	simm.s32 @p1 $0x1  }
0x15: {  	[smem:$0x3FB3] =	sst s0;
	s0 =	simm.s32 @!p2 $0x0  }
0x16: {  	s3 =	sld [smem:$0x3FDB];
	s0 =	simm.s32 @p2 $0x1  }
0x17: {  	s4 =	simm.s32 $0x1BF5;
	[smem:$0x3FB5] =	sst s0  }
0x18: {  	s0 =	sld [smem:$0x3F98];
	_ =	swait.ge [sflag:s4], $0x0  }
0x19: {  	s7 =	sld [smem:$0x3F99]  }
0x1a: {  	s8 =	sadd.s32 $0xFFFFE003, lr  }
0x1b: {  	s9 =	sadd.s32 $0xFFFFFEF7, lr;
	s5 =	simm.s32 $0xFFFFFFFF;
	p2 =	slt.u32 s8, $0xFFFFF086  }
0x1c: {  	p1 =	slt.u32 s9, $0xF7A;
	s5 =	simm.s32 @!p2 $0x0  }
0x1d: {  	s5 =	simm.s32 @p1 $0x1;
	p0 =	seq.s32 s7, s2  }
0x1e: {  	s7 =	smul.u32 @!p0 $0xF7A, s2;
	p2 =	seq.s32 @!p0 s5, $0x0  }
0x1f: {  	s9 =	smul.u32 $0xF7A, s1;
	s8 =	simm.s32 @!p0 $0x1BF5;
	p2 =	por !p2, p0  }
0x20: {  	[sflag:s8] =	ssyncset.s32 @!p0 $0xFFFFF086;
	s6 =	sadd.s32 @!p0 s3, s7;
	s7 =	simm.s32 @!p0 $0x108  }
0x21: {  	s3 =	sadd.s32 s3, s9;
	s6 =	sadd.s32 @!p0 $0x88, s6;
	s7 =	simm.s32 @p2 $0x1082  }
0x22: {  	[simem:s7], [sflag:s8] =	dma.local @!p0 [hbm:s6], $0xF7A  }
0x23: {  	s9 =	sor.u32 $0xD0000000, s2;
	s6 =	simm.s32 $0x108;
	_ =	swait.ge @!p0 [sflag:s8], $0x0  }
0x24: {  	s3 =	sadd.s32 $0x88, s3;
	s6 =	simm.s32 @!p1 $0x1082;
	[sflag:s4] =	ssyncset.s32 $0xFFFFF086  }
0x25: {  	[simem:s6], [sflag:s4] =	dma.local [hbm:s3], $0xF7A  }
0x26: {  	[smem:$0x3F99] =	sst s1;
	(tag) =	ssettag s2;
	_ =	strace s9  }
0x27: {  	s1 =	sld [smem:$0x3FA9]  }
0x28: {  	s2 =	sld [smem:$0x3FAA]  }
0x29: {  	s4 =	sld [smem:$0x3FAC]  }
0x2a: {  	p0 =	seq.s32 s5, $0x0;
	s5 =	sld [smem:$0x3FAD]  }
0x2b: {  	s6 =	sld [smem:$0x3FAE]  }
0x2c: {  	s7 =	sld [smem:$0x3FAF]  }
0x2d: {  	s3 =	simm.s32 $0x108;
	s8 =	sld [smem:$0x3FB0]  }
0x2e: {  	s3 =	simm.s32 @!p0 $0x1082;
	s9 =	sld [smem:$0x3FB1]  }
0x2f: {  	lr =	sadd.s32 s0, s3;
	s0 =	sld [smem:$0x3FA8]  }
0x30: {  	s3 =	sld [smem:$0x3FAB]  }
0x31: {  	[smem:$0x3FB4] =	sst s10  }
0x32: {  	s10 =	sld [smem:$0x3FB2];
	_ =	sdelay $0x3  }
0x33: {  	p0 =	seq.s32 s10, $0x1;
	s10 =	sld [smem:$0x3FB4];
	_ =	sdelay $0x3  }
0x34: {  	[smem:$0x3FB4] =	sst s10  }
0x35: {  	s10 =	sld [smem:$0x3FB3];
	_ =	sdelay $0x3  }
0x36: {  	p1 =	seq.s32 s10, $0x1;
	s10 =	sld [smem:$0x3FB4];
	_ =	sdelay $0x3  }
0x37: {  	[smem:$0x3FB4] =	sst s10  }
0x38: {  	s10 =	sld [smem:$0x3FB5]  }
0x39: {  	_ = 	snop;
	(pc) =	sbr.ind lr, $3  }
0x3a: {  	_ = 	snop  }
0x3b: {  	_ = 	snop  }
0x3c: {  	p2 =	seq.s32 s10, $0x1;
	s10 =	sld [smem:$0x3FB4]  }
0x3d: {  	_ =	shalt  }
0x3e: {  	_ =	shalt  }
0x3f: {  	_ =	shalt  }
0x40: {  	_ =	shalt  }
0x41: {  	_ =	shalt  }
0x42: {  	_ =	shalt  }
0x43: {  	_ =	shalt  }
0x44: {  	_ =	shalt  }
0x45: {  	_ =	shalt  }
0x46: {  	_ =	shalt  }
0x47: {  	_ =	shalt  }
0x48: {  	_ =	shalt  }
0x49: {  	_ =	shalt  }
0x4a: {  	_ =	shalt  }
0x4b: {  	_ =	shalt  }
0x4c: {  	_ =	shalt  }
0x4d: {  	_ =	shalt  }
0x4e: {  	_ =	shalt  }
0x4f: {  	_ =	shalt  }
0x50: {  	_ =	shalt  }
0x51: {  	_ =	shalt  }
0x52: {  	_ =	shalt  }
0x53: {  	_ =	shalt  }
0x54: {  	_ =	shalt  }
0x55: {  	_ =	shalt  }
0x56: {  	_ =	shalt  }
0x57: {  	_ =	shalt  }
0x58: {  	_ =	shalt  }
0x59: {  	_ =	shalt  }
0x5a: {  	_ =	shalt  }
0x5b: {  	_ =	shalt  }
0x5c: {  	_ =	shalt  }
0x5d: {  	_ =	shalt  }
0x5e: {  	_ =	shalt  }
0x5f: {  	_ =	shalt  }
0x60: {  	_ =	shalt  }
0x61: {  	_ =	shalt  }
0x62: {  	_ =	shalt  }
0x63: {  	_ =	shalt  }
0x64: {  	_ =	shalt  }
0x65: {  	_ =	shalt  }
0x66: {  	_ =	shalt  }
0x67: {  	_ =	shalt  }
0x68: {  	_ =	shalt  }
0x69: {  	_ =	shalt  }
0x6a: {  	_ =	shalt  }
0x6b: {  	_ =	shalt  }
0x6c: {  	_ =	shalt  }
0x6d: {  	_ =	shalt  }
0x6e: {  	_ =	shalt  }
0x6f: {  	_ =	shalt  }
0x70: {  	_ =	shalt  }
0x71: {  	_ =	shalt  }
0x72: {  	_ =	shalt  }
0x73: {  	_ =	shalt  }
0x74: {  	_ =	shalt  }
0x75: {  	_ =	shalt  }
0x76: {  	_ =	shalt  }
0x77: {  	_ =	shalt  }
0x78: {  	_ =	shalt  }
0x79: {  	_ =	shalt  }
0x7a: {  	_ =	shalt  }
0x7b: {  	_ =	shalt  }
0x7c: {  	_ =	shalt  }
0x7d: {  	_ =	shalt  }
0x7e: {  	_ =	shalt  }
0x7f: {  	_ =	shalt  }
0x80: {  	_ =	shalt  }
0x81: {  	_ =	shalt  }
0x82: {  	_ =	shalt  }
0x83: {  	_ =	shalt  }
0x84: {  	_ =	shalt  }
0x85: {  	_ =	shalt  }
0x86: {  	_ =	shalt  }
0x87: {  	_ =	shalt  }
.Lfunc_end0:
.L_simem_size_0:
called_computation_lowered:
.L_overlay_start_0:
0x88: {  	s2 =	sld [smem:$0x3FD9]  }
0x89: {  	s3 =	sld [smem:$0x3FFE];
	_ =	sdelay $0x1  }
0x8a: {  	s1 =	srdreg.scid  }
0x8b: {  	s0 =	sand.u32 $0x1, s1  }
0x8c: {  	s14 =	sshll.u32 s0, $0xA;
	s2 =	sadd.s32 s3, s2  }
0x8d: {  	s2 =	sadd.s32 s2, s14  }
0x8e: {  	[smem:$0x3FC0] =	sst s2  }
0x8f: {  	_ = 	snop  }
0x90: {  	s2 =	sld [smem:$0x3FD0];
	_ =	sdelay $0x2  }
0x91: {  	s15 =	simm.s32 $0xA;
	s4 =	simm.s32 $0x10  }
0x92: {  	[smem:s4], [sflag:s15] =	dma.local [hbm:s2], $0x1  }
0x93: {  	_ =	swait.eq [sflag:s15], $0x1  }
0x94: {  	[sflag:s15] =	ssyncset.done $0x0  }
0x95: {  	[sflag:s15] =	ssyncadd.s32 $0xFFFFFFFF  }
0x96: {  	s16 =	sld [smem:$0x10];
	(tm) =	ssettm $0x1  }
0x97: {  	s17 =	sld [smem:$0x3FFB];
	_ =	sdelay $0x3  }
0x98: {  	_ =	strace s17  }
0x99: {  	s3 =	sld [smem:$0x3FFC];
	_ =	sdelay $0x3  }
0x9a: {  	_ =	strace s3  }
0x9b: {  	s3 =	sld [smem:$0x3FFD];
	_ =	sdelay $0x3  }
0x9c: {  	_ =	strace s3  }
0x9d: {  	_ =	strace $0x8FFFFFFF  }
0x9e: {  	s18 =	sld [smem:$0x3FDB];
	_ =	sdelay $0x1  }
0x9f: {  	s19 =	simm.s32 $_scs_section_size  }
0xa0: {  	s5 =	simm.s32 $_size__tile_overlayer_lowered;
	s6 =	simm.s32 $_tile_overlayer_lowered  }
0xa1: {  	s22 =	simm.s32 $0x1BFF;
	s21 =	sshll.u32 s6, $0x1;
	s3 =	sadd.s32 s19, s18  }
0xa2: {  	s7 =	simm.s32 $0x0;
	s20 =	sshll.u32 s5, $0x1;
	s5 =	sadd.s32 s21, s3  }
0xa3: {  	[timem:s7], [sflag:s22] =	dma.local [hbm:s5], s20  }
0xa4: {  	_ =	swait.ge [sflag:s22], s20  }
0xa5: {  	s4 =	ssub.s32 $0x0, s20;
	[sflag:s22] =	ssyncset.done $0x0  }
0xa6: {  	[sflag:s22] =	ssyncadd.s32 s4;
	_ =	sdelay $0x1  }
0xa7: {  	s23 =	simm.s32 $0x1B8B  }
0xa8: {  	_ =	swait.ge [sflag:s23], $0x1  }
0xa9: {  	[sflag:s23] =	ssyncset.done $0x0  }
0xaa: {  	s25 =	simm.s32 $0x1B8E;
	s24 =	sld [smem:$0x3FFE];
	[sflag:s23] =	ssyncadd.s32 $0xFFFFFFFF  }
0xab: {  	s26 =	simm.s32 $execute0_lowered;
	[smem:$0x3FD2] =	sst s25  }
0xac: {  	s5 =	sshll.u32 s26, $0x1;
	_ =	strace $0x80000046;
	[dreg:$0x1] =	wrdreg $0xFFFFFFFF  }
0xad: {  	s28 =	simm.s32 $_size_execute0_lowered;
	s3 =	sadd.s32 s3, s5;
	[dreg:$0x0] =	wrdreg $0x0  }
0xae: {  	s5 =	sshll.u32 s28, $0x1;
	[dreg:$0x2] =	wrdreg s3  }
0xaf: {  	[dreg:$0x3] =	wrdreg s5  }
0xb0: {  	[dreg:$0x4] =	wrdreg $0xC0  }
0xb1: {  	_ =	task [dreg:s7], $0x5FFFF  }
0xb2: {  	[dreg:$0x1] =	wrdreg $0xFFFFFFFF  }
0xb3: {  	[dreg:$0x0] =	wrdreg $0x60  }
0xb4: {  	[dreg:$0x2] =	wrdreg s16  }
0xb5: {  	[dreg:$0x3] =	wrdreg s24  }
0xb6: {  	[dreg:$0x4] =	wrdreg $0x41000  }
0xb7: {  	[dreg:$0x5] =	wrdreg $0x9  }
0xb8: {  	_ =	task.clear_ibuf [dreg:s7], $0x6FFFF;
	_ =	strace $0x90000046  }
0xb9: {  	s29 =	simm.s32 $0x9;
	_ =	strace $0x80000048  }
0xba: {  	_ =	swait.ge [sflag:s29], $0x1  }
0xbb: {  	[sflag:s29] =	ssyncadd.s32 $0xFFFFFFFF  }
0xbc: {  	_ =	strace $0x90000048  }
0xbd: {  	_ =	sfence  }
0xbe: {  	s30 =	sld [smem:$0x0];
	_ =	sdelay $0x2  }
0xbf: {  	s31 =	sshll.u32 s1, $0xD;
	s1 =	sshrl.u32 s1, $0x2  }
0xc0: {  	s3 =	sand.u32 $0x4000, s31;
	s1 =	sadd.s32 s1, s30  }
0xc1: {  	s0 =	sor.u32 s3, s0;
	s1 =	sshll.u32 s1, $0x11  }
0xc2: {  	s0 =	sor.u32 s1, s0  }
0xc3: {  	s0 =	sadd.s32 $0x8F2B, s0  }
0xc4: {  	[sflag:s0] =	ssyncadd.remote.s32 $0x1  }
0xc5: {  	_ =	sfence.sel $0xFFFF  }
0xc6: {  	[dreg:$0x0] =	wrdreg $0xFFFFFFFF;
	(pc) =	sbr.abs _section_cstart, $3  }
0xc7: {  	[dreg:$0x1] =	wrdreg $0xFFFFFFFF  }
0xc8: {  	_ =	task.clear_ibuf [dreg:s7], $0x2FFFF;
	_ =	strace $0x9FFFFFFF  }
0xc9: {  	(tm) =	ssettm $0x7FFFFFFF  }
tec
execute0_lowered:
.L_overlay_start_1:
0x0: {  	(tag) =	ssettag $0x1  }
0x1: {  	s12 =	rddreg [dreg:$0x0]  }
0x2: {  	s5 =	rddreg [dreg:$0x1]  }
0x3: {  	s2 =	rddreg [dreg:$0x2]  }
0x4: {  	s0 =	rddreg [dreg:$0x3]  }
0x5: {  	s1 =	stileid.u32;
	s4 =	srdreg.scid  }
0x6: {  	s3 =	simm.s32 $0x0;
	s16 =	simm.s32 $0x80;
	s17 =	simm.s32 $0x1  }
0x7: {  	s18 =	simm.s32 $0x2;
	s19 =	simm.s32 $0x0;
	s6 =	smul.u32 $0x14000, s1  }
0x8: {  	s7 =	sand.u32 $0x1, s4;
	[smem:$0x7FF] =	sst s3;
	s11 =	smul.u32 $0x50000, s1  }
0x9: {  	s4 =	sadd.s32 $0x3E00, s5;
	s29 =	smul.u32 $0x2800, s1;
	s30 =	sshll.u32 s1, $0x6  }
0xa: {  	s8 =	smul.u32 $0x140000, s7;
	_ =	strace $0x80000047;
	s23 =	sshll.u32 s7, $0x4  }
0xb: {  	s10 =	ssub.s32 $0x2, s7;
	s28 =	smul.u32 $0x28000, s7;
	s7 =	sor.u32 $0x1C03, s30  }
0xc: {  	s9 =	sshrl.u32 s6, $0x3;
	s24 =	sshrl.u32 s10, $0x1;
	s26 =	sshrl.u32 s11, $0x2  }
0xd: {  	s6 =	sadd.s32 s6, s8;
	s22 =	sadd.s32 s9, s5;
	s9 =	sor.u32 s1, s23  }
0xe: {  	s10 =	ssub.s32 s10, s24;
	s14 =	sadd.s32 s26, s2;
	s11 =	sadd.s32 s29, s28  }
0xf: {  	s6 =	sshrl.u32 s6, $0x3;
	s25 =	smul.u32 $0x2800, s9;
	s31 =	sor.u32 $0x180, s11  }
0x10: {  	s11 =	sor.u32 $0x100, s11;
	s10 =	smax.u32 s10, $0x1;
	s13 =	sadd.s32 s6, s5  }
0x11: {  	s5 =	sadd.s32 $0x4600, s22;
	s15 =	sshrl.u32 s11, $0x3;
	s6 =	sshrl.u32 s25, $0x3  }
0x12: {  	s9 =	sadd.s32 $0x2C600, s13;
	s13 =	sshrl.u32 s31, $0x3;
	s6 =	sadd.s32 s12, s6  }
0x13: {  	s11 =	sadd.s32 s13, s12;
	s12 =	sadd.s32 s15, s12;
	s13 =	sshrl.u32 s14, $0x3  }
0x14: {  	s14 =	simm.s32 $0x3;
	s15 =	simm.s32 $0x100;
	s8 =	sadd.s32 $0x10, s6  }
.LBB2_1:
0x15: {  	[spmem:s13], [sflag:s7] =	dma.local [hbm:s5], $0x2800  }
0x16: {  	_ =	swait.ge [sflag:s14], $0x2800  }
0x17: {  	[sflag:s14] =	ssyncset.done $0x0  }
0x18: {  	[sflag:s14] =	ssyncadd.s32 $0xFFFFD800  }
0x19: {  	[tilespmem:s15], [sflag:$0x3] =	stream.linear.gather [hbm4b:s4+s3], $0x4000, $0x38;
	[tilespmem:$0x18100] =	vst v63  }
0x1a: {  	_ =	swait.ge [sflag:s14], $0x4000  }
0x1b: {  	[sflag:s14] =	ssyncset.done $0x0  }
0x1c: {  	[sflag:s14] =	ssyncadd.s32 $0xFFFFC000  }
0x1d: {  	[bflag:$0x0] =	sbarrier.arrive $0xFFFF  }
0x1e: {  	[tilespmem:s3], [sflag:$0x3] =	stream.linear.gather [hbm4b:s6+s3], $0x80, $0x38;
	[tilespmem:$0x18100] =	vst v63  }
0x1f: {  	_ =	swait.ge [sflag:s14], $0x80  }
0x20: {  	[sflag:s14] =	ssyncset.done $0x0  }
0x21: {  	[sflag:s14] =	ssyncadd.s32 $0xFFFFFF80  }
0x22: {  	[spmem:s2] =	stream.indirect.scatter.add.f32 [tilespmem:s15], [sflag:$0x1], $0x80, s3, s16, $0xb8;
	[tilespmem:$0x18100] =	vst v63  }
0x23: {  	_ = 	snop  }
0x24: {  	[tilespmem:s16], [sflag:$0x3] =	stream.linear.gather [hbm4b:s8+s3], $0x80, $0x38;
	[tilespmem:$0x18100] =	vst v63  }
0x25: {  	_ =	swait.ge [sflag:s14], $0x80  }
0x26: {  	[sflag:s14] =	ssyncset.done $0x0  }
0x27: {  	[sflag:s14] =	ssyncadd.s32 $0xFFFFFF80  }
0x28: {  	[spmem:s2] =	stream.indirect.scatter.add.f32 [tilespmem:s15], [sflag:$0x2], $0x80, s16, s16, $0xb8;
	[tilespmem:$0x18100] =	vst v63  }
0x29: {  	_ =	swait.ge [sflag:s17], $0x4000  }
0x2a: {  	[sflag:s17] =	ssyncset.done $0x0  }
0x2b: {  	s20 =	sadd.s32 $0x0, s12;
	[sflag:s17] =	ssyncadd.s32 $0xFFFFC000  }
0x2c: {  	[tilespmem:s3], [sflag:$0x3] =	stream.linear.gather [hbm4b:s20+s3], $0x80, $0x38;
	[tilespmem:$0x18100] =	vst v63  }
0x2d: {  	_ =	swait.ge [sflag:s14], $0x80  }
0x2e: {  	[sflag:s14] =	ssyncset.done $0x0  }
0x2f: {  	[sflag:s14] =	ssyncadd.s32 $0xFFFFFF80  }
0x30: {  	[spmem:s2] =	stream.indirect.scatter.add.f32 [tilespmem:s15], [sflag:$0x1], $0x80, s3, s16, $0xb8;
	[tilespmem:$0x18100] =	vst v63  }
0x31: {  	_ =	swait.ge [sflag:s18], $0x4000  }
0x32: {  	[sflag:s18] =	ssyncset.done $0x0  }
0x33: {  	s31 =	sadd.s32 $0x0, s11;
	[sflag:s18] =	ssyncadd.s32 $0xFFFFC000  }
0x34: {  	[tilespmem:s16], [sflag:$0x3] =	stream.linear.gather [hbm4b:s31+s3], $0x80, $0x38;
	[tilespmem:$0x18100] =	vst v63  }
0x35: {  	_ =	swait.ge [sflag:s14], $0x80  }
0x36: {  	[sflag:s14] =	ssyncset.done $0x0  }
0x37: {  	s20 =	simm.s32 $0x20;
	[sflag:s14] =	ssyncadd.s32 $0xFFFFFF80  }
.LBB2_2:
0x38: {  	[spmem:s2] =	stream.indirect.scatter.add.f32 [tilespmem:s15], [sflag:$0x2], $0x80, s16, s16, $0xb8;
	[tilespmem:$0x18100] =	vst v63  }
0x39: {  	s21 =	smov.u32 s20  }
0x3a: {  	p0 =	sne.s32 s20, $0x4C0;
	s20 =	sadd.s32 $0x20, s20;
	_ =	swait.ge [sflag:s17], $0x4000  }
0x3b: {  	[sflag:s17] =	ssyncset.done $0x0  }
0x3c: {  	s22 =	sadd.s32 s21, s12;
	[sflag:s17] =	ssyncadd.s32 $0xFFFFC000  }
0x3d: {  	[tilespmem:s3], [sflag:$0x3] =	stream.linear.gather [hbm4b:s22+s3], $0x80, $0x38;
	[tilespmem:$0x18100] =	vst v63  }
0x3e: {  	_ =	swait.ge [sflag:s14], $0x80  }
0x3f: {  	[sflag:s14] =	ssyncset.done $0x0  }
0x40: {  	[sflag:s14] =	ssyncadd.s32 $0xFFFFFF80  }
0x41: {  	[spmem:s2] =	stream.indirect.scatter.add.f32 [tilespmem:s15], [sflag:$0x1], $0x80, s3, s16, $0xb8;
	[tilespmem:$0x18100] =	vst v63  }
0x42: {  	_ =	swait.ge [sflag:s18], $0x4000  }
0x43: {  	[sflag:s18] =	ssyncset.done $0x0  }
.Ltmp0:
0x44: {  	s21 =	sadd.s32 s21, s11;
	[sflag:s18] =	ssyncadd.s32 $0xFFFFC000;
	(pc) =	sbr.rel @p0 .LBB2_2-.Ltmp0, $4  }
0x45: {  	[tilespmem:s16], [sflag:$0x3] =	stream.linear.gather [hbm4b:s21+s3], $0x80, $0x38;
	[tilespmem:$0x18100] =	vst v63  }
0x46: {  	_ =	swait.ge [sflag:s14], $0x80  }
0x47: {  	[sflag:s14] =	ssyncset.done $0x0  }
0x48: {  	[sflag:s14] =	ssyncadd.s32 $0xFFFFFF80  }
0x49: {  	[spmem:s2] =	stream.indirect.scatter.add.f32 [tilespmem:s15], [sflag:$0x2], $0x80, s16, s16, $0xb8;
	[tilespmem:$0x18100] =	vst v63  }
0x4a: {  	_ =	swait.ge [sflag:s17], $0x4000  }
0x4b: {  	[sflag:s17] =	ssyncset.done $0x0  }
0x4c: {  	[sflag:s17] =	ssyncadd.s32 $0xFFFFC000  }
0x4d: {  	_ =	swait.ge [sflag:s18], $0x4000  }
0x4e: {  	s19 =	sadd.s32 $0x1, s19;
	[sflag:s18] =	ssyncset.done $0x0  }
0x4f: {  	p0 =	sne.s32 s19, s10;
	[sflag:s18] =	ssyncadd.s32 $0xFFFFC000  }
.Ltmp1:
0x50: {  	[bflag:$0x0] =	sbarrier.arrive $0xFFFF;
	(pc) =	sbr.rel @p0 .LBB2_1-.Ltmp1, $4  }
0x51: {  	[hbm:s9], [sflag:s7] =	dma.local [spmem:s13], $0x2800  }
0x52: {  	_ =	swait.ge [sflag:s14], $0x2800  }
0x53: {  	[sflag:s14] =	ssyncset.done $0x0  }
0x54: {  	[sflag:s14] =	ssyncadd.s32 $0xFFFFD800  }
0x55: {  	_ =	sfence.sel $0x180000  }
0x56: {  	[bflag:$0x0] =	sbarrier.arrive $0xFFFF  }
0x57: {  	p0 =	sne.s32 s1, $0x0;
	_ =	strace $0x90000047  }
0x58: {  	s0 =	sadd.s32 @!p0 $0x100000, s0;
	[bflag:$0x2] =	sbarrier.arrive $0xFFFF  }
0x59: {  	[sflag:s0] =	ssyncadd.tile.s32 @!p0 $0x1;
	_ =	shalt  }
.Lfunc_end2:
_tile_overlayer_lowered:
.L_overlay_start_2:
0x5a: {  	(tag) =	ssettag $0x2  }
0x5b: {  	s0 =	rddreg [dreg:$0x0];
	s2 =	stileid.u32  }
0x5c: {  	s1 =	rddreg [dreg:$0x1];
	p0 =	sne.s32 s2, $0x0  }
0x5d: {  	s3 =	rddreg [dreg:$0x2];
	[bflag:$0x3] =	sbarrier.arrive $0xFFFF;
	s2 =	simm.s32 @!p0 $0x1C03  }
0x5e: {  	[timem:s3], [sflag:s2] =	dma.local @!p0 [hbm:s0], s1  }
0x5f: {  	s0 =	simm.s32 @!p0 $0x3  }
0x60: {  	_ =	swait.ge @!p0 [sflag:s0], s1  }
0x61: {  	s1 =	ssub.s32 @!p0 $0x0, s1;
	[sflag:s0] =	ssyncset.done @!p0 $0x0  }
0x62: {  	[sflag:s0] =	ssyncadd.s32 @!p0 s1  }
0x63: {  	[bflag:$0x3] =	sbarrier.arrive $0xFFFF  }
0x64: {  	_ =	shalt  }

</sc_bundles>
